<compile_context>
chip_gen: v7x
topology: tpu7x:2x2x1
jax: 0.10.2.dev20260603
libtpu: 0.0.44.dev20260713+nightly
codegen_flags: <defaults>
</compile_context>

<pallas_src>
import functools

import jax
import jax.numpy as jnp
from jax import lax
from jax.experimental import pallas as pl
from jax.experimental.pallas import tpu as pltpu
from jax.experimental.pallas import tpu_sc as plsc

_N = 10000
_E = 320000
_HP = 128
_B = 80
_KB = 25
_G = 5
_EPT = _E // 32
_NW = 32
_NP = 10112
_RPT = _NP // 16
_F32 = jnp.float32


def _sc_agg_body(h_hbm, ea_hbm, src_hbm, dst_hbm, out_hbm,
                 srcb, dstb, rows0, rows1, ea0, ea1,
                 sg0, sg1, se0, se1, agg):
    c = lax.axis_index("c")
    s = lax.axis_index("s")
    w = s * 2 + c
    rows = (rows0, rows1)
    eab = (ea0, ea1)
    sg = (sg0, sg1)
    se = (se0, se1)

    @pl.loop(0, _B)
    def _zero(r):
        for j in range(_HP // 16):
            rows0[r, pl.ds(j * 16, 16)] = jnp.zeros((16,), _F32)

    stripe = s * _RPT
    for i in range(7):
        pltpu.sync_copy(rows0, agg.at[pl.ds(stripe + i * _B, _B)])
    pltpu.sync_copy(rows0.at[pl.ds(0, _RPT - 7 * _B)],
                    agg.at[pl.ds(stripe + 7 * _B, _RPT - 7 * _B)])
    plsc.subcore_barrier()

    ebase_w = w * _EPT

    @pl.loop(0, _G)
    def _grp(g):
        pltpu.sync_copy(src_hbm.at[w, g], srcb)
        pltpu.sync_copy(dst_hbm.at[w, g], dstb)
        gbase = ebase_w + g * (_KB * _B)

        def issue(k, b):
            pltpu.async_copy(h_hbm.at[srcb.at[k]], rows[b], sg[b])
            pltpu.async_copy(ea_hbm.at[pl.ds(gbase + k * _B, _B)],
                             eab[b], se[b])

        def step(k, b):
            pltpu.make_async_copy(h_hbm.at[srcb.at[k]], rows[b], sg[b]).wait()
            pltpu.make_async_copy(ea_hbm.at[pl.ds(gbase + k * _B, _B)],
                                  eab[b], se[b]).wait()

            @pl.loop(0, _B)
            def _row(r):
                for j in range(_HP // 16):
                    sl = pl.ds(j * 16, 16)
                    rows[b][r, sl] = jnp.maximum(
                        rows[b][r, sl] + eab[b][r, sl], 0.0)

            pltpu.sync_copy(rows[b], agg.at[dstb.at[k]], add=True)

        issue(0, 0)
        issue(1, 1)

        @pl.loop(0, (_KB - 1) // 2)
        def _pair(kk):
            k0 = kk * 2
            step(k0, 0)
            issue(k0 + 2, 0)
            k1 = k0 + 1
            step(k1, 1)

            @pl.when(k1 + 2 < _KB)
            def _():
                issue(k1 + 2, 1)

        step(_KB - 1, 0)

    plsc.subcore_barrier()

    for i in range(4):
        off = stripe + i * 128
        pltpu.sync_copy(agg.at[pl.ds(off, 128)],
                        out_hbm.at[pl.ds(c * _NP + off, 128)])
    off = stripe + 512
    pltpu.sync_copy(agg.at[pl.ds(off, _RPT - 512)],
                    out_hbm.at[pl.ds(c * _NP + off, _RPT - 512)])


@functools.cache
def _make_sc_agg():
  return pl.kernel(
    _sc_agg_body,
    out_type=jax.ShapeDtypeStruct((2 * _NP, _HP), _F32),
    mesh=plsc.VectorSubcoreMesh(core_axis_name="c", subcore_axis_name="s",
                                num_cores=2, num_subcores=16),
    scratch_types=[
        pltpu.VMEM((_KB, _B), jnp.int32),
        pltpu.VMEM((_KB, _B), jnp.int32),
        pltpu.VMEM((_B, _HP), _F32),
        pltpu.VMEM((_B, _HP), _F32),
        pltpu.VMEM((_B, _HP), _F32),
        pltpu.VMEM((_B, _HP), _F32),
        pltpu.SemaphoreType.DMA,
        pltpu.SemaphoreType.DMA,
        pltpu.SemaphoreType.DMA,
        pltpu.SemaphoreType.DMA,
        pltpu.VMEM_SHARED((_NP, _HP), _F32),
    ],
  )


def _mm_bias_body(a_ref, w_ref, b_ref, o_ref):
    o_ref[...] = jnp.dot(a_ref[...], w_ref[...],
                         preferred_element_type=_F32) + b_ref[...]


def _mm_bias(a, w, b, rb):
    m, k = a.shape
    hc = w.shape[1]
    return pl.pallas_call(
        _mm_bias_body,
        grid=(m // rb,),
        in_specs=[pl.BlockSpec((rb, k), lambda i: (i, 0)),
                  pl.BlockSpec((k, hc), lambda i: (0, 0)),
                  pl.BlockSpec((1, hc), lambda i: (0, 0))],
        out_specs=pl.BlockSpec((rb, hc), lambda i: (i, 0)),
        out_shape=jax.ShapeDtypeStruct((m, hc), _F32),
    )(a, w, b)


def _node_update_body(h_ref, p0_ref, p1_ref, w1_ref, b1_ref, w2_ref, b2_ref,
                      gam_ref, bet_ref, mea_ref, var_ref, o_ref):
    h = h_ref[...]
    z = h + p0_ref[...] + p1_ref[...]
    z = jnp.maximum(jnp.dot(z, w1_ref[...], preferred_element_type=_F32)
                    + b1_ref[...], 0.0)
    z = jnp.dot(z, w2_ref[...], preferred_element_type=_F32) + b2_ref[...]
    scale = gam_ref[...] * lax.rsqrt(var_ref[...] + 1e-5)
    z = (z - mea_ref[...]) * scale + bet_ref[...]
    o_ref[...] = (h + jnp.maximum(z, 0.0)) * 0.5


def _node_update(h, p0, p1, w1, b1, w2, b2, gam, bet, mea, var):
    rb = 1000
    vec = pl.BlockSpec((1, _HP), lambda i: (0, 0))
    return pl.pallas_call(
        _node_update_body,
        grid=(_N // rb,),
        in_specs=[pl.BlockSpec((rb, _HP), lambda i: (i, 0)),
                  pl.BlockSpec((rb, _HP), lambda i: (i, 0)),
                  pl.BlockSpec((rb, _HP), lambda i: (i, 0)),
                  pl.BlockSpec((_HP, _HP), lambda i: (0, 0)), vec,
                  pl.BlockSpec((_HP, _HP), lambda i: (0, 0)), vec,
                  vec, vec, vec, vec],
        out_specs=pl.BlockSpec((rb, _HP), lambda i: (i, 0)),
        out_shape=jax.ShapeDtypeStruct((_N, _HP), _F32),
    )(h, p0, p1, w1, b1, w2, b2, gam, bet, mea, var)


def _node_head_body(h_ref, p0_ref, p1_ref, w1_ref, b1_ref, w2_ref, b2_ref,
                    gam_ref, bet_ref, mea_ref, var_ref,
                    hw1_ref, hb1_ref, hw2_ref, hb2_ref, hw3_ref, hb3_ref,
                    o_ref):
    h = h_ref[...]
    z = h + p0_ref[...] + p1_ref[...]
    z = jnp.maximum(jnp.dot(z, w1_ref[...], preferred_element_type=_F32)
                    + b1_ref[...], 0.0)
    z = jnp.dot(z, w2_ref[...], preferred_element_type=_F32) + b2_ref[...]
    scale = gam_ref[...] * lax.rsqrt(var_ref[...] + 1e-5)
    z = (z - mea_ref[...]) * scale + bet_ref[...]
    hn = (h + jnp.maximum(z, 0.0)) * 0.5
    z = jnp.maximum(jnp.dot(hn, hw1_ref[...],
                            preferred_element_type=_F32) + hb1_ref[...], 0.0)
    z = jnp.maximum(jnp.dot(z, hw2_ref[...],
                            preferred_element_type=_F32) + hb2_ref[...], 0.0)
    o_ref[...] = jnp.dot(z, hw3_ref[...],
                         preferred_element_type=_F32) + hb3_ref[...]


def _node_head(h, p0, p1, w1, b1, w2, b2, gam, bet, mea, var,
               hw1, hb1, hw2, hb2, hw3, hb3):
    rb = 1000
    vec = pl.BlockSpec((1, _HP), lambda i: (0, 0))
    vec8 = pl.BlockSpec((1, 128), lambda i: (0, 0))
    mat = pl.BlockSpec((_HP, _HP), lambda i: (0, 0))
    mat8 = pl.BlockSpec((128, 128), lambda i: (0, 0))
    return pl.pallas_call(
        _node_head_body,
        grid=(_N // rb,),
        in_specs=[pl.BlockSpec((rb, _HP), lambda i: (i, 0)),
                  pl.BlockSpec((rb, _HP), lambda i: (i, 0)),
                  pl.BlockSpec((rb, _HP), lambda i: (i, 0)),
                  mat, vec, mat, vec, vec, vec, vec, vec,
                  pl.BlockSpec((_HP, 128), lambda i: (0, 0)), vec8,
                  mat8, vec8, mat8, vec8],
        out_specs=pl.BlockSpec((rb, 128), lambda i: (i, 0)),
        out_shape=jax.ShapeDtypeStruct((_N, 128), _F32),
    )(h, p0, p1, w1, b1, w2, b2, gam, bet, mea, var,
      hw1, hb1, hw2, hb2, hw3, hb3)


def _head_body(h_ref, w1_ref, b1_ref, w2_ref, b2_ref, w3_ref, b3_ref, o_ref):
    z = jnp.maximum(jnp.dot(h_ref[...], w1_ref[...],
                            preferred_element_type=_F32) + b1_ref[...], 0.0)
    z = jnp.maximum(jnp.dot(z, w2_ref[...],
                            preferred_element_type=_F32) + b2_ref[...], 0.0)
    o_ref[...] = jnp.dot(z, w3_ref[...],
                         preferred_element_type=_F32) + b3_ref[...]


def _head(h, w1, b1, w2, b2, w3, b3):
    rb = 1000
    vec = pl.BlockSpec((1, 128), lambda i: (0, 0))
    return pl.pallas_call(
        _head_body,
        grid=(_N // rb,),
        in_specs=[pl.BlockSpec((rb, _HP), lambda i: (i, 0)),
                  pl.BlockSpec((_HP, 128), lambda i: (0, 0)), vec,
                  pl.BlockSpec((128, 128), lambda i: (0, 0)), vec,
                  pl.BlockSpec((128, 128), lambda i: (0, 0)), vec],
        out_specs=pl.BlockSpec((rb, 128), lambda i: (i, 0)),
        out_shape=jax.ShapeDtypeStruct((_N, 128), _F32),
    )(h, w1, b1, w2, b2, w3, b3)


def _pad_cols(a, w, value=0.0):
    return jnp.pad(a, [(0, 0)] * (a.ndim - 1) + [(0, w - a.shape[-1])],
                   constant_values=value)


def kernel(x, edge_index, edge_attr, Wn, bn_, We, be, conv_W1, conv_b1,
           conv_W2, conv_b2, bn_gamma, bn_beta, bn_mean, bn_var,
           mW1, mb1, mW2, mb2, mW3, mb3):
    src = edge_index[0].reshape(_NW, _G, _KB, _B)
    dst = edge_index[1].reshape(_NW, _G, _KB, _B)

    wn = _pad_cols(Wn, _HP)
    bn = _pad_cols(bn_.reshape(1, -1), _HP)
    we = _pad_cols(We, _HP)
    beb = _pad_cols(be.reshape(1, -1), _HP)
    w1 = _pad_cols(jnp.pad(conv_W1, ((0, 0), (0, _HP - 100), (0, 0))), _HP)
    b1 = _pad_cols(conv_b1, _HP)
    w2 = _pad_cols(jnp.pad(conv_W2, ((0, 0), (0, _HP - 100), (0, 0))), _HP)
    b2 = _pad_cols(conv_b2, _HP)
    gam = _pad_cols(bn_gamma, _HP)
    bet = _pad_cols(bn_beta, _HP)
    mea = _pad_cols(bn_mean, _HP)
    var = _pad_cols(bn_var, _HP, value=1.0)
    hw1 = _pad_cols(jnp.pad(mW1, ((0, _HP - 100), (0, 0))), 128)
    hb1 = _pad_cols(mb1.reshape(1, -1), 128)
    hw2 = _pad_cols(jnp.pad(mW2, ((0, 128 - 50), (0, 0))), 128)
    hb2 = _pad_cols(mb2.reshape(1, -1), 128)
    hw3 = _pad_cols(jnp.pad(mW3, ((0, 128 - 25), (0, 0))), 128)
    hb3 = _pad_cols(mb3.reshape(1, -1), 128)

    h = _mm_bias(x, wn, bn, rb=1000)
    ea = _mm_bias(edge_attr, we, beb, rb=2000)

    parts = _make_sc_agg()(h, ea, src, dst)
    h = _node_update(h, parts[:_N], parts[_NP:_NP + _N],
                     w1[0], b1[0:1], w2[0], b2[0:1],
                     gam[0:1], bet[0:1], mea[0:1], var[0:1])
    parts = _make_sc_agg()(h, ea, src, dst)
    out = _node_head(h, parts[:_N], parts[_NP:_NP + _N],
                     w1[1], b1[1:2], w2[1], b2[1:2],
                     gam[1:2], bet[1:2], mea[1:2], var[1:2],
                     hw1, hb1, hw2, hb2, hw3, hb3)
    return out[:, :2]

# --- scband reference (transcript-rebuilt; emitter-appended) ---
"""Pipeline reference for scband-node-gine-24850680775301 (READ-ONLY COPY).

The authoritative reference and input builder live on the scoring server;
editing this copy changes nothing except your own understanding.
"""

import jax, jax.numpy as jnp
import numpy as np

N = 10000
E = 320000
DF = 128
DE = 16
H = 100
L = 2
NC = 2


def setup_inputs(seed: int = 0) -> dict:
    key = jax.random.key(seed)
    ks = jax.random.split(key, 16)
    s = 0.05
    inp = {}
    inp['x'] = jax.random.normal(ks[0], (N, DF), dtype=jnp.float32)
    inp['edge_index'] = jax.random.randint(ks[1], (2, E), 0, N, dtype=jnp.int32)
    inp['edge_attr'] = jax.random.normal(ks[2], (E, DE), dtype=jnp.float32)
    inp['Wn'] = jax.random.normal(ks[3], (DF, H), dtype=jnp.float32) * s
    inp['bn_'] = jnp.zeros((H,), dtype=jnp.float32)
    inp['We'] = jax.random.normal(ks[4], (DE, H), dtype=jnp.float32) * s
    inp['be'] = jnp.zeros((H,), dtype=jnp.float32)
    inp['conv_W1'] = jax.random.normal(ks[5], (L, H, H), dtype=jnp.float32) * s
    inp['conv_b1'] = jnp.zeros((L, H), dtype=jnp.float32)
    inp['conv_W2'] = jax.random.normal(ks[6], (L, H, H), dtype=jnp.float32) * s
    inp['conv_b2'] = jnp.zeros((L, H), dtype=jnp.float32)
    inp['bn_gamma'] = jnp.ones((L, H), dtype=jnp.float32)
    inp['bn_beta'] = jnp.zeros((L, H), dtype=jnp.float32)
    inp['bn_mean'] = jnp.zeros((L, H), dtype=jnp.float32)
    inp['bn_var'] = jnp.ones((L, H), dtype=jnp.float32)
    inp['mW1'] = jax.random.normal(ks[7], (H, 50), dtype=jnp.float32) * s
    inp['mb1'] = jnp.zeros((50,), dtype=jnp.float32)
    inp['mW2'] = jax.random.normal(ks[8], (50, 25), dtype=jnp.float32) * s
    inp['mb2'] = jnp.zeros((25,), dtype=jnp.float32)
    inp['mW3'] = jax.random.normal(ks[9], (25, NC), dtype=jnp.float32) * s
    inp['mb3'] = jnp.zeros((NC,), dtype=jnp.float32)
    return inp


def reference(x, edge_index, edge_attr, Wn, bn_, We, be, conv_W1, conv_b1, conv_W2, conv_b2, bn_gamma, bn_beta, bn_mean, bn_var, mW1, mb1, mW2, mb2, mW3, mb3):
    src = edge_index[0]
    dst = edge_index[1]
    h = x @ Wn + bn_
    ea = edge_attr @ We + be
    for i in range(L):
        # GINEConv: message = relu(x_src + edge_attr), sum-aggregated at dst
        msg = jax.nn.relu(h[src] + ea)
        agg = jax.ops.segment_sum(msg, dst, num_segments=N)
        z = h + agg  # (1 + eps) * x with eps = 0
        z = jax.nn.relu(z @ conv_W1[i] + conv_b1[i]) @ conv_W2[i] + conv_b2[i]
        # BatchNorm (eval mode: running stats)
        z = (z - bn_mean[i]) / jnp.sqrt(bn_var[i] + 1e-5) * bn_gamma[i] + bn_beta[i]
        h = (h + jax.nn.relu(z)) / 2.0
    # MLP head (dropout = identity in eval)
    out = jax.nn.relu(h @ mW1 + mb1)
    out = jax.nn.relu(out @ mW2 + mb2)
    out = out @ mW3 + mb3
    return out

if __name__ == "__main__":
    import jax
    _d = setup_inputs()
    print(jax.jit(kernel)(*tuple(_d.values())))

</pallas_src>

<mosaic_0001>
#map = affine_map<(d0, d1) -> (0, 0)>
#map1 = affine_map<(d0, d1) -> (0, 0, 0, 0)>
module attributes {stable_mosaic.version = 14 : i64} {
  func.func @_sc_agg_body(%arg0: i32, %arg1: i32, %arg2: memref<10000x128xf32, #tpu.memory_space<hbm>>, %arg3: memref<320000x128xf32, #tpu.memory_space<hbm>>, %arg4: memref<32x5x25x80xi32, #tpu.memory_space<hbm>>, %arg5: memref<32x5x25x80xi32, #tpu.memory_space<hbm>>, %arg6: memref<20224x128xf32, #tpu.memory_space<hbm>>, %arg7: memref<25x80xi32, #tpu.memory_space<vmem>>, %arg8: memref<25x80xi32, #tpu.memory_space<vmem>>, %arg9: memref<80x128xf32, #tpu.memory_space<vmem>>, %arg10: memref<80x128xf32, #tpu.memory_space<vmem>>, %arg11: memref<80x128xf32, #tpu.memory_space<vmem>>, %arg12: memref<80x128xf32, #tpu.memory_space<vmem>>, %arg13: memref<!tpu.dma_semaphore, #tpu.memory_space<semaphore_mem>>, %arg14: memref<!tpu.dma_semaphore, #tpu.memory_space<semaphore_mem>>, %arg15: memref<!tpu.dma_semaphore, #tpu.memory_space<semaphore_mem>>, %arg16: memref<!tpu.dma_semaphore, #tpu.memory_space<semaphore_mem>>, %arg17: memref<10112x128xf32, #tpu.memory_space<vmem_shared>>) attributes {dimension_semantics = [#tpu.dimension_semantics<core_parallel>, #tpu.dimension_semantics<subcore_parallel>], iteration_bounds = array<i64: 2, 16>, scalar_prefetch = 0 : i64, scratch_operands = 11 : i64, tpu.core_type = #tpu.core_type<sc_vector_subcore>, window_params = [{transform_indices = #map}, {transform_indices = #map}, {transform_indices = #map1}, {transform_indices = #map1}, {transform_indices = #map}]} {
    %mul3A = arith.constant 2 : i32
    %mul3A_0 = arith.muli %arg1, %mul3A : i32
    %add3A = arith.addi %mul3A_0, %arg0 : i32
    %scan3A = arith.constant 0 : i32
    %scan3A_1 = arith.constant 80 : i32
    %scan3A_2 = arith.addi %scan3A, %scan3A_1 : i32
    %scan3A_3 = arith.constant 1 : i32
    scf.for %scan3A_56 = %scan3A to %scan3A_2 step %scan3A_3  : i32 {
      %mul3A_57 = arith.constant 1 : i32
      %mul3A_58 = arith.muli %scan3A_56, %mul3A_57 : i32
      %add3A_59 = arith.constant 0 : i32
      %add3A_60 = arith.addi %add3A_59, %mul3A_58 : i32
      %broadcast_in_dim3A = arith.constant 0.000000e+00 : f32
      %broadcast_in_dim3A_61 = vector.broadcast %broadcast_in_dim3A : f32 to vector<16xf32>
      %swap3A = arith.index_cast %add3A_60 : i32 to index
      %swap3A_62 = arith.constant 0 : index
      %swap3A_63 = tpu.vector_load %arg9[%swap3A, %swap3A_62] {strides = array<i32>} : memref<80x128xf32, #tpu.memory_space<vmem>>, vector<1x16xf32>,
      %swap3A_64 = vector.shape_cast %swap3A_63 : vector<1x16xf32> to vector<16xf32>
      %swap3A_65 = vector.shape_cast %broadcast_in_dim3A_61 : vector<16xf32> to vector<1x16xf32>
      tpu.vector_store %arg9[%swap3A, %swap3A_62], %swap3A_65 {strides = array<i32>} : memref<80x128xf32, #tpu.memory_space<vmem>>, vector<1x16xf32>,
      %broadcast_in_dim3A_66 = arith.constant 0.000000e+00 : f32
      %broadcast_in_dim3A_67 = vector.broadcast %broadcast_in_dim3A_66 : f32 to vector<16xf32>
      %swap3A_68 = arith.index_cast %add3A_60 : i32 to index
      %swap3A_69 = arith.constant 16 : index
      %swap3A_70 = tpu.vector_load %arg9[%swap3A_68, %swap3A_69] {strides = array<i32>} : memref<80x128xf32, #tpu.memory_space<vmem>>, vector<1x16xf32>,
      %swap3A_71 = vector.shape_cast %swap3A_70 : vector<1x16xf32> to vector<16xf32>
      %swap3A_72 = vector.shape_cast %broadcast_in_dim3A_67 : vector<16xf32> to vector<1x16xf32>
      tpu.vector_store %arg9[%swap3A_68, %swap3A_69], %swap3A_72 {strides = array<i32>} : memref<80x128xf32, #tpu.memory_space<vmem>>, vector<1x16xf32>,
      %broadcast_in_dim3A_73 = arith.constant 0.000000e+00 : f32
      %broadcast_in_dim3A_74 = vector.broadcast %broadcast_in_dim3A_73 : f32 to vector<16xf32>
      %swap3A_75 = arith.index_cast %add3A_60 : i32 to index
      %swap3A_76 = arith.constant 32 : index
      %swap3A_77 = tpu.vector_load %arg9[%swap3A_75, %swap3A_76] {strides = array<i32>} : memref<80x128xf32, #tpu.memory_space<vmem>>, vector<1x16xf32>,
      %swap3A_78 = vector.shape_cast %swap3A_77 : vector<1x16xf32> to vector<16xf32>
      %swap3A_79 = vector.shape_cast %broadcast_in_dim3A_74 : vector<16xf32> to vector<1x16xf32>
      tpu.vector_store %arg9[%swap3A_75, %swap3A_76], %swap3A_79 {strides = array<i32>} : memref<80x128xf32, #tpu.memory_space<vmem>>, vector<1x16xf32>,
      %broadcast_in_dim3A_80 = arith.constant 0.000000e+00 : f32
      %broadcast_in_dim3A_81 = vector.broadcast %broadcast_in_dim3A_80 : f32 to vector<16xf32>
      %swap3A_82 = arith.index_cast %add3A_60 : i32 to index
      %swap3A_83 = arith.constant 48 : index
      %swap3A_84 = tpu.vector_load %arg9[%swap3A_82, %swap3A_83] {strides = array<i32>} : memref<80x128xf32, #tpu.memory_space<vmem>>, vector<1x16xf32>,
      %swap3A_85 = vector.shape_cast %swap3A_84 : vector<1x16xf32> to vector<16xf32>
      %swap3A_86 = vector.shape_cast %broadcast_in_dim3A_81 : vector<16xf32> to vector<1x16xf32>
      tpu.vector_store %arg9[%swap3A_82, %swap3A_83], %swap3A_86 {strides = array<i32>} : memref<80x128xf32, #tpu.memory_space<vmem>>, vector<1x16xf32>,
      %broadcast_in_dim3A_87 = arith.constant 0.000000e+00 : f32
      %broadcast_in_dim3A_88 = vector.broadcast %broadcast_in_dim3A_87 : f32 to vector<16xf32>
      %swap3A_89 = arith.index_cast %add3A_60 : i32 to index
      %swap3A_90 = arith.constant 64 : index
      %swap3A_91 = tpu.vector_load %arg9[%swap3A_89, %swap3A_90] {strides = array<i32>} : memref<80x128xf32, #tpu.memory_space<vmem>>, vector<1x16xf32>,
      %swap3A_92 = vector.shape_cast %swap3A_91 : vector<1x16xf32> to vector<16xf32>
      %swap3A_93 = vector.shape_cast %broadcast_in_dim3A_88 : vector<16xf32> to vector<1x16xf32>
      tpu.vector_store %arg9[%swap3A_89, %swap3A_90], %swap3A_93 {strides = array<i32>} : memref<80x128xf32, #tpu.memory_space<vmem>>, vector<1x16xf32>,
      %broadcast_in_dim3A_94 = arith.constant 0.000000e+00 : f32
      %broadcast_in_dim3A_95 = vector.broadcast %broadcast_in_dim3A_94 : f32 to vector<16xf32>
      %swap3A_96 = arith.index_cast %add3A_60 : i32 to index
      %swap3A_97 = arith.constant 80 : index
      %swap3A_98 = tpu.vector_load %arg9[%swap3A_96, %swap3A_97] {strides = array<i32>} : memref<80x128xf32, #tpu.memory_space<vmem>>, vector<1x16xf32>,
      %swap3A_99 = vector.shape_cast %swap3A_98 : vector<1x16xf32> to vector<16xf32>
      %swap3A_100 = vector.shape_cast %broadcast_in_dim3A_95 : vector<16xf32> to vector<1x16xf32>
      tpu.vector_store %arg9[%swap3A_96, %swap3A_97], %swap3A_100 {strides = array<i32>} : memref<80x128xf32, #tpu.memory_space<vmem>>, vector<1x16xf32>,
      %broadcast_in_dim3A_101 = arith.constant 0.000000e+00 : f32
      %broadcast_in_dim3A_102 = vector.broadcast %broadcast_in_dim3A_101 : f32 to vector<16xf32>
      %swap3A_103 = arith.index_cast %add3A_60 : i32 to index
      %swap3A_104 = arith.constant 96 : index
      %swap3A_105 = tpu.vector_load %arg9[%swap3A_103, %swap3A_104] {strides = array<i32>} : memref<80x128xf32, #tpu.memory_space<vmem>>, vector<1x16xf32>,
      %swap3A_106 = vector.shape_cast %swap3A_105 : vector<1x16xf32> to vector<16xf32>
      %swap3A_107 = vector.shape_cast %broadcast_in_dim3A_102 : vector<16xf32> to vector<1x16xf32>
      tpu.vector_store %arg9[%swap3A_103, %swap3A_104], %swap3A_107 {strides = array<i32>} : memref<80x128xf32, #tpu.memory_space<vmem>>, vector<1x16xf32>,
      %broadcast_in_dim3A_108 = arith.constant 0.000000e+00 : f32
      %broadcast_in_dim3A_109 = vector.broadcast %broadcast_in_dim3A_108 : f32 to vector<16xf32>
      %swap3A_110 = arith.index_cast %add3A_60 : i32 to index
      %swap3A_111 = arith.constant 112 : index
      %swap3A_112 = tpu.vector_load %arg9[%swap3A_110, %swap3A_111] {strides = array<i32>} : memref<80x128xf32, #tpu.memory_space<vmem>>, vector<1x16xf32>,
      %swap3A_113 = vector.shape_cast %swap3A_112 : vector<1x16xf32> to vector<16xf32>
      %swap3A_114 = vector.shape_cast %broadcast_in_dim3A_109 : vector<16xf32> to vector<1x16xf32>
      tpu.vector_store %arg9[%swap3A_110, %swap3A_111], %swap3A_114 {strides = array<i32>} : memref<80x128xf32, #tpu.memory_space<vmem>>, vector<1x16xf32>,
    }
    %scan3A_4 = arith.constant 80 : i32
    %mul3A_5 = arith.constant 632 : i32
    %mul3A_6 = arith.muli %arg1, %mul3A_5 : i32
    %add3A_7 = arith.constant 0 : i32
    %add3A_8 = arith.addi %mul3A_6, %add3A_7 : i32
    "tpu.region"() ({
      %run_scoped3A = tpu.sem_alloc : memref<!tpu.dma_semaphore, #tpu.memory_space<semaphore_mem>>
      %dma_start3A = arith.constant 0 : i32
      %dma_start3A_56 = tpu.memref_slice %arg17[%add3A_8, %dma_start3A] : memref<10112x128xf32, #tpu.memory_space<vmem_shared>> -> memref<80x128xf32, #tpu.memory_space<vmem_shared>>
      %dma_start3A_57 = arith.constant 0 : i32
      %dma_start3A_58 = tpu.memref_slice %arg17[%add3A_8, %dma_start3A_57] : memref<10112x128xf32, #tpu.memory_space<vmem_shared>> -> memref<80x128xf32, #tpu.memory_space<vmem_shared>>
      tpu.enqueue_dma source(%arg9 : memref<80x128xf32, #tpu.memory_space<vmem>>) target(%dma_start3A_58 : memref<80x128xf32, #tpu.memory_space<vmem_shared>>) target_semaphore(%run_scoped3A : memref<!tpu.dma_semaphore, #tpu.memory_space<semaphore_mem>>)
      %dma_wait3A = arith.constant 0 : i32
      %dma_wait3A_59 = tpu.memref_slice %arg17[%add3A_8, %dma_wait3A] : memref<10112x128xf32, #tpu.memory_space<vmem_shared>> -> memref<80x128xf32, #tpu.memory_space<vmem_shared>>
      %dma_wait3A_60 = arith.constant 0 : i32
      %dma_wait3A_61 = tpu.memref_slice %arg17[%add3A_8, %dma_wait3A_60] : memref<10112x128xf32, #tpu.memory_space<vmem_shared>> -> memref<80x128xf32, #tpu.memory_space<vmem_shared>>
      tpu.wait_dma2 semaphore(%run_scoped3A : memref<!tpu.dma_semaphore, #tpu.memory_space<semaphore_mem>>) src(%arg9 : memref<80x128xf32, #tpu.memory_space<vmem>>) dst(%dma_wait3A_61 : memref<80x128xf32, #tpu.memory_space<vmem_shared>>)
      tpu.yield
    }) : () -> ()
    %add3A_9 = arith.constant 80 : i32
    %add3A_10 = arith.addi %mul3A_6, %add3A_9 : i32
    "tpu.region"() ({
      %run_scoped3A = tpu.sem_alloc : memref<!tpu.dma_semaphore, #tpu.memory_space<semaphore_mem>>
      %dma_start3A = arith.constant 0 : i32
      %dma_start3A_56 = tpu.memref_slice %arg17[%add3A_10, %dma_start3A] : memref<10112x128xf32, #tpu.memory_space<vmem_shared>> -> memref<80x128xf32, #tpu.memory_space<vmem_shared>>
      %dma_start3A_57 = arith.constant 0 : i32
      %dma_start3A_58 = tpu.memref_slice %arg17[%add3A_10, %dma_start3A_57] : memref<10112x128xf32, #tpu.memory_space<vmem_shared>> -> memref<80x128xf32, #tpu.memory_space<vmem_shared>>
      tpu.enqueue_dma source(%arg9 : memref<80x128xf32, #tpu.memory_space<vmem>>) target(%dma_start3A_58 : memref<80x128xf32, #tpu.memory_space<vmem_shared>>) target_semaphore(%run_scoped3A : memref<!tpu.dma_semaphore, #tpu.memory_space<semaphore_mem>>)
      %dma_wait3A = arith.constant 0 : i32
      %dma_wait3A_59 = tpu.memref_slice %arg17[%add3A_10, %dma_wait3A] : memref<10112x128xf32, #tpu.memory_space<vmem_shared>> -> memref<80x128xf32, #tpu.memory_space<vmem_shared>>
      %dma_wait3A_60 = arith.constant 0 : i32
      %dma_wait3A_61 = tpu.memref_slice %arg17[%add3A_10, %dma_wait3A_60] : memref<10112x128xf32, #tpu.memory_space<vmem_shared>> -> memref<80x128xf32, #tpu.memory_space<vmem_shared>>
      tpu.wait_dma2 semaphore(%run_scoped3A : memref<!tpu.dma_semaphore, #tpu.memory_space<semaphore_mem>>) src(%arg9 : memref<80x128xf32, #tpu.memory_space<vmem>>) dst(%dma_wait3A_61 : memref<80x128xf32, #tpu.memory_space<vmem_shared>>)
      tpu.yield
    }) : () -> ()
    %add3A_11 = arith.constant 160 : i32
    %add3A_12 = arith.addi %mul3A_6, %add3A_11 : i32
    "tpu.region"() ({
      %run_scoped3A = tpu.sem_alloc : memref<!tpu.dma_semaphore, #tpu.memory_space<semaphore_mem>>
      %dma_start3A = arith.constant 0 : i32
      %dma_start3A_56 = tpu.memref_slice %arg17[%add3A_12, %dma_start3A] : memref<10112x128xf32, #tpu.memory_space<vmem_shared>> -> memref<80x128xf32, #tpu.memory_space<vmem_shared>>
      %dma_start3A_57 = arith.constant 0 : i32
      %dma_start3A_58 = tpu.memref_slice %arg17[%add3A_12, %dma_start3A_57] : memref<10112x128xf32, #tpu.memory_space<vmem_shared>> -> memref<80x128xf32, #tpu.memory_space<vmem_shared>>
      tpu.enqueue_dma source(%arg9 : memref<80x128xf32, #tpu.memory_space<vmem>>) target(%dma_start3A_58 : memref<80x128xf32, #tpu.memory_space<vmem_shared>>) target_semaphore(%run_scoped3A : memref<!tpu.dma_semaphore, #tpu.memory_space<semaphore_mem>>)
      %dma_wait3A = arith.constant 0 : i32
      %dma_wait3A_59 = tpu.memref_slice %arg17[%add3A_12, %dma_wait3A] : memref<10112x128xf32, #tpu.memory_space<vmem_shared>> -> memref<80x128xf32, #tpu.memory_space<vmem_shared>>
      %dma_wait3A_60 = arith.constant 0 : i32
      %dma_wait3A_61 = tpu.memref_slice %arg17[%add3A_12, %dma_wait3A_60] : memref<10112x128xf32, #tpu.memory_space<vmem_shared>> -> memref<80x128xf32, #tpu.memory_space<vmem_shared>>
      tpu.wait_dma2 semaphore(%run_scoped3A : memref<!tpu.dma_semaphore, #tpu.memory_space<semaphore_mem>>) src(%arg9 : memref<80x128xf32, #tpu.memory_space<vmem>>) dst(%dma_wait3A_61 : memref<80x128xf32, #tpu.memory_space<vmem_shared>>)
      tpu.yield
    }) : () -> ()
    %add3A_13 = arith.constant 240 : i32
    %add3A_14 = arith.addi %mul3A_6, %add3A_13 : i32
    "tpu.region"() ({
      %run_scoped3A = tpu.sem_alloc : memref<!tpu.dma_semaphore, #tpu.memory_space<semaphore_mem>>
      %dma_start3A = arith.constant 0 : i32
      %dma_start3A_56 = tpu.memref_slice %arg17[%add3A_14, %dma_start3A] : memref<10112x128xf32, #tpu.memory_space<vmem_shared>> -> memref<80x128xf32, #tpu.memory_space<vmem_shared>>
      %dma_start3A_57 = arith.constant 0 : i32
      %dma_start3A_58 = tpu.memref_slice %arg17[%add3A_14, %dma_start3A_57] : memref<10112x128xf32, #tpu.memory_space<vmem_shared>> -> memref<80x128xf32, #tpu.memory_space<vmem_shared>>
      tpu.enqueue_dma source(%arg9 : memref<80x128xf32, #tpu.memory_space<vmem>>) target(%dma_start3A_58 : memref<80x128xf32, #tpu.memory_space<vmem_shared>>) target_semaphore(%run_scoped3A : memref<!tpu.dma_semaphore, #tpu.memory_space<semaphore_mem>>)
      %dma_wait3A = arith.constant 0 : i32
      %dma_wait3A_59 = tpu.memref_slice %arg17[%add3A_14, %dma_wait3A] : memref<10112x128xf32, #tpu.memory_space<vmem_shared>> -> memref<80x128xf32, #tpu.memory_space<vmem_shared>>
      %dma_wait3A_60 = arith.constant 0 : i32
      %dma_wait3A_61 = tpu.memref_slice %arg17[%add3A_14, %dma_wait3A_60] : memref<10112x128xf32, #tpu.memory_space<vmem_shared>> -> memref<80x128xf32, #tpu.memory_space<vmem_shared>>
      tpu.wait_dma2 semaphore(%run_scoped3A : memref<!tpu.dma_semaphore, #tpu.memory_space<semaphore_mem>>) src(%arg9 : memref<80x128xf32, #tpu.memory_space<vmem>>) dst(%dma_wait3A_61 : memref<80x128xf32, #tpu.memory_space<vmem_shared>>)
      tpu.yield
    }) : () -> ()
    %add3A_15 = arith.constant 320 : i32
    %add3A_16 = arith.addi %mul3A_6, %add3A_15 : i32
    "tpu.region"() ({
      %run_scoped3A = tpu.sem_alloc : memref<!tpu.dma_semaphore, #tpu.memory_space<semaphore_mem>>
      %dma_start3A = arith.constant 0 : i32
      %dma_start3A_56 = tpu.memref_slice %arg17[%add3A_16, %dma_start3A] : memref<10112x128xf32, #tpu.memory_space<vmem_shared>> -> memref<80x128xf32, #tpu.memory_space<vmem_shared>>
      %dma_start3A_57 = arith.constant 0 : i32
      %dma_start3A_58 = tpu.memref_slice %arg17[%add3A_16, %dma_start3A_57] : memref<10112x128xf32, #tpu.memory_space<vmem_shared>> -> memref<80x128xf32, #tpu.memory_space<vmem_shared>>
      tpu.enqueue_dma source(%arg9 : memref<80x128xf32, #tpu.memory_space<vmem>>) target(%dma_start3A_58 : memref<80x128xf32, #tpu.memory_space<vmem_shared>>) target_semaphore(%run_scoped3A : memref<!tpu.dma_semaphore, #tpu.memory_space<semaphore_mem>>)
      %dma_wait3A = arith.constant 0 : i32
      %dma_wait3A_59 = tpu.memref_slice %arg17[%add3A_16, %dma_wait3A] : memref<10112x128xf32, #tpu.memory_space<vmem_shared>> -> memref<80x128xf32, #tpu.memory_space<vmem_shared>>
      %dma_wait3A_60 = arith.constant 0 : i32
      %dma_wait3A_61 = tpu.memref_slice %arg17[%add3A_16, %dma_wait3A_60] : memref<10112x128xf32, #tpu.memory_space<vmem_shared>> -> memref<80x128xf32, #tpu.memory_space<vmem_shared>>
      tpu.wait_dma2 semaphore(%run_scoped3A : memref<!tpu.dma_semaphore, #tpu.memory_space<semaphore_mem>>) src(%arg9 : memref<80x128xf32, #tpu.memory_space<vmem>>) dst(%dma_wait3A_61 : memref<80x128xf32, #tpu.memory_space<vmem_shared>>)
      tpu.yield
    }) : () -> ()
    %add3A_17 = arith.constant 400 : i32
    %add3A_18 = arith.addi %mul3A_6, %add3A_17 : i32
    "tpu.region"() ({
      %run_scoped3A = tpu.sem_alloc : memref<!tpu.dma_semaphore, #tpu.memory_space<semaphore_mem>>
      %dma_start3A = arith.constant 0 : i32
      %dma_start3A_56 = tpu.memref_slice %arg17[%add3A_18, %dma_start3A] : memref<10112x128xf32, #tpu.memory_space<vmem_shared>> -> memref<80x128xf32, #tpu.memory_space<vmem_shared>>
      %dma_start3A_57 = arith.constant 0 : i32
      %dma_start3A_58 = tpu.memref_slice %arg17[%add3A_18, %dma_start3A_57] : memref<10112x128xf32, #tpu.memory_space<vmem_shared>> -> memref<80x128xf32, #tpu.memory_space<vmem_shared>>
      tpu.enqueue_dma source(%arg9 : memref<80x128xf32, #tpu.memory_space<vmem>>) target(%dma_start3A_58 : memref<80x128xf32, #tpu.memory_space<vmem_shared>>) target_semaphore(%run_scoped3A : memref<!tpu.dma_semaphore, #tpu.memory_space<semaphore_mem>>)
      %dma_wait3A = arith.constant 0 : i32
      %dma_wait3A_59 = tpu.memref_slice %arg17[%add3A_18, %dma_wait3A] : memref<10112x128xf32, #tpu.memory_space<vmem_shared>> -> memref<80x128xf32, #tpu.memory_space<vmem_shared>>
      %dma_wait3A_60 = arith.constant 0 : i32
      %dma_wait3A_61 = tpu.memref_slice %arg17[%add3A_18, %dma_wait3A_60] : memref<10112x128xf32, #tpu.memory_space<vmem_shared>> -> memref<80x128xf32, #tpu.memory_space<vmem_shared>>
      tpu.wait_dma2 semaphore(%run_scoped3A : memref<!tpu.dma_semaphore, #tpu.memory_space<semaphore_mem>>) src(%arg9 : memref<80x128xf32, #tpu.memory_space<vmem>>) dst(%dma_wait3A_61 : memref<80x128xf32, #tpu.memory_space<vmem_shared>>)
      tpu.yield
    }) : () -> ()
    %add3A_19 = arith.constant 480 : i32
    %add3A_20 = arith.addi %mul3A_6, %add3A_19 : i32
    "tpu.region"() ({
      %run_scoped3A = tpu.sem_alloc : memref<!tpu.dma_semaphore, #tpu.memory_space<semaphore_mem>>
      %dma_start3A = arith.constant 0 : i32
      %dma_start3A_56 = tpu.memref_slice %arg17[%add3A_20, %dma_start3A] : memref<10112x128xf32, #tpu.memory_space<vmem_shared>> -> memref<80x128xf32, #tpu.memory_space<vmem_shared>>
      %dma_start3A_57 = arith.constant 0 : i32
      %dma_start3A_58 = tpu.memref_slice %arg17[%add3A_20, %dma_start3A_57] : memref<10112x128xf32, #tpu.memory_space<vmem_shared>> -> memref<80x128xf32, #tpu.memory_space<vmem_shared>>
      tpu.enqueue_dma source(%arg9 : memref<80x128xf32, #tpu.memory_space<vmem>>) target(%dma_start3A_58 : memref<80x128xf32, #tpu.memory_space<vmem_shared>>) target_semaphore(%run_scoped3A : memref<!tpu.dma_semaphore, #tpu.memory_space<semaphore_mem>>)
      %dma_wait3A = arith.constant 0 : i32
      %dma_wait3A_59 = tpu.memref_slice %arg17[%add3A_20, %dma_wait3A] : memref<10112x128xf32, #tpu.memory_space<vmem_shared>> -> memref<80x128xf32, #tpu.memory_space<vmem_shared>>
      %dma_wait3A_60 = arith.constant 0 : i32
      %dma_wait3A_61 = tpu.memref_slice %arg17[%add3A_20, %dma_wait3A_60] : memref<10112x128xf32, #tpu.memory_space<vmem_shared>> -> memref<80x128xf32, #tpu.memory_space<vmem_shared>>
      tpu.wait_dma2 semaphore(%run_scoped3A : memref<!tpu.dma_semaphore, #tpu.memory_space<semaphore_mem>>) src(%arg9 : memref<80x128xf32, #tpu.memory_space<vmem>>) dst(%dma_wait3A_61 : memref<80x128xf32, #tpu.memory_space<vmem_shared>>)
      tpu.yield
    }) : () -> ()
    %add3A_21 = arith.constant 560 : i32
    %add3A_22 = arith.addi %mul3A_6, %add3A_21 : i32
    "tpu.region"() ({
      %run_scoped3A = tpu.sem_alloc : memref<!tpu.dma_semaphore, #tpu.memory_space<semaphore_mem>>
      %dma_start3A = arith.constant 0 : i32
      %dma_start3A_56 = arith.constant 0 : i32
      %dma_start3A_57 = tpu.memref_slice %arg9[%dma_start3A, %dma_start3A_56] : memref<80x128xf32, #tpu.memory_space<vmem>> -> memref<72x128xf32, #tpu.memory_space<vmem>>
      %dma_start3A_58 = arith.constant 0 : i32
      %dma_start3A_59 = tpu.memref_slice %arg17[%add3A_22, %dma_start3A_58] : memref<10112x128xf32, #tpu.memory_space<vmem_shared>> -> memref<72x128xf32, #tpu.memory_space<vmem_shared>>
      %dma_start3A_60 = arith.constant 0 : i32
      %dma_start3A_61 = tpu.memref_slice %arg17[%add3A_22, %dma_start3A_60] : memref<10112x128xf32, #tpu.memory_space<vmem_shared>> -> memref<72x128xf32, #tpu.memory_space<vmem_shared>>
      %dma_start3A_62 = arith.constant 0 : i32
      %dma_start3A_63 = arith.constant 0 : i32
      %dma_start3A_64 = tpu.memref_slice %arg9[%dma_start3A_62, %dma_start3A_63] : memref<80x128xf32, #tpu.memory_space<vmem>> -> memref<72x128xf32, #tpu.memory_space<vmem>>
      tpu.enqueue_dma source(%dma_start3A_64 : memref<72x128xf32, #tpu.memory_space<vmem>>) target(%dma_start3A_61 : memref<72x128xf32, #tpu.memory_space<vmem_shared>>) target_semaphore(%run_scoped3A : memref<!tpu.dma_semaphore, #tpu.memory_space<semaphore_mem>>)
      %dma_wait3A = arith.constant 0 : i32
      %dma_wait3A_65 = arith.constant 0 : i32
      %dma_wait3A_66 = tpu.memref_slice %arg9[%dma_wait3A, %dma_wait3A_65] : memref<80x128xf32, #tpu.memory_space<vmem>> -> memref<72x128xf32, #tpu.memory_space<vmem>>
      %dma_wait3A_67 = arith.constant 0 : i32
      %dma_wait3A_68 = tpu.memref_slice %arg17[%add3A_22, %dma_wait3A_67] : memref<10112x128xf32, #tpu.memory_space<vmem_shared>> -> memref<72x128xf32, #tpu.memory_space<vmem_shared>>
      %dma_wait3A_69 = arith.constant 0 : i32
      %dma_wait3A_70 = tpu.memref_slice %arg17[%add3A_22, %dma_wait3A_69] : memref<10112x128xf32, #tpu.memory_space<vmem_shared>> -> memref<72x128xf32, #tpu.memory_space<vmem_shared>>
      %dma_wait3A_71 = arith.constant 0 : i32
      %dma_wait3A_72 = arith.constant 0 : i32
      %dma_wait3A_73 = tpu.memref_slice %arg9[%dma_wait3A_71, %dma_wait3A_72] : memref<80x128xf32, #tpu.memory_space<vmem>> -> memref<72x128xf32, #tpu.memory_space<vmem>>
      tpu.wait_dma2 semaphore(%run_scoped3A : memref<!tpu.dma_semaphore, #tpu.memory_space<semaphore_mem>>) src(%dma_wait3A_73 : memref<72x128xf32, #tpu.memory_space<vmem>>) dst(%dma_wait3A_70 : memref<72x128xf32, #tpu.memory_space<vmem_shared>>)
      tpu.yield
    }) : () -> ()
    %barrier3A = arith.constant 0 : index
    tpu.barrier barrier_id(%barrier3A)
    %mul3A_23 = arith.constant 10000 : i32
    %mul3A_24 = arith.muli %add3A, %mul3A_23 : i32
    %scan3A_25 = arith.constant 0 : i32
    %scan3A_26 = arith.constant 5 : i32
    %scan3A_27 = arith.addi %scan3A_25, %scan3A_26 : i32
    %scan3A_28 = arith.constant 1 : i32
    scf.for %scan3A_56 = %scan3A_25 to %scan3A_27 step %scan3A_28  : i32 {
      %mul3A_57 = arith.constant 1 : i32
      %mul3A_58 = arith.muli %scan3A_56, %mul3A_57 : i32
      %add3A_59 = arith.constant 0 : i32
      %add3A_60 = arith.addi %add3A_59, %mul3A_58 : i32
      "tpu.region"() ({
        %run_scoped3A_111 = tpu.sem_alloc : memref<!tpu.dma_semaphore, #tpu.memory_space<semaphore_mem>>
        %dma_start3A_112 = arith.constant 0 : i32
        %dma_start3A_113 = arith.constant 0 : i32
        %dma_start3A_114 = tpu.memref_slice %arg4[%add3A, %add3A_60, %dma_start3A_112, %dma_start3A_113] : memref<32x5x25x80xi32, #tpu.memory_space<hbm>> -> memref<1x1x25x80xi32, #tpu.memory_space<hbm>>
        %dma_start3A_115 = tpu.memref_squeeze %dma_start3A_114 : memref<1x1x25x80xi32, #tpu.memory_space<hbm>> -> memref<25x80xi32, #tpu.memory_space<hbm>>
        %dma_start3A_116 = arith.constant 0 : i32
        %dma_start3A_117 = arith.constant 0 : i32
        %dma_start3A_118 = tpu.memref_slice %arg4[%add3A, %add3A_60, %dma_start3A_116, %dma_start3A_117] : memref<32x5x25x80xi32, #tpu.memory_space<hbm>> -> memref<1x1x25x80xi32, #tpu.memory_space<hbm>>
        %dma_start3A_119 = tpu.memref_squeeze %dma_start3A_118 : memref<1x1x25x80xi32, #tpu.memory_space<hbm>> -> memref<25x80xi32, #tpu.memory_space<hbm>>
        tpu.enqueue_dma source(%dma_start3A_119 : memref<25x80xi32, #tpu.memory_space<hbm>>) target(%arg7 : memref<25x80xi32, #tpu.memory_space<vmem>>) target_semaphore(%run_scoped3A_111 : memref<!tpu.dma_semaphore, #tpu.memory_space<semaphore_mem>>)
        %dma_wait3A_120 = arith.constant 0 : i32
        %dma_wait3A_121 = arith.constant 0 : i32
        %dma_wait3A_122 = tpu.memref_slice %arg4[%add3A, %add3A_60, %dma_wait3A_120, %dma_wait3A_121] : memref<32x5x25x80xi32, #tpu.memory_space<hbm>> -> memref<1x1x25x80xi32, #tpu.memory_space<hbm>>
        %dma_wait3A_123 = tpu.memref_squeeze %dma_wait3A_122 : memref<1x1x25x80xi32, #tpu.memory_space<hbm>> -> memref<25x80xi32, #tpu.memory_space<hbm>>
        %dma_wait3A_124 = arith.constant 0 : i32
        %dma_wait3A_125 = arith.constant 0 : i32
        %dma_wait3A_126 = tpu.memref_slice %arg4[%add3A, %add3A_60, %dma_wait3A_124, %dma_wait3A_125] : memref<32x5x25x80xi32, #tpu.memory_space<hbm>> -> memref<1x1x25x80xi32, #tpu.memory_space<hbm>>
        %dma_wait3A_127 = tpu.memref_squeeze %dma_wait3A_126 : memref<1x1x25x80xi32, #tpu.memory_space<hbm>> -> memref<25x80xi32, #tpu.memory_space<hbm>>
        tpu.wait_dma2 semaphore(%run_scoped3A_111 : memref<!tpu.dma_semaphore, #tpu.memory_space<semaphore_mem>>) src(%dma_wait3A_127 : memref<25x80xi32, #tpu.memory_space<hbm>>) dst(%arg7 : memref<25x80xi32, #tpu.memory_space<vmem>>)
        tpu.yield
      }) : () -> ()
      "tpu.region"() ({
        %run_scoped3A_111 = tpu.sem_alloc : memref<!tpu.dma_semaphore, #tpu.memory_space<semaphore_mem>>
        %dma_start3A_112 = arith.constant 0 : i32
        %dma_start3A_113 = arith.constant 0 : i32
        %dma_start3A_114 = tpu.memref_slice %arg5[%add3A, %add3A_60, %dma_start3A_112, %dma_start3A_113] : memref<32x5x25x80xi32, #tpu.memory_space<hbm>> -> memref<1x1x25x80xi32, #tpu.memory_space<hbm>>
        %dma_start3A_115 = tpu.memref_squeeze %dma_start3A_114 : memref<1x1x25x80xi32, #tpu.memory_space<hbm>> -> memref<25x80xi32, #tpu.memory_space<hbm>>
        %dma_start3A_116 = arith.constant 0 : i32
        %dma_start3A_117 = arith.constant 0 : i32
        %dma_start3A_118 = tpu.memref_slice %arg5[%add3A, %add3A_60, %dma_start3A_116, %dma_start3A_117] : memref<32x5x25x80xi32, #tpu.memory_space<hbm>> -> memref<1x1x25x80xi32, #tpu.memory_space<hbm>>
        %dma_start3A_119 = tpu.memref_squeeze %dma_start3A_118 : memref<1x1x25x80xi32, #tpu.memory_space<hbm>> -> memref<25x80xi32, #tpu.memory_space<hbm>>
        tpu.enqueue_dma source(%dma_start3A_119 : memref<25x80xi32, #tpu.memory_space<hbm>>) target(%arg8 : memref<25x80xi32, #tpu.memory_space<vmem>>) target_semaphore(%run_scoped3A_111 : memref<!tpu.dma_semaphore, #tpu.memory_space<semaphore_mem>>)
        %dma_wait3A_120 = arith.constant 0 : i32
        %dma_wait3A_121 = arith.constant 0 : i32
        %dma_wait3A_122 = tpu.memref_slice %arg5[%add3A, %add3A_60, %dma_wait3A_120, %dma_wait3A_121] : memref<32x5x25x80xi32, #tpu.memory_space<hbm>> -> memref<1x1x25x80xi32, #tpu.memory_space<hbm>>
        %dma_wait3A_123 = tpu.memref_squeeze %dma_wait3A_122 : memref<1x1x25x80xi32, #tpu.memory_space<hbm>> -> memref<25x80xi32, #tpu.memory_space<hbm>>
        %dma_wait3A_124 = arith.constant 0 : i32
        %dma_wait3A_125 = arith.constant 0 : i32
        %dma_wait3A_126 = tpu.memref_slice %arg5[%add3A, %add3A_60, %dma_wait3A_124, %dma_wait3A_125] : memref<32x5x25x80xi32, #tpu.memory_space<hbm>> -> memref<1x1x25x80xi32, #tpu.memory_space<hbm>>
        %dma_wait3A_127 = tpu.memref_squeeze %dma_wait3A_126 : memref<1x1x25x80xi32, #tpu.memory_space<hbm>> -> memref<25x80xi32, #tpu.memory_space<hbm>>
        tpu.wait_dma2 semaphore(%run_scoped3A_111 : memref<!tpu.dma_semaphore, #tpu.memory_space<semaphore_mem>>) src(%dma_wait3A_127 : memref<25x80xi32, #tpu.memory_space<hbm>>) dst(%arg8 : memref<25x80xi32, #tpu.memory_space<vmem>>)
        tpu.yield
      }) : () -> ()
      %mul3A_61 = arith.constant 2000 : i32
      %mul3A_62 = arith.muli %add3A_60, %mul3A_61 : i32
      %add3A_63 = arith.addi %mul3A_24, %mul3A_62 : i32
      %dma_start3A = arith.constant 0 : i32
      %dma_start3A_64 = arith.constant 0 : i32
      %dma_start3A_65 = tpu.memref_slice %arg7[%dma_start3A, %dma_start3A_64] : memref<25x80xi32, #tpu.memory_space<vmem>> -> memref<1x80xi32, #tpu.memory_space<vmem>>
      %dma_start3A_66 = tpu.memref_squeeze %dma_start3A_65 : memref<1x80xi32, #tpu.memory_space<vmem>> -> memref<80xi32, #tpu.memory_space<vmem>>
      %dma_start3A_67 = arith.constant 0 : i32
      %dma_start3A_68 = arith.constant 0 : i32
      %dma_start3A_69 = tpu.memref_slice %arg2[%dma_start3A_67, %dma_start3A_68] : memref<10000x128xf32, #tpu.memory_space<hbm>> -> memref<10000x128xf32, #tpu.memory_space<hbm>>
      tpu.enqueue_indirect_dma source(%dma_start3A_69 : memref<10000x128xf32, #tpu.memory_space<hbm>>) target(%arg9 : memref<80x128xf32, #tpu.memory_space<vmem>>) offsets(%dma_start3A_66 : memref<80xi32, #tpu.memory_space<vmem>>) semaphore(%arg13 : memref<!tpu.dma_semaphore, #tpu.memory_space<semaphore_mem>>)
      %add3A_70 = arith.constant 0 : i32
      %add3A_71 = arith.addi %add3A_63, %add3A_70 : i32
      %dma_start3A_72 = arith.constant 0 : i32
      %dma_start3A_73 = tpu.memref_slice %arg3[%add3A_71, %dma_start3A_72] : memref<320000x128xf32, #tpu.memory_space<hbm>> -> memref<80x128xf32, #tpu.memory_space<hbm>>
      %dma_start3A_74 = arith.constant 0 : i32
      %dma_start3A_75 = tpu.memref_slice %arg3[%add3A_71, %dma_start3A_74] : memref<320000x128xf32, #tpu.memory_space<hbm>> -> memref<80x128xf32, #tpu.memory_space<hbm>>
      tpu.enqueue_dma source(%dma_start3A_75 : memref<80x128xf32, #tpu.memory_space<hbm>>) target(%arg11 : memref<80x128xf32, #tpu.memory_space<vmem>>) target_semaphore(%arg15 : memref<!tpu.dma_semaphore, #tpu.memory_space<semaphore_mem>>)
      %dma_start3A_76 = arith.constant 1 : i32
      %dma_start3A_77 = arith.constant 0 : i32
      %dma_start3A_78 = tpu.memref_slice %arg7[%dma_start3A_76, %dma_start3A_77] : memref<25x80xi32, #tpu.memory_space<vmem>> -> memref<1x80xi32, #tpu.memory_space<vmem>>
      %dma_start3A_79 = tpu.memref_squeeze %dma_start3A_78 : memref<1x80xi32, #tpu.memory_space<vmem>> -> memref<80xi32, #tpu.memory_space<vmem>>
      %dma_start3A_80 = arith.constant 0 : i32
      %dma_start3A_81 = arith.constant 0 : i32
      %dma_start3A_82 = tpu.memref_slice %arg2[%dma_start3A_80, %dma_start3A_81] : memref<10000x128xf32, #tpu.memory_space<hbm>> -> memref<10000x128xf32, #tpu.memory_space<hbm>>
      tpu.enqueue_indirect_dma source(%dma_start3A_82 : memref<10000x128xf32, #tpu.memory_space<hbm>>) target(%arg10 : memref<80x128xf32, #tpu.memory_space<vmem>>) offsets(%dma_start3A_79 : memref<80xi32, #tpu.memory_space<vmem>>) semaphore(%arg14 : memref<!tpu.dma_semaphore, #tpu.memory_space<semaphore_mem>>)
      %add3A_83 = arith.constant 80 : i32
      %add3A_84 = arith.addi %add3A_63, %add3A_83 : i32
      %dma_start3A_85 = arith.constant 0 : i32
      %dma_start3A_86 = tpu.memref_slice %arg3[%add3A_84, %dma_start3A_85] : memref<320000x128xf32, #tpu.memory_space<hbm>> -> memref<80x128xf32, #tpu.memory_space<hbm>>
      %dma_start3A_87 = arith.constant 0 : i32
      %dma_start3A_88 = tpu.memref_slice %arg3[%add3A_84, %dma_start3A_87] : memref<320000x128xf32, #tpu.memory_space<hbm>> -> memref<80x128xf32, #tpu.memory_space<hbm>>
      tpu.enqueue_dma source(%dma_start3A_88 : memref<80x128xf32, #tpu.memory_space<hbm>>) target(%arg12 : memref<80x128xf32, #tpu.memory_space<vmem>>) target_semaphore(%arg16 : memref<!tpu.dma_semaphore, #tpu.memory_space<semaphore_mem>>)
      %scan3A_89 = arith.constant 0 : i32
      %scan3A_90 = arith.constant 12 : i32
      %scan3A_91 = arith.addi %scan3A_89, %scan3A_90 : i32
      %scan3A_92 = arith.constant 1 : i32
      scf.for %scan3A_111 = %scan3A_89 to %scan3A_91 step %scan3A_92  : i32 {
        %mul3A_112 = arith.constant 1 : i32
        %mul3A_113 = arith.muli %scan3A_111, %mul3A_112 : i32
        %add3A_114 = arith.constant 0 : i32
        %add3A_115 = arith.addi %add3A_114, %mul3A_113 : i32
        %mul3A_116 = arith.constant 2 : i32
        %mul3A_117 = arith.muli %add3A_115, %mul3A_116 : i32
        %dma_wait3A_118 = arith.constant 0 : i32
        %dma_wait3A_119 = tpu.memref_slice %arg7[%mul3A_117, %dma_wait3A_118] : memref<25x80xi32, #tpu.memory_space<vmem>> -> memref<1x80xi32, #tpu.memory_space<vmem>>
        %dma_wait3A_120 = tpu.memref_squeeze %dma_wait3A_119 : memref<1x80xi32, #tpu.memory_space<vmem>> -> memref<80xi32, #tpu.memory_space<vmem>>
        %dma_wait3A_121 = arith.constant 0 : i32
        %dma_wait3A_122 = arith.constant 0 : i32
        %dma_wait3A_123 = tpu.memref_slice %arg2[%dma_wait3A_121, %dma_wait3A_122] : memref<10000x128xf32, #tpu.memory_space<hbm>> -> memref<10000x128xf32, #tpu.memory_space<hbm>>
        tpu.wait_indirect_dma semaphore(%arg13 : memref<!tpu.dma_semaphore, #tpu.memory_space<semaphore_mem>>) src(%dma_wait3A_123 : memref<10000x128xf32, #tpu.memory_space<hbm>>) dst(%arg9 : memref<80x128xf32, #tpu.memory_space<vmem>>)
        %mul3A_124 = arith.constant 80 : i32
        %mul3A_125 = arith.muli %mul3A_117, %mul3A_124 : i32
        %add3A_126 = arith.addi %add3A_63, %mul3A_125 : i32
        %dma_wait3A_127 = arith.constant 0 : i32
        %dma_wait3A_128 = tpu.memref_slice %arg3[%add3A_126, %dma_wait3A_127] : memref<320000x128xf32, #tpu.memory_space<hbm>> -> memref<80x128xf32, #tpu.memory_space<hbm>>
        %dma_wait3A_129 = arith.constant 0 : i32
        %dma_wait3A_130 = tpu.memref_slice %arg3[%add3A_126, %dma_wait3A_129] : memref<320000x128xf32, #tpu.memory_space<hbm>> -> memref<80x128xf32, #tpu.memory_space<hbm>>
        tpu.wait_dma2 semaphore(%arg15 : memref<!tpu.dma_semaphore, #tpu.memory_space<semaphore_mem>>) src(%dma_wait3A_130 : memref<80x128xf32, #tpu.memory_space<hbm>>) dst(%arg11 : memref<80x128xf32, #tpu.memory_space<vmem>>)
        %scan3A_131 = arith.constant 0 : i32
        %scan3A_132 = arith.constant 80 : i32
        %scan3A_133 = arith.addi %scan3A_131, %scan3A_132 : i32
        %scan3A_134 = arith.constant 1 : i32
        scf.for %scan3A_175 = %scan3A_131 to %scan3A_133 step %scan3A_134  : i32 {
          %mul3A_176 = arith.constant 1 : i32
          %mul3A_177 = arith.muli %scan3A_175, %mul3A_176 : i32
          %add3A_178 = arith.constant 0 : i32
          %add3A_179 = arith.addi %add3A_178, %mul3A_177 : i32
          %get3A = arith.index_cast %add3A_179 : i32 to index
          %get3A_180 = arith.constant 0 : index
          %get3A_181 = tpu.vector_load %arg9[%get3A, %get3A_180] {strides = array<i32>} : memref<80x128xf32, #tpu.memory_space<vmem>>, vector<1x16xf32>,
          %get3A_182 = vector.shape_cast %get3A_181 : vector<1x16xf32> to vector<16xf32>
          %get3A_183 = arith.index_cast %add3A_179 : i32 to index
          %get3A_184 = arith.constant 0 : index
          %get3A_185 = tpu.vector_load %arg11[%get3A_183, %get3A_184] {strides = array<i32>} : memref<80x128xf32, #tpu.memory_space<vmem>>, vector<1x16xf32>,
          %get3A_186 = vector.shape_cast %get3A_185 : vector<1x16xf32> to vector<16xf32>
          %add3A_187 = arith.addf %get3A_182, %get3A_186 : vector<16xf32>
          %max3A = arith.constant 0.000000e+00 : f32
          %max3A_188 = vector.broadcast %max3A : f32 to vector<16xf32>
          %max3A_189 = arith.maximumf %add3A_187, %max3A_188 : vector<16xf32>
          %swap3A = arith.index_cast %add3A_179 : i32 to index
          %swap3A_190 = arith.constant 0 : index
          %swap3A_191 = tpu.vector_load %arg9[%swap3A, %swap3A_190] {strides = array<i32>} : memref<80x128xf32, #tpu.memory_space<vmem>>, vector<1x16xf32>,
          %swap3A_192 = vector.shape_cast %swap3A_191 : vector<1x16xf32> to vector<16xf32>
          %swap3A_193 = vector.shape_cast %max3A_189 : vector<16xf32> to vector<1x16xf32>
          tpu.vector_store %arg9[%swap3A, %swap3A_190], %swap3A_193 {strides = array<i32>} : memref<80x128xf32, #tpu.memory_space<vmem>>, vector<1x16xf32>,
          %get3A_194 = arith.index_cast %add3A_179 : i32 to index
          %get3A_195 = arith.constant 16 : index
          %get3A_196 = tpu.vector_load %arg9[%get3A_194, %get3A_195] {strides = array<i32>} : memref<80x128xf32, #tpu.memory_space<vmem>>, vector<1x16xf32>,
          %get3A_197 = vector.shape_cast %get3A_196 : vector<1x16xf32> to vector<16xf32>
          %get3A_198 = arith.index_cast %add3A_179 : i32 to index
          %get3A_199 = arith.constant 16 : index
          %get3A_200 = tpu.vector_load %arg11[%get3A_198, %get3A_199] {strides = array<i32>} : memref<80x128xf32, #tpu.memory_space<vmem>>, vector<1x16xf32>,
          %get3A_201 = vector.shape_cast %get3A_200 : vector<1x16xf32> to vector<16xf32>
          %add3A_202 = arith.addf %get3A_197, %get3A_201 : vector<16xf32>
          %max3A_203 = arith.constant 0.000000e+00 : f32
          %max3A_204 = vector.broadcast %max3A_203 : f32 to vector<16xf32>
          %max3A_205 = arith.maximumf %add3A_202, %max3A_204 : vector<16xf32>
          %swap3A_206 = arith.index_cast %add3A_179 : i32 to index
          %swap3A_207 = arith.constant 16 : index
          %swap3A_208 = tpu.vector_load %arg9[%swap3A_206, %swap3A_207] {strides = array<i32>} : memref<80x128xf32, #tpu.memory_space<vmem>>, vector<1x16xf32>,
          %swap3A_209 = vector.shape_cast %swap3A_208 : vector<1x16xf32> to vector<16xf32>
          %swap3A_210 = vector.shape_cast %max3A_205 : vector<16xf32> to vector<1x16xf32>
          tpu.vector_store %arg9[%swap3A_206, %swap3A_207], %swap3A_210 {strides = array<i32>} : memref<80x128xf32, #tpu.memory_space<vmem>>, vector<1x16xf32>,
          %get3A_211 = arith.index_cast %add3A_179 : i32 to index
          %get3A_212 = arith.constant 32 : index
          %get3A_213 = tpu.vector_load %arg9[%get3A_211, %get3A_212] {strides = array<i32>} : memref<80x128xf32, #tpu.memory_space<vmem>>, vector<1x16xf32>,
          %get3A_214 = vector.shape_cast %get3A_213 : vector<1x16xf32> to vector<16xf32>
          %get3A_215 = arith.index_cast %add3A_179 : i32 to index
          %get3A_216 = arith.constant 32 : index
          %get3A_217 = tpu.vector_load %arg11[%get3A_215, %get3A_216] {strides = array<i32>} : memref<80x128xf32, #tpu.memory_space<vmem>>, vector<1x16xf32>,
          %get3A_218 = vector.shape_cast %get3A_217 : vector<1x16xf32> to vector<16xf32>
          %add3A_219 = arith.addf %get3A_214, %get3A_218 : vector<16xf32>
          %max3A_220 = arith.constant 0.000000e+00 : f32
          %max3A_221 = vector.broadcast %max3A_220 : f32 to vector<16xf32>
          %max3A_222 = arith.maximumf %add3A_219, %max3A_221 : vector<16xf32>
          %swap3A_223 = arith.index_cast %add3A_179 : i32 to index
          %swap3A_224 = arith.constant 32 : index
          %swap3A_225 = tpu.vector_load %arg9[%swap3A_223, %swap3A_224] {strides = array<i32>} : memref<80x128xf32, #tpu.memory_space<vmem>>, vector<1x16xf32>,
          %swap3A_226 = vector.shape_cast %swap3A_225 : vector<1x16xf32> to vector<16xf32>
          %swap3A_227 = vector.shape_cast %max3A_222 : vector<16xf32> to vector<1x16xf32>
          tpu.vector_store %arg9[%swap3A_223, %swap3A_224], %swap3A_227 {strides = array<i32>} : memref<80x128xf32, #tpu.memory_space<vmem>>, vector<1x16xf32>,
          %get3A_228 = arith.index_cast %add3A_179 : i32 to index
          %get3A_229 = arith.constant 48 : index
          %get3A_230 = tpu.vector_load %arg9[%get3A_228, %get3A_229] {strides = array<i32>} : memref<80x128xf32, #tpu.memory_space<vmem>>, vector<1x16xf32>,
          %get3A_231 = vector.shape_cast %get3A_230 : vector<1x16xf32> to vector<16xf32>
          %get3A_232 = arith.index_cast %add3A_179 : i32 to index
          %get3A_233 = arith.constant 48 : index
          %get3A_234 = tpu.vector_load %arg11[%get3A_232, %get3A_233] {strides = array<i32>} : memref<80x128xf32, #tpu.memory_space<vmem>>, vector<1x16xf32>,
          %get3A_235 = vector.shape_cast %get3A_234 : vector<1x16xf32> to vector<16xf32>
          %add3A_236 = arith.addf %get3A_231, %get3A_235 : vector<16xf32>
          %max3A_237 = arith.constant 0.000000e+00 : f32
          %max3A_238 = vector.broadcast %max3A_237 : f32 to vector<16xf32>
          %max3A_239 = arith.maximumf %add3A_236, %max3A_238 : vector<16xf32>
          %swap3A_240 = arith.index_cast %add3A_179 : i32 to index
          %swap3A_241 = arith.constant 48 : index
          %swap3A_242 = tpu.vector_load %arg9[%swap3A_240, %swap3A_241] {strides = array<i32>} : memref<80x128xf32, #tpu.memory_space<vmem>>, vector<1x16xf32>,
          %swap3A_243 = vector.shape_cast %swap3A_242 : vector<1x16xf32> to vector<16xf32>
          %swap3A_244 = vector.shape_cast %max3A_239 : vector<16xf32> to vector<1x16xf32>
          tpu.vector_store %arg9[%swap3A_240, %swap3A_241], %swap3A_244 {strides = array<i32>} : memref<80x128xf32, #tpu.memory_space<vmem>>, vector<1x16xf32>,
          %get3A_245 = arith.index_cast %add3A_179 : i32 to index
          %get3A_246 = arith.constant 64 : index
          %get3A_247 = tpu.vector_load %arg9[%get3A_245, %get3A_246] {strides = array<i32>} : memref<80x128xf32, #tpu.memory_space<vmem>>, vector<1x16xf32>,
          %get3A_248 = vector.shape_cast %get3A_247 : vector<1x16xf32> to vector<16xf32>
          %get3A_249 = arith.index_cast %add3A_179 : i32 to index
          %get3A_250 = arith.constant 64 : index
          %get3A_251 = tpu.vector_load %arg11[%get3A_249, %get3A_250] {strides = array<i32>} : memref<80x128xf32, #tpu.memory_space<vmem>>, vector<1x16xf32>,
          %get3A_252 = vector.shape_cast %get3A_251 : vector<1x16xf32> to vector<16xf32>
          %add3A_253 = arith.addf %get3A_248, %get3A_252 : vector<16xf32>
          %max3A_254 = arith.constant 0.000000e+00 : f32
          %max3A_255 = vector.broadcast %max3A_254 : f32 to vector<16xf32>
          %max3A_256 = arith.maximumf %add3A_253, %max3A_255 : vector<16xf32>
          %swap3A_257 = arith.index_cast %add3A_179 : i32 to index
          %swap3A_258 = arith.constant 64 : index
          %swap3A_259 = tpu.vector_load %arg9[%swap3A_257, %swap3A_258] {strides = array<i32>} : memref<80x128xf32, #tpu.memory_space<vmem>>, vector<1x16xf32>,
          %swap3A_260 = vector.shape_cast %swap3A_259 : vector<1x16xf32> to vector<16xf32>
          %swap3A_261 = vector.shape_cast %max3A_256 : vector<16xf32> to vector<1x16xf32>
          tpu.vector_store %arg9[%swap3A_257, %swap3A_258], %swap3A_261 {strides = array<i32>} : memref<80x128xf32, #tpu.memory_space<vmem>>, vector<1x16xf32>,
          %get3A_262 = arith.index_cast %add3A_179 : i32 to index
          %get3A_263 = arith.constant 80 : index
          %get3A_264 = tpu.vector_load %arg9[%get3A_262, %get3A_263] {strides = array<i32>} : memref<80x128xf32, #tpu.memory_space<vmem>>, vector<1x16xf32>,
          %get3A_265 = vector.shape_cast %get3A_264 : vector<1x16xf32> to vector<16xf32>
          %get3A_266 = arith.index_cast %add3A_179 : i32 to index
          %get3A_267 = arith.constant 80 : index
          %get3A_268 = tpu.vector_load %arg11[%get3A_266, %get3A_267] {strides = array<i32>} : memref<80x128xf32, #tpu.memory_space<vmem>>, vector<1x16xf32>,
          %get3A_269 = vector.shape_cast %get3A_268 : vector<1x16xf32> to vector<16xf32>
          %add3A_270 = arith.addf %get3A_265, %get3A_269 : vector<16xf32>
          %max3A_271 = arith.constant 0.000000e+00 : f32
          %max3A_272 = vector.broadcast %max3A_271 : f32 to vector<16xf32>
          %max3A_273 = arith.maximumf %add3A_270, %max3A_272 : vector<16xf32>
          %swap3A_274 = arith.index_cast %add3A_179 : i32 to index
          %swap3A_275 = arith.constant 80 : index
          %swap3A_276 = tpu.vector_load %arg9[%swap3A_274, %swap3A_275] {strides = array<i32>} : memref<80x128xf32, #tpu.memory_space<vmem>>, vector<1x16xf32>,
          %swap3A_277 = vector.shape_cast %swap3A_276 : vector<1x16xf32> to vector<16xf32>
          %swap3A_278 = vector.shape_cast %max3A_273 : vector<16xf32> to vector<1x16xf32>
          tpu.vector_store %arg9[%swap3A_274, %swap3A_275], %swap3A_278 {strides = array<i32>} : memref<80x128xf32, #tpu.memory_space<vmem>>, vector<1x16xf32>,
          %get3A_279 = arith.index_cast %add3A_179 : i32 to index
          %get3A_280 = arith.constant 96 : index
          %get3A_281 = tpu.vector_load %arg9[%get3A_279, %get3A_280] {strides = array<i32>} : memref<80x128xf32, #tpu.memory_space<vmem>>, vector<1x16xf32>,
          %get3A_282 = vector.shape_cast %get3A_281 : vector<1x16xf32> to vector<16xf32>
          %get3A_283 = arith.index_cast %add3A_179 : i32 to index
          %get3A_284 = arith.constant 96 : index
          %get3A_285 = tpu.vector_load %arg11[%get3A_283, %get3A_284] {strides = array<i32>} : memref<80x128xf32, #tpu.memory_space<vmem>>, vector<1x16xf32>,
          %get3A_286 = vector.shape_cast %get3A_285 : vector<1x16xf32> to vector<16xf32>
          %add3A_287 = arith.addf %get3A_282, %get3A_286 : vector<16xf32>
          %max3A_288 = arith.constant 0.000000e+00 : f32
          %max3A_289 = vector.broadcast %max3A_288 : f32 to vector<16xf32>
          %max3A_290 = arith.maximumf %add3A_287, %max3A_289 : vector<16xf32>
          %swap3A_291 = arith.index_cast %add3A_179 : i32 to index
          %swap3A_292 = arith.constant 96 : index
          %swap3A_293 = tpu.vector_load %arg9[%swap3A_291, %swap3A_292] {strides = array<i32>} : memref<80x128xf32, #tpu.memory_space<vmem>>, vector<1x16xf32>,
          %swap3A_294 = vector.shape_cast %swap3A_293 : vector<1x16xf32> to vector<16xf32>
          %swap3A_295 = vector.shape_cast %max3A_290 : vector<16xf32> to vector<1x16xf32>
          tpu.vector_store %arg9[%swap3A_291, %swap3A_292], %swap3A_295 {strides = array<i32>} : memref<80x128xf32, #tpu.memory_space<vmem>>, vector<1x16xf32>,
          %get3A_296 = arith.index_cast %add3A_179 : i32 to index
          %get3A_297 = arith.constant 112 : index
          %get3A_298 = tpu.vector_load %arg9[%get3A_296, %get3A_297] {strides = array<i32>} : memref<80x128xf32, #tpu.memory_space<vmem>>, vector<1x16xf32>,
          %get3A_299 = vector.shape_cast %get3A_298 : vector<1x16xf32> to vector<16xf32>
          %get3A_300 = arith.index_cast %add3A_179 : i32 to index
          %get3A_301 = arith.constant 112 : index
          %get3A_302 = tpu.vector_load %arg11[%get3A_300, %get3A_301] {strides = array<i32>} : memref<80x128xf32, #tpu.memory_space<vmem>>, vector<1x16xf32>,
          %get3A_303 = vector.shape_cast %get3A_302 : vector<1x16xf32> to vector<16xf32>
          %add3A_304 = arith.addf %get3A_299, %get3A_303 : vector<16xf32>
          %max3A_305 = arith.constant 0.000000e+00 : f32
          %max3A_306 = vector.broadcast %max3A_305 : f32 to vector<16xf32>
          %max3A_307 = arith.maximumf %add3A_304, %max3A_306 : vector<16xf32>
          %swap3A_308 = arith.index_cast %add3A_179 : i32 to index
          %swap3A_309 = arith.constant 112 : index
          %swap3A_310 = tpu.vector_load %arg9[%swap3A_308, %swap3A_309] {strides = array<i32>} : memref<80x128xf32, #tpu.memory_space<vmem>>, vector<1x16xf32>,
          %swap3A_311 = vector.shape_cast %swap3A_310 : vector<1x16xf32> to vector<16xf32>
          %swap3A_312 = vector.shape_cast %max3A_307 : vector<16xf32> to vector<1x16xf32>
          tpu.vector_store %arg9[%swap3A_308, %swap3A_309], %swap3A_312 {strides = array<i32>} : memref<80x128xf32, #tpu.memory_space<vmem>>, vector<1x16xf32>,
        }
        %scan3A_135 = arith.constant 80 : i32
        "tpu.region"() ({
          %run_scoped3A_175 = tpu.sem_alloc : memref<!tpu.dma_semaphore, #tpu.memory_space<semaphore_mem>>
          %dma_start3A_176 = arith.constant 0 : i32
          %dma_start3A_177 = tpu.memref_slice %arg8[%mul3A_117, %dma_start3A_176] : memref<25x80xi32, #tpu.memory_space<vmem>> -> memref<1x80xi32, #tpu.memory_space<vmem>>
          %dma_start3A_178 = tpu.memref_squeeze %dma_start3A_177 : memref<1x80xi32, #tpu.memory_space<vmem>> -> memref<80xi32, #tpu.memory_space<vmem>>
          %dma_start3A_179 = arith.constant 0 : i32
          %dma_start3A_180 = arith.constant 0 : i32
          %dma_start3A_181 = tpu.memref_slice %arg17[%dma_start3A_179, %dma_start3A_180] : memref<10112x128xf32, #tpu.memory_space<vmem_shared>> -> memref<10112x128xf32, #tpu.memory_space<vmem_shared>>
          tpu.enqueue_indirect_dma source(%arg9 : memref<80x128xf32, #tpu.memory_space<vmem>>) target(%dma_start3A_181 : memref<10112x128xf32, #tpu.memory_space<vmem_shared>>) offsets(%dma_start3A_178 : memref<80xi32, #tpu.memory_space<vmem>>) semaphore(%run_scoped3A_175 : memref<!tpu.dma_semaphore, #tpu.memory_space<semaphore_mem>>) {add = true}
          %dma_wait3A_182 = arith.constant 0 : i32
          %dma_wait3A_183 = tpu.memref_slice %arg8[%mul3A_117, %dma_wait3A_182] : memref<25x80xi32, #tpu.memory_space<vmem>> -> memref<1x80xi32, #tpu.memory_space<vmem>>
          %dma_wait3A_184 = tpu.memref_squeeze %dma_wait3A_183 : memref<1x80xi32, #tpu.memory_space<vmem>> -> memref<80xi32, #tpu.memory_space<vmem>>
          %dma_wait3A_185 = arith.constant 0 : i32
          %dma_wait3A_186 = arith.constant 0 : i32
          %dma_wait3A_187 = tpu.memref_slice %arg17[%dma_wait3A_185, %dma_wait3A_186] : memref<10112x128xf32, #tpu.memory_space<vmem_shared>> -> memref<10112x128xf32, #tpu.memory_space<vmem_shared>>
          tpu.wait_indirect_dma semaphore(%run_scoped3A_175 : memref<!tpu.dma_semaphore, #tpu.memory_space<semaphore_mem>>) src(%arg9 : memref<80x128xf32, #tpu.memory_space<vmem>>) dst(%dma_wait3A_187 : memref<10112x128xf32, #tpu.memory_space<vmem_shared>>)
          tpu.yield
        }) : () -> ()
        %add3A_136 = arith.constant 2 : i32
        %add3A_137 = arith.addi %mul3A_117, %add3A_136 : i32
        %dma_start3A_138 = arith.constant 0 : i32
        %dma_start3A_139 = tpu.memref_slice %arg7[%add3A_137, %dma_start3A_138] : memref<25x80xi32, #tpu.memory_space<vmem>> -> memref<1x80xi32, #tpu.memory_space<vmem>>
        %dma_start3A_140 = tpu.memref_squeeze %dma_start3A_139 : memref<1x80xi32, #tpu.memory_space<vmem>> -> memref<80xi32, #tpu.memory_space<vmem>>
        %dma_start3A_141 = arith.constant 0 : i32
        %dma_start3A_142 = arith.constant 0 : i32
        %dma_start3A_143 = tpu.memref_slice %arg2[%dma_start3A_141, %dma_start3A_142] : memref<10000x128xf32, #tpu.memory_space<hbm>> -> memref<10000x128xf32, #tpu.memory_space<hbm>>
        tpu.enqueue_indirect_dma source(%dma_start3A_143 : memref<10000x128xf32, #tpu.memory_space<hbm>>) target(%arg9 : memref<80x128xf32, #tpu.memory_space<vmem>>) offsets(%dma_start3A_140 : memref<80xi32, #tpu.memory_space<vmem>>) semaphore(%arg13 : memref<!tpu.dma_semaphore, #tpu.memory_space<semaphore_mem>>)
        %mul3A_144 = arith.constant 80 : i32
        %mul3A_145 = arith.muli %add3A_137, %mul3A_144 : i32
        %add3A_146 = arith.addi %add3A_63, %mul3A_145 : i32
        %dma_start3A_147 = arith.constant 0 : i32
        %dma_start3A_148 = tpu.memref_slice %arg3[%add3A_146, %dma_start3A_147] : memref<320000x128xf32, #tpu.memory_space<hbm>> -> memref<80x128xf32, #tpu.memory_space<hbm>>
        %dma_start3A_149 = arith.constant 0 : i32
        %dma_start3A_150 = tpu.memref_slice %arg3[%add3A_146, %dma_start3A_149] : memref<320000x128xf32, #tpu.memory_space<hbm>> -> memref<80x128xf32, #tpu.memory_space<hbm>>
        tpu.enqueue_dma source(%dma_start3A_150 : memref<80x128xf32, #tpu.memory_space<hbm>>) target(%arg11 : memref<80x128xf32, #tpu.memory_space<vmem>>) target_semaphore(%arg15 : memref<!tpu.dma_semaphore, #tpu.memory_space<semaphore_mem>>)
        %add3A_151 = arith.constant 1 : i32
        %add3A_152 = arith.addi %mul3A_117, %add3A_151 : i32
        %dma_wait3A_153 = arith.constant 0 : i32
        %dma_wait3A_154 = tpu.memref_slice %arg7[%add3A_152, %dma_wait3A_153] : memref<25x80xi32, #tpu.memory_space<vmem>> -> memref<1x80xi32, #tpu.memory_space<vmem>>
        %dma_wait3A_155 = tpu.memref_squeeze %dma_wait3A_154 : memref<1x80xi32, #tpu.memory_space<vmem>> -> memref<80xi32, #tpu.memory_space<vmem>>
        %dma_wait3A_156 = arith.constant 0 : i32
        %dma_wait3A_157 = arith.constant 0 : i32
        %dma_wait3A_158 = tpu.memref_slice %arg2[%dma_wait3A_156, %dma_wait3A_157] : memref<10000x128xf32, #tpu.memory_space<hbm>> -> memref<10000x128xf32, #tpu.memory_space<hbm>>
        tpu.wait_indirect_dma semaphore(%arg14 : memref<!tpu.dma_semaphore, #tpu.memory_space<semaphore_mem>>) src(%dma_wait3A_158 : memref<10000x128xf32, #tpu.memory_space<hbm>>) dst(%arg10 : memref<80x128xf32, #tpu.memory_space<vmem>>)
        %mul3A_159 = arith.constant 80 : i32
        %mul3A_160 = arith.muli %add3A_152, %mul3A_159 : i32
        %add3A_161 = arith.addi %add3A_63, %mul3A_160 : i32
        %dma_wait3A_162 = arith.constant 0 : i32
        %dma_wait3A_163 = tpu.memref_slice %arg3[%add3A_161, %dma_wait3A_162] : memref<320000x128xf32, #tpu.memory_space<hbm>> -> memref<80x128xf32, #tpu.memory_space<hbm>>
        %dma_wait3A_164 = arith.constant 0 : i32
        %dma_wait3A_165 = tpu.memref_slice %arg3[%add3A_161, %dma_wait3A_164] : memref<320000x128xf32, #tpu.memory_space<hbm>> -> memref<80x128xf32, #tpu.memory_space<hbm>>
        tpu.wait_dma2 semaphore(%arg16 : memref<!tpu.dma_semaphore, #tpu.memory_space<semaphore_mem>>) src(%dma_wait3A_165 : memref<80x128xf32, #tpu.memory_space<hbm>>) dst(%arg12 : memref<80x128xf32, #tpu.memory_space<vmem>>)
        %scan3A_166 = arith.constant 0 : i32
        %scan3A_167 = arith.constant 80 : i32
        %scan3A_168 = arith.addi %scan3A_166, %scan3A_167 : i32
        %scan3A_169 = arith.constant 1 : i32
        scf.for %scan3A_175 = %scan3A_166 to %scan3A_168 step %scan3A_169  : i32 {
          %mul3A_176 = arith.constant 1 : i32
          %mul3A_177 = arith.muli %scan3A_175, %mul3A_176 : i32
          %add3A_178 = arith.constant 0 : i32
          %add3A_179 = arith.addi %add3A_178, %mul3A_177 : i32
          %get3A = arith.index_cast %add3A_179 : i32 to index
          %get3A_180 = arith.constant 0 : index
          %get3A_181 = tpu.vector_load %arg10[%get3A, %get3A_180] {strides = array<i32>} : memref<80x128xf32, #tpu.memory_space<vmem>>, vector<1x16xf32>,
          %get3A_182 = vector.shape_cast %get3A_181 : vector<1x16xf32> to vector<16xf32>
          %get3A_183 = arith.index_cast %add3A_179 : i32 to index
          %get3A_184 = arith.constant 0 : index
          %get3A_185 = tpu.vector_load %arg12[%get3A_183, %get3A_184] {strides = array<i32>} : memref<80x128xf32, #tpu.memory_space<vmem>>, vector<1x16xf32>,
          %get3A_186 = vector.shape_cast %get3A_185 : vector<1x16xf32> to vector<16xf32>
          %add3A_187 = arith.addf %get3A_182, %get3A_186 : vector<16xf32>
          %max3A = arith.constant 0.000000e+00 : f32
          %max3A_188 = vector.broadcast %max3A : f32 to vector<16xf32>
          %max3A_189 = arith.maximumf %add3A_187, %max3A_188 : vector<16xf32>
          %swap3A = arith.index_cast %add3A_179 : i32 to index
          %swap3A_190 = arith.constant 0 : index
          %swap3A_191 = tpu.vector_load %arg10[%swap3A, %swap3A_190] {strides = array<i32>} : memref<80x128xf32, #tpu.memory_space<vmem>>, vector<1x16xf32>,
          %swap3A_192 = vector.shape_cast %swap3A_191 : vector<1x16xf32> to vector<16xf32>
          %swap3A_193 = vector.shape_cast %max3A_189 : vector<16xf32> to vector<1x16xf32>
          tpu.vector_store %arg10[%swap3A, %swap3A_190], %swap3A_193 {strides = array<i32>} : memref<80x128xf32, #tpu.memory_space<vmem>>, vector<1x16xf32>,
          %get3A_194 = arith.index_cast %add3A_179 : i32 to index
          %get3A_195 = arith.constant 16 : index
          %get3A_196 = tpu.vector_load %arg10[%get3A_194, %get3A_195] {strides = array<i32>} : memref<80x128xf32, #tpu.memory_space<vmem>>, vector<1x16xf32>,
          %get3A_197 = vector.shape_cast %get3A_196 : vector<1x16xf32> to vector<16xf32>
          %get3A_198 = arith.index_cast %add3A_179 : i32 to index
          %get3A_199 = arith.constant 16 : index
          %get3A_200 = tpu.vector_load %arg12[%get3A_198, %get3A_199] {strides = array<i32>} : memref<80x128xf32, #tpu.memory_space<vmem>>, vector<1x16xf32>,
          %get3A_201 = vector.shape_cast %get3A_200 : vector<1x16xf32> to vector<16xf32>
          %add3A_202 = arith.addf %get3A_197, %get3A_201 : vector<16xf32>
          %max3A_203 = arith.constant 0.000000e+00 : f32
          %max3A_204 = vector.broadcast %max3A_203 : f32 to vector<16xf32>
          %max3A_205 = arith.maximumf %add3A_202, %max3A_204 : vector<16xf32>
          %swap3A_206 = arith.index_cast %add3A_179 : i32 to index
          %swap3A_207 = arith.constant 16 : index
          %swap3A_208 = tpu.vector_load %arg10[%swap3A_206, %swap3A_207] {strides = array<i32>} : memref<80x128xf32, #tpu.memory_space<vmem>>, vector<1x16xf32>,
          %swap3A_209 = vector.shape_cast %swap3A_208 : vector<1x16xf32> to vector<16xf32>
          %swap3A_210 = vector.shape_cast %max3A_205 : vector<16xf32> to vector<1x16xf32>
          tpu.vector_store %arg10[%swap3A_206, %swap3A_207], %swap3A_210 {strides = array<i32>} : memref<80x128xf32, #tpu.memory_space<vmem>>, vector<1x16xf32>,
          %get3A_211 = arith.index_cast %add3A_179 : i32 to index
          %get3A_212 = arith.constant 32 : index
          %get3A_213 = tpu.vector_load %arg10[%get3A_211, %get3A_212] {strides = array<i32>} : memref<80x128xf32, #tpu.memory_space<vmem>>, vector<1x16xf32>,
          %get3A_214 = vector.shape_cast %get3A_213 : vector<1x16xf32> to vector<16xf32>
          %get3A_215 = arith.index_cast %add3A_179 : i32 to index
          %get3A_216 = arith.constant 32 : index
          %get3A_217 = tpu.vector_load %arg12[%get3A_215, %get3A_216] {strides = array<i32>} : memref<80x128xf32, #tpu.memory_space<vmem>>, vector<1x16xf32>,
          %get3A_218 = vector.shape_cast %get3A_217 : vector<1x16xf32> to vector<16xf32>
          %add3A_219 = arith.addf %get3A_214, %get3A_218 : vector<16xf32>
          %max3A_220 = arith.constant 0.000000e+00 : f32
          %max3A_221 = vector.broadcast %max3A_220 : f32 to vector<16xf32>
          %max3A_222 = arith.maximumf %add3A_219, %max3A_221 : vector<16xf32>
          %swap3A_223 = arith.index_cast %add3A_179 : i32 to index
          %swap3A_224 = arith.constant 32 : index
          %swap3A_225 = tpu.vector_load %arg10[%swap3A_223, %swap3A_224] {strides = array<i32>} : memref<80x128xf32, #tpu.memory_space<vmem>>, vector<1x16xf32>,
          %swap3A_226 = vector.shape_cast %swap3A_225 : vector<1x16xf32> to vector<16xf32>
          %swap3A_227 = vector.shape_cast %max3A_222 : vector<16xf32> to vector<1x16xf32>
          tpu.vector_store %arg10[%swap3A_223, %swap3A_224], %swap3A_227 {strides = array<i32>} : memref<80x128xf32, #tpu.memory_space<vmem>>, vector<1x16xf32>,
          %get3A_228 = arith.index_cast %add3A_179 : i32 to index
          %get3A_229 = arith.constant 48 : index
          %get3A_230 = tpu.vector_load %arg10[%get3A_228, %get3A_229] {strides = array<i32>} : memref<80x128xf32, #tpu.memory_space<vmem>>, vector<1x16xf32>,
          %get3A_231 = vector.shape_cast %get3A_230 : vector<1x16xf32> to vector<16xf32>
          %get3A_232 = arith.index_cast %add3A_179 : i32 to index
          %get3A_233 = arith.constant 48 : index
          %get3A_234 = tpu.vector_load %arg12[%get3A_232, %get3A_233] {strides = array<i32>} : memref<80x128xf32, #tpu.memory_space<vmem>>, vector<1x16xf32>,
          %get3A_235 = vector.shape_cast %get3A_234 : vector<1x16xf32> to vector<16xf32>
          %add3A_236 = arith.addf %get3A_231, %get3A_235 : vector<16xf32>
          %max3A_237 = arith.constant 0.000000e+00 : f32
          %max3A_238 = vector.broadcast %max3A_237 : f32 to vector<16xf32>
          %max3A_239 = arith.maximumf %add3A_236, %max3A_238 : vector<16xf32>
          %swap3A_240 = arith.index_cast %add3A_179 : i32 to index
          %swap3A_241 = arith.constant 48 : index
          %swap3A_242 = tpu.vector_load %arg10[%swap3A_240, %swap3A_241] {strides = array<i32>} : memref<80x128xf32, #tpu.memory_space<vmem>>, vector<1x16xf32>,
          %swap3A_243 = vector.shape_cast %swap3A_242 : vector<1x16xf32> to vector<16xf32>
          %swap3A_244 = vector.shape_cast %max3A_239 : vector<16xf32> to vector<1x16xf32>
          tpu.vector_store %arg10[%swap3A_240, %swap3A_241], %swap3A_244 {strides = array<i32>} : memref<80x128xf32, #tpu.memory_space<vmem>>, vector<1x16xf32>,
          %get3A_245 = arith.index_cast %add3A_179 : i32 to index
          %get3A_246 = arith.constant 64 : index
          %get3A_247 = tpu.vector_load %arg10[%get3A_245, %get3A_246] {strides = array<i32>} : memref<80x128xf32, #tpu.memory_space<vmem>>, vector<1x16xf32>,
          %get3A_248 = vector.shape_cast %get3A_247 : vector<1x16xf32> to vector<16xf32>
          %get3A_249 = arith.index_cast %add3A_179 : i32 to index
          %get3A_250 = arith.constant 64 : index
          %get3A_251 = tpu.vector_load %arg12[%get3A_249, %get3A_250] {strides = array<i32>} : memref<80x128xf32, #tpu.memory_space<vmem>>, vector<1x16xf32>,
          %get3A_252 = vector.shape_cast %get3A_251 : vector<1x16xf32> to vector<16xf32>
          %add3A_253 = arith.addf %get3A_248, %get3A_252 : vector<16xf32>
          %max3A_254 = arith.constant 0.000000e+00 : f32
          %max3A_255 = vector.broadcast %max3A_254 : f32 to vector<16xf32>
          %max3A_256 = arith.maximumf %add3A_253, %max3A_255 : vector<16xf32>
          %swap3A_257 = arith.index_cast %add3A_179 : i32 to index
          %swap3A_258 = arith.constant 64 : index
          %swap3A_259 = tpu.vector_load %arg10[%swap3A_257, %swap3A_258] {strides = array<i32>} : memref<80x128xf32, #tpu.memory_space<vmem>>, vector<1x16xf32>,
          %swap3A_260 = vector.shape_cast %swap3A_259 : vector<1x16xf32> to vector<16xf32>
          %swap3A_261 = vector.shape_cast %max3A_256 : vector<16xf32> to vector<1x16xf32>
          tpu.vector_store %arg10[%swap3A_257, %swap3A_258], %swap3A_261 {strides = array<i32>} : memref<80x128xf32, #tpu.memory_space<vmem>>, vector<1x16xf32>,
          %get3A_262 = arith.index_cast %add3A_179 : i32 to index
          %get3A_263 = arith.constant 80 : index
          %get3A_264 = tpu.vector_load %arg10[%get3A_262, %get3A_263] {strides = array<i32>} : memref<80x128xf32, #tpu.memory_space<vmem>>, vector<1x16xf32>,
          %get3A_265 = vector.shape_cast %get3A_264 : vector<1x16xf32> to vector<16xf32>
          %get3A_266 = arith.index_cast %add3A_179 : i32 to index
          %get3A_267 = arith.constant 80 : index
          %get3A_268 = tpu.vector_load %arg12[%get3A_266, %get3A_267] {strides = array<i32>} : memref<80x128xf32, #tpu.memory_space<vmem>>, vector<1x16xf32>,
          %get3A_269 = vector.shape_cast %get3A_268 : vector<1x16xf32> to vector<16xf32>
          %add3A_270 = arith.addf %get3A_265, %get3A_269 : vector<16xf32>
          %max3A_271 = arith.constant 0.000000e+00 : f32
          %max3A_272 = vector.broadcast %max3A_271 : f32 to vector<16xf32>
          %max3A_273 = arith.maximumf %add3A_270, %max3A_272 : vector<16xf32>
          %swap3A_274 = arith.index_cast %add3A_179 : i32 to index
          %swap3A_275 = arith.constant 80 : index
          %swap3A_276 = tpu.vector_load %arg10[%swap3A_274, %swap3A_275] {strides = array<i32>} : memref<80x128xf32, #tpu.memory_space<vmem>>, vector<1x16xf32>,
          %swap3A_277 = vector.shape_cast %swap3A_276 : vector<1x16xf32> to vector<16xf32>
          %swap3A_278 = vector.shape_cast %max3A_273 : vector<16xf32> to vector<1x16xf32>
          tpu.vector_store %arg10[%swap3A_274, %swap3A_275], %swap3A_278 {strides = array<i32>} : memref<80x128xf32, #tpu.memory_space<vmem>>, vector<1x16xf32>,
          %get3A_279 = arith.index_cast %add3A_179 : i32 to index
          %get3A_280 = arith.constant 96 : index
          %get3A_281 = tpu.vector_load %arg10[%get3A_279, %get3A_280] {strides = array<i32>} : memref<80x128xf32, #tpu.memory_space<vmem>>, vector<1x16xf32>,
          %get3A_282 = vector.shape_cast %get3A_281 : vector<1x16xf32> to vector<16xf32>
          %get3A_283 = arith.index_cast %add3A_179 : i32 to index
          %get3A_284 = arith.constant 96 : index
          %get3A_285 = tpu.vector_load %arg12[%get3A_283, %get3A_284] {strides = array<i32>} : memref<80x128xf32, #tpu.memory_space<vmem>>, vector<1x16xf32>,
          %get3A_286 = vector.shape_cast %get3A_285 : vector<1x16xf32> to vector<16xf32>
          %add3A_287 = arith.addf %get3A_282, %get3A_286 : vector<16xf32>
          %max3A_288 = arith.constant 0.000000e+00 : f32
          %max3A_289 = vector.broadcast %max3A_288 : f32 to vector<16xf32>
          %max3A_290 = arith.maximumf %add3A_287, %max3A_289 : vector<16xf32>
          %swap3A_291 = arith.index_cast %add3A_179 : i32 to index
          %swap3A_292 = arith.constant 96 : index
          %swap3A_293 = tpu.vector_load %arg10[%swap3A_291, %swap3A_292] {strides = array<i32>} : memref<80x128xf32, #tpu.memory_space<vmem>>, vector<1x16xf32>,
          %swap3A_294 = vector.shape_cast %swap3A_293 : vector<1x16xf32> to vector<16xf32>
          %swap3A_295 = vector.shape_cast %max3A_290 : vector<16xf32> to vector<1x16xf32>
          tpu.vector_store %arg10[%swap3A_291, %swap3A_292], %swap3A_295 {strides = array<i32>} : memref<80x128xf32, #tpu.memory_space<vmem>>, vector<1x16xf32>,
          %get3A_296 = arith.index_cast %add3A_179 : i32 to index
          %get3A_297 = arith.constant 112 : index
          %get3A_298 = tpu.vector_load %arg10[%get3A_296, %get3A_297] {strides = array<i32>} : memref<80x128xf32, #tpu.memory_space<vmem>>, vector<1x16xf32>,
          %get3A_299 = vector.shape_cast %get3A_298 : vector<1x16xf32> to vector<16xf32>
          %get3A_300 = arith.index_cast %add3A_179 : i32 to index
          %get3A_301 = arith.constant 112 : index
          %get3A_302 = tpu.vector_load %arg12[%get3A_300, %get3A_301] {strides = array<i32>} : memref<80x128xf32, #tpu.memory_space<vmem>>, vector<1x16xf32>,
          %get3A_303 = vector.shape_cast %get3A_302 : vector<1x16xf32> to vector<16xf32>
          %add3A_304 = arith.addf %get3A_299, %get3A_303 : vector<16xf32>
          %max3A_305 = arith.constant 0.000000e+00 : f32
          %max3A_306 = vector.broadcast %max3A_305 : f32 to vector<16xf32>
          %max3A_307 = arith.maximumf %add3A_304, %max3A_306 : vector<16xf32>
          %swap3A_308 = arith.index_cast %add3A_179 : i32 to index
          %swap3A_309 = arith.constant 112 : index
          %swap3A_310 = tpu.vector_load %arg10[%swap3A_308, %swap3A_309] {strides = array<i32>} : memref<80x128xf32, #tpu.memory_space<vmem>>, vector<1x16xf32>,
          %swap3A_311 = vector.shape_cast %swap3A_310 : vector<1x16xf32> to vector<16xf32>
          %swap3A_312 = vector.shape_cast %max3A_307 : vector<16xf32> to vector<1x16xf32>
          tpu.vector_store %arg10[%swap3A_308, %swap3A_309], %swap3A_312 {strides = array<i32>} : memref<80x128xf32, #tpu.memory_space<vmem>>, vector<1x16xf32>,
        }
        %scan3A_170 = arith.constant 80 : i32
        "tpu.region"() ({
          %run_scoped3A_175 = tpu.sem_alloc : memref<!tpu.dma_semaphore, #tpu.memory_space<semaphore_mem>>
          %dma_start3A_176 = arith.constant 0 : i32
          %dma_start3A_177 = tpu.memref_slice %arg8[%add3A_152, %dma_start3A_176] : memref<25x80xi32, #tpu.memory_space<vmem>> -> memref<1x80xi32, #tpu.memory_space<vmem>>
          %dma_start3A_178 = tpu.memref_squeeze %dma_start3A_177 : memref<1x80xi32, #tpu.memory_space<vmem>> -> memref<80xi32, #tpu.memory_space<vmem>>
          %dma_start3A_179 = arith.constant 0 : i32
          %dma_start3A_180 = arith.constant 0 : i32
          %dma_start3A_181 = tpu.memref_slice %arg17[%dma_start3A_179, %dma_start3A_180] : memref<10112x128xf32, #tpu.memory_space<vmem_shared>> -> memref<10112x128xf32, #tpu.memory_space<vmem_shared>>
          tpu.enqueue_indirect_dma source(%arg10 : memref<80x128xf32, #tpu.memory_space<vmem>>) target(%dma_start3A_181 : memref<10112x128xf32, #tpu.memory_space<vmem_shared>>) offsets(%dma_start3A_178 : memref<80xi32, #tpu.memory_space<vmem>>) semaphore(%run_scoped3A_175 : memref<!tpu.dma_semaphore, #tpu.memory_space<semaphore_mem>>) {add = true}
          %dma_wait3A_182 = arith.constant 0 : i32
          %dma_wait3A_183 = tpu.memref_slice %arg8[%add3A_152, %dma_wait3A_182] : memref<25x80xi32, #tpu.memory_space<vmem>> -> memref<1x80xi32, #tpu.memory_space<vmem>>
          %dma_wait3A_184 = tpu.memref_squeeze %dma_wait3A_183 : memref<1x80xi32, #tpu.memory_space<vmem>> -> memref<80xi32, #tpu.memory_space<vmem>>
          %dma_wait3A_185 = arith.constant 0 : i32
          %dma_wait3A_186 = arith.constant 0 : i32
          %dma_wait3A_187 = tpu.memref_slice %arg17[%dma_wait3A_185, %dma_wait3A_186] : memref<10112x128xf32, #tpu.memory_space<vmem_shared>> -> memref<10112x128xf32, #tpu.memory_space<vmem_shared>>
          tpu.wait_indirect_dma semaphore(%run_scoped3A_175 : memref<!tpu.dma_semaphore, #tpu.memory_space<semaphore_mem>>) src(%arg10 : memref<80x128xf32, #tpu.memory_space<vmem>>) dst(%dma_wait3A_187 : memref<10112x128xf32, #tpu.memory_space<vmem_shared>>)
          tpu.yield
        }) : () -> ()
        %add3A_171 = arith.constant 2 : i32
        %add3A_172 = arith.addi %add3A_152, %add3A_171 : i32
        %lt3A = arith.constant 25 : i32
        %lt3A_173 = arith.cmpi slt, %add3A_172, %lt3A : i32
        %convert_element_type3A = arith.extui %lt3A_173 : i1 to i32
        %cond3A = arith.constant 0 : i32
        %cond3A_174 = arith.cmpi ne, %convert_element_type3A, %cond3A : i32
        scf.if %cond3A_174 {
          %add3A_175 = arith.constant 2 : i32
          %add3A_176 = arith.addi %add3A_152, %add3A_175 : i32
          %dma_start3A_177 = arith.constant 0 : i32
          %dma_start3A_178 = tpu.memref_slice %arg7[%add3A_176, %dma_start3A_177] : memref<25x80xi32, #tpu.memory_space<vmem>> -> memref<1x80xi32, #tpu.memory_space<vmem>>
          %dma_start3A_179 = tpu.memref_squeeze %dma_start3A_178 : memref<1x80xi32, #tpu.memory_space<vmem>> -> memref<80xi32, #tpu.memory_space<vmem>>
          %dma_start3A_180 = arith.constant 0 : i32
          %dma_start3A_181 = arith.constant 0 : i32
          %dma_start3A_182 = tpu.memref_slice %arg2[%dma_start3A_180, %dma_start3A_181] : memref<10000x128xf32, #tpu.memory_space<hbm>> -> memref<10000x128xf32, #tpu.memory_space<hbm>>
          tpu.enqueue_indirect_dma source(%dma_start3A_182 : memref<10000x128xf32, #tpu.memory_space<hbm>>) target(%arg10 : memref<80x128xf32, #tpu.memory_space<vmem>>) offsets(%dma_start3A_179 : memref<80xi32, #tpu.memory_space<vmem>>) semaphore(%arg14 : memref<!tpu.dma_semaphore, #tpu.memory_space<semaphore_mem>>)
          %mul3A_183 = arith.constant 80 : i32
          %mul3A_184 = arith.muli %add3A_176, %mul3A_183 : i32
          %add3A_185 = arith.addi %add3A_63, %mul3A_184 : i32
          %dma_start3A_186 = arith.constant 0 : i32
          %dma_start3A_187 = tpu.memref_slice %arg3[%add3A_185, %dma_start3A_186] : memref<320000x128xf32, #tpu.memory_space<hbm>> -> memref<80x128xf32, #tpu.memory_space<hbm>>
          %dma_start3A_188 = arith.constant 0 : i32
          %dma_start3A_189 = tpu.memref_slice %arg3[%add3A_185, %dma_start3A_188] : memref<320000x128xf32, #tpu.memory_space<hbm>> -> memref<80x128xf32, #tpu.memory_space<hbm>>
          tpu.enqueue_dma source(%dma_start3A_189 : memref<80x128xf32, #tpu.memory_space<hbm>>) target(%arg12 : memref<80x128xf32, #tpu.memory_space<vmem>>) target_semaphore(%arg16 : memref<!tpu.dma_semaphore, #tpu.memory_space<semaphore_mem>>)
        } else {
        }
      }
      %scan3A_93 = arith.constant 12 : i32
      %dma_wait3A = arith.constant 24 : i32
      %dma_wait3A_94 = arith.constant 0 : i32
      %dma_wait3A_95 = tpu.memref_slice %arg7[%dma_wait3A, %dma_wait3A_94] : memref<25x80xi32, #tpu.memory_space<vmem>> -> memref<1x80xi32, #tpu.memory_space<vmem>>
      %dma_wait3A_96 = tpu.memref_squeeze %dma_wait3A_95 : memref<1x80xi32, #tpu.memory_space<vmem>> -> memref<80xi32, #tpu.memory_space<vmem>>
      %dma_wait3A_97 = arith.constant 0 : i32
      %dma_wait3A_98 = arith.constant 0 : i32
      %dma_wait3A_99 = tpu.memref_slice %arg2[%dma_wait3A_97, %dma_wait3A_98] : memref<10000x128xf32, #tpu.memory_space<hbm>> -> memref<10000x128xf32, #tpu.memory_space<hbm>>
      tpu.wait_indirect_dma semaphore(%arg13 : memref<!tpu.dma_semaphore, #tpu.memory_space<semaphore_mem>>) src(%dma_wait3A_99 : memref<10000x128xf32, #tpu.memory_space<hbm>>) dst(%arg9 : memref<80x128xf32, #tpu.memory_space<vmem>>)
      %add3A_100 = arith.constant 1920 : i32
      %add3A_101 = arith.addi %add3A_63, %add3A_100 : i32
      %dma_wait3A_102 = arith.constant 0 : i32
      %dma_wait3A_103 = tpu.memref_slice %arg3[%add3A_101, %dma_wait3A_102] : memref<320000x128xf32, #tpu.memory_space<hbm>> -> memref<80x128xf32, #tpu.memory_space<hbm>>
      %dma_wait3A_104 = arith.constant 0 : i32
      %dma_wait3A_105 = tpu.memref_slice %arg3[%add3A_101, %dma_wait3A_104] : memref<320000x128xf32, #tpu.memory_space<hbm>> -> memref<80x128xf32, #tpu.memory_space<hbm>>
      tpu.wait_dma2 semaphore(%arg15 : memref<!tpu.dma_semaphore, #tpu.memory_space<semaphore_mem>>) src(%dma_wait3A_105 : memref<80x128xf32, #tpu.memory_space<hbm>>) dst(%arg11 : memref<80x128xf32, #tpu.memory_space<vmem>>)
      %scan3A_106 = arith.constant 0 : i32
      %scan3A_107 = arith.constant 80 : i32
      %scan3A_108 = arith.addi %scan3A_106, %scan3A_107 : i32
      %scan3A_109 = arith.constant 1 : i32
      scf.for %scan3A_111 = %scan3A_106 to %scan3A_108 step %scan3A_109  : i32 {
        %mul3A_112 = arith.constant 1 : i32
        %mul3A_113 = arith.muli %scan3A_111, %mul3A_112 : i32
        %add3A_114 = arith.constant 0 : i32
        %add3A_115 = arith.addi %add3A_114, %mul3A_113 : i32
        %get3A = arith.index_cast %add3A_115 : i32 to index
        %get3A_116 = arith.constant 0 : index
        %get3A_117 = tpu.vector_load %arg9[%get3A, %get3A_116] {strides = array<i32>} : memref<80x128xf32, #tpu.memory_space<vmem>>, vector<1x16xf32>,
        %get3A_118 = vector.shape_cast %get3A_117 : vector<1x16xf32> to vector<16xf32>
        %get3A_119 = arith.index_cast %add3A_115 : i32 to index
        %get3A_120 = arith.constant 0 : index
        %get3A_121 = tpu.vector_load %arg11[%get3A_119, %get3A_120] {strides = array<i32>} : memref<80x128xf32, #tpu.memory_space<vmem>>, vector<1x16xf32>,
        %get3A_122 = vector.shape_cast %get3A_121 : vector<1x16xf32> to vector<16xf32>
        %add3A_123 = arith.addf %get3A_118, %get3A_122 : vector<16xf32>
        %max3A = arith.constant 0.000000e+00 : f32
        %max3A_124 = vector.broadcast %max3A : f32 to vector<16xf32>
        %max3A_125 = arith.maximumf %add3A_123, %max3A_124 : vector<16xf32>
        %swap3A = arith.index_cast %add3A_115 : i32 to index
        %swap3A_126 = arith.constant 0 : index
        %swap3A_127 = tpu.vector_load %arg9[%swap3A, %swap3A_126] {strides = array<i32>} : memref<80x128xf32, #tpu.memory_space<vmem>>, vector<1x16xf32>,
        %swap3A_128 = vector.shape_cast %swap3A_127 : vector<1x16xf32> to vector<16xf32>
        %swap3A_129 = vector.shape_cast %max3A_125 : vector<16xf32> to vector<1x16xf32>
        tpu.vector_store %arg9[%swap3A, %swap3A_126], %swap3A_129 {strides = array<i32>} : memref<80x128xf32, #tpu.memory_space<vmem>>, vector<1x16xf32>,
        %get3A_130 = arith.index_cast %add3A_115 : i32 to index
        %get3A_131 = arith.constant 16 : index
        %get3A_132 = tpu.vector_load %arg9[%get3A_130, %get3A_131] {strides = array<i32>} : memref<80x128xf32, #tpu.memory_space<vmem>>, vector<1x16xf32>,
        %get3A_133 = vector.shape_cast %get3A_132 : vector<1x16xf32> to vector<16xf32>
        %get3A_134 = arith.index_cast %add3A_115 : i32 to index
        %get3A_135 = arith.constant 16 : index
        %get3A_136 = tpu.vector_load %arg11[%get3A_134, %get3A_135] {strides = array<i32>} : memref<80x128xf32, #tpu.memory_space<vmem>>, vector<1x16xf32>,
        %get3A_137 = vector.shape_cast %get3A_136 : vector<1x16xf32> to vector<16xf32>
        %add3A_138 = arith.addf %get3A_133, %get3A_137 : vector<16xf32>
        %max3A_139 = arith.constant 0.000000e+00 : f32
        %max3A_140 = vector.broadcast %max3A_139 : f32 to vector<16xf32>
        %max3A_141 = arith.maximumf %add3A_138, %max3A_140 : vector<16xf32>
        %swap3A_142 = arith.index_cast %add3A_115 : i32 to index
        %swap3A_143 = arith.constant 16 : index
        %swap3A_144 = tpu.vector_load %arg9[%swap3A_142, %swap3A_143] {strides = array<i32>} : memref<80x128xf32, #tpu.memory_space<vmem>>, vector<1x16xf32>,
        %swap3A_145 = vector.shape_cast %swap3A_144 : vector<1x16xf32> to vector<16xf32>
        %swap3A_146 = vector.shape_cast %max3A_141 : vector<16xf32> to vector<1x16xf32>
        tpu.vector_store %arg9[%swap3A_142, %swap3A_143], %swap3A_146 {strides = array<i32>} : memref<80x128xf32, #tpu.memory_space<vmem>>, vector<1x16xf32>,
        %get3A_147 = arith.index_cast %add3A_115 : i32 to index
        %get3A_148 = arith.constant 32 : index
        %get3A_149 = tpu.vector_load %arg9[%get3A_147, %get3A_148] {strides = array<i32>} : memref<80x128xf32, #tpu.memory_space<vmem>>, vector<1x16xf32>,
        %get3A_150 = vector.shape_cast %get3A_149 : vector<1x16xf32> to vector<16xf32>
        %get3A_151 = arith.index_cast %add3A_115 : i32 to index
        %get3A_152 = arith.constant 32 : index
        %get3A_153 = tpu.vector_load %arg11[%get3A_151, %get3A_152] {strides = array<i32>} : memref<80x128xf32, #tpu.memory_space<vmem>>, vector<1x16xf32>,
        %get3A_154 = vector.shape_cast %get3A_153 : vector<1x16xf32> to vector<16xf32>
        %add3A_155 = arith.addf %get3A_150, %get3A_154 : vector<16xf32>
        %max3A_156 = arith.constant 0.000000e+00 : f32
        %max3A_157 = vector.broadcast %max3A_156 : f32 to vector<16xf32>
        %max3A_158 = arith.maximumf %add3A_155, %max3A_157 : vector<16xf32>
        %swap3A_159 = arith.index_cast %add3A_115 : i32 to index
        %swap3A_160 = arith.constant 32 : index
        %swap3A_161 = tpu.vector_load %arg9[%swap3A_159, %swap3A_160] {strides = array<i32>} : memref<80x128xf32, #tpu.memory_space<vmem>>, vector<1x16xf32>,
        %swap3A_162 = vector.shape_cast %swap3A_161 : vector<1x16xf32> to vector<16xf32>
        %swap3A_163 = vector.shape_cast %max3A_158 : vector<16xf32> to vector<1x16xf32>
        tpu.vector_store %arg9[%swap3A_159, %swap3A_160], %swap3A_163 {strides = array<i32>} : memref<80x128xf32, #tpu.memory_space<vmem>>, vector<1x16xf32>,
        %get3A_164 = arith.index_cast %add3A_115 : i32 to index
        %get3A_165 = arith.constant 48 : index
        %get3A_166 = tpu.vector_load %arg9[%get3A_164, %get3A_165] {strides = array<i32>} : memref<80x128xf32, #tpu.memory_space<vmem>>, vector<1x16xf32>,
        %get3A_167 = vector.shape_cast %get3A_166 : vector<1x16xf32> to vector<16xf32>
        %get3A_168 = arith.index_cast %add3A_115 : i32 to index
        %get3A_169 = arith.constant 48 : index
        %get3A_170 = tpu.vector_load %arg11[%get3A_168, %get3A_169] {strides = array<i32>} : memref<80x128xf32, #tpu.memory_space<vmem>>, vector<1x16xf32>,
        %get3A_171 = vector.shape_cast %get3A_170 : vector<1x16xf32> to vector<16xf32>
        %add3A_172 = arith.addf %get3A_167, %get3A_171 : vector<16xf32>
        %max3A_173 = arith.constant 0.000000e+00 : f32
        %max3A_174 = vector.broadcast %max3A_173 : f32 to vector<16xf32>
        %max3A_175 = arith.maximumf %add3A_172, %max3A_174 : vector<16xf32>
        %swap3A_176 = arith.index_cast %add3A_115 : i32 to index
        %swap3A_177 = arith.constant 48 : index
        %swap3A_178 = tpu.vector_load %arg9[%swap3A_176, %swap3A_177] {strides = array<i32>} : memref<80x128xf32, #tpu.memory_space<vmem>>, vector<1x16xf32>,
        %swap3A_179 = vector.shape_cast %swap3A_178 : vector<1x16xf32> to vector<16xf32>
        %swap3A_180 = vector.shape_cast %max3A_175 : vector<16xf32> to vector<1x16xf32>
        tpu.vector_store %arg9[%swap3A_176, %swap3A_177], %swap3A_180 {strides = array<i32>} : memref<80x128xf32, #tpu.memory_space<vmem>>, vector<1x16xf32>,
        %get3A_181 = arith.index_cast %add3A_115 : i32 to index
        %get3A_182 = arith.constant 64 : index
        %get3A_183 = tpu.vector_load %arg9[%get3A_181, %get3A_182] {strides = array<i32>} : memref<80x128xf32, #tpu.memory_space<vmem>>, vector<1x16xf32>,
        %get3A_184 = vector.shape_cast %get3A_183 : vector<1x16xf32> to vector<16xf32>
        %get3A_185 = arith.index_cast %add3A_115 : i32 to index
        %get3A_186 = arith.constant 64 : index
        %get3A_187 = tpu.vector_load %arg11[%get3A_185, %get3A_186] {strides = array<i32>} : memref<80x128xf32, #tpu.memory_space<vmem>>, vector<1x16xf32>,
        %get3A_188 = vector.shape_cast %get3A_187 : vector<1x16xf32> to vector<16xf32>
        %add3A_189 = arith.addf %get3A_184, %get3A_188 : vector<16xf32>
        %max3A_190 = arith.constant 0.000000e+00 : f32
        %max3A_191 = vector.broadcast %max3A_190 : f32 to vector<16xf32>
        %max3A_192 = arith.maximumf %add3A_189, %max3A_191 : vector<16xf32>
        %swap3A_193 = arith.index_cast %add3A_115 : i32 to index
        %swap3A_194 = arith.constant 64 : index
        %swap3A_195 = tpu.vector_load %arg9[%swap3A_193, %swap3A_194] {strides = array<i32>} : memref<80x128xf32, #tpu.memory_space<vmem>>, vector<1x16xf32>,
        %swap3A_196 = vector.shape_cast %swap3A_195 : vector<1x16xf32> to vector<16xf32>
        %swap3A_197 = vector.shape_cast %max3A_192 : vector<16xf32> to vector<1x16xf32>
        tpu.vector_store %arg9[%swap3A_193, %swap3A_194], %swap3A_197 {strides = array<i32>} : memref<80x128xf32, #tpu.memory_space<vmem>>, vector<1x16xf32>,
        %get3A_198 = arith.index_cast %add3A_115 : i32 to index
        %get3A_199 = arith.constant 80 : index
        %get3A_200 = tpu.vector_load %arg9[%get3A_198, %get3A_199] {strides = array<i32>} : memref<80x128xf32, #tpu.memory_space<vmem>>, vector<1x16xf32>,
        %get3A_201 = vector.shape_cast %get3A_200 : vector<1x16xf32> to vector<16xf32>
        %get3A_202 = arith.index_cast %add3A_115 : i32 to index
        %get3A_203 = arith.constant 80 : index
        %get3A_204 = tpu.vector_load %arg11[%get3A_202, %get3A_203] {strides = array<i32>} : memref<80x128xf32, #tpu.memory_space<vmem>>, vector<1x16xf32>,
        %get3A_205 = vector.shape_cast %get3A_204 : vector<1x16xf32> to vector<16xf32>
        %add3A_206 = arith.addf %get3A_201, %get3A_205 : vector<16xf32>
        %max3A_207 = arith.constant 0.000000e+00 : f32
        %max3A_208 = vector.broadcast %max3A_207 : f32 to vector<16xf32>
        %max3A_209 = arith.maximumf %add3A_206, %max3A_208 : vector<16xf32>
        %swap3A_210 = arith.index_cast %add3A_115 : i32 to index
        %swap3A_211 = arith.constant 80 : index
        %swap3A_212 = tpu.vector_load %arg9[%swap3A_210, %swap3A_211] {strides = array<i32>} : memref<80x128xf32, #tpu.memory_space<vmem>>, vector<1x16xf32>,
        %swap3A_213 = vector.shape_cast %swap3A_212 : vector<1x16xf32> to vector<16xf32>
        %swap3A_214 = vector.shape_cast %max3A_209 : vector<16xf32> to vector<1x16xf32>
        tpu.vector_store %arg9[%swap3A_210, %swap3A_211], %swap3A_214 {strides = array<i32>} : memref<80x128xf32, #tpu.memory_space<vmem>>, vector<1x16xf32>,
        %get3A_215 = arith.index_cast %add3A_115 : i32 to index
        %get3A_216 = arith.constant 96 : index
        %get3A_217 = tpu.vector_load %arg9[%get3A_215, %get3A_216] {strides = array<i32>} : memref<80x128xf32, #tpu.memory_space<vmem>>, vector<1x16xf32>,
        %get3A_218 = vector.shape_cast %get3A_217 : vector<1x16xf32> to vector<16xf32>
        %get3A_219 = arith.index_cast %add3A_115 : i32 to index
        %get3A_220 = arith.constant 96 : index
        %get3A_221 = tpu.vector_load %arg11[%get3A_219, %get3A_220] {strides = array<i32>} : memref<80x128xf32, #tpu.memory_space<vmem>>, vector<1x16xf32>,
        %get3A_222 = vector.shape_cast %get3A_221 : vector<1x16xf32> to vector<16xf32>
        %add3A_223 = arith.addf %get3A_218, %get3A_222 : vector<16xf32>
        %max3A_224 = arith.constant 0.000000e+00 : f32
        %max3A_225 = vector.broadcast %max3A_224 : f32 to vector<16xf32>
        %max3A_226 = arith.maximumf %add3A_223, %max3A_225 : vector<16xf32>
        %swap3A_227 = arith.index_cast %add3A_115 : i32 to index
        %swap3A_228 = arith.constant 96 : index
        %swap3A_229 = tpu.vector_load %arg9[%swap3A_227, %swap3A_228] {strides = array<i32>} : memref<80x128xf32, #tpu.memory_space<vmem>>, vector<1x16xf32>,
        %swap3A_230 = vector.shape_cast %swap3A_229 : vector<1x16xf32> to vector<16xf32>
        %swap3A_231 = vector.shape_cast %max3A_226 : vector<16xf32> to vector<1x16xf32>
        tpu.vector_store %arg9[%swap3A_227, %swap3A_228], %swap3A_231 {strides = array<i32>} : memref<80x128xf32, #tpu.memory_space<vmem>>, vector<1x16xf32>,
        %get3A_232 = arith.index_cast %add3A_115 : i32 to index
        %get3A_233 = arith.constant 112 : index
        %get3A_234 = tpu.vector_load %arg9[%get3A_232, %get3A_233] {strides = array<i32>} : memref<80x128xf32, #tpu.memory_space<vmem>>, vector<1x16xf32>,
        %get3A_235 = vector.shape_cast %get3A_234 : vector<1x16xf32> to vector<16xf32>
        %get3A_236 = arith.index_cast %add3A_115 : i32 to index
        %get3A_237 = arith.constant 112 : index
        %get3A_238 = tpu.vector_load %arg11[%get3A_236, %get3A_237] {strides = array<i32>} : memref<80x128xf32, #tpu.memory_space<vmem>>, vector<1x16xf32>,
        %get3A_239 = vector.shape_cast %get3A_238 : vector<1x16xf32> to vector<16xf32>
        %add3A_240 = arith.addf %get3A_235, %get3A_239 : vector<16xf32>
        %max3A_241 = arith.constant 0.000000e+00 : f32
        %max3A_242 = vector.broadcast %max3A_241 : f32 to vector<16xf32>
        %max3A_243 = arith.maximumf %add3A_240, %max3A_242 : vector<16xf32>
        %swap3A_244 = arith.index_cast %add3A_115 : i32 to index
        %swap3A_245 = arith.constant 112 : index
        %swap3A_246 = tpu.vector_load %arg9[%swap3A_244, %swap3A_245] {strides = array<i32>} : memref<80x128xf32, #tpu.memory_space<vmem>>, vector<1x16xf32>,
        %swap3A_247 = vector.shape_cast %swap3A_246 : vector<1x16xf32> to vector<16xf32>
        %swap3A_248 = vector.shape_cast %max3A_243 : vector<16xf32> to vector<1x16xf32>
        tpu.vector_store %arg9[%swap3A_244, %swap3A_245], %swap3A_248 {strides = array<i32>} : memref<80x128xf32, #tpu.memory_space<vmem>>, vector<1x16xf32>,
      }
      %scan3A_110 = arith.constant 80 : i32
      %run_scoped3A = arith.constant 24 : i32
      "tpu.region"() ({
        %run_scoped3A_111 = tpu.sem_alloc : memref<!tpu.dma_semaphore, #tpu.memory_space<semaphore_mem>>
        %dma_start3A_112 = arith.constant 0 : i32
        %dma_start3A_113 = tpu.memref_slice %arg8[%run_scoped3A, %dma_start3A_112] : memref<25x80xi32, #tpu.memory_space<vmem>> -> memref<1x80xi32, #tpu.memory_space<vmem>>
        %dma_start3A_114 = tpu.memref_squeeze %dma_start3A_113 : memref<1x80xi32, #tpu.memory_space<vmem>> -> memref<80xi32, #tpu.memory_space<vmem>>
        %dma_start3A_115 = arith.constant 0 : i32
        %dma_start3A_116 = arith.constant 0 : i32
        %dma_start3A_117 = tpu.memref_slice %arg17[%dma_start3A_115, %dma_start3A_116] : memref<10112x128xf32, #tpu.memory_space<vmem_shared>> -> memref<10112x128xf32, #tpu.memory_space<vmem_shared>>
        tpu.enqueue_indirect_dma source(%arg9 : memref<80x128xf32, #tpu.memory_space<vmem>>) target(%dma_start3A_117 : memref<10112x128xf32, #tpu.memory_space<vmem_shared>>) offsets(%dma_start3A_114 : memref<80xi32, #tpu.memory_space<vmem>>) semaphore(%run_scoped3A_111 : memref<!tpu.dma_semaphore, #tpu.memory_space<semaphore_mem>>) {add = true}
        %dma_wait3A_118 = arith.constant 0 : i32
        %dma_wait3A_119 = tpu.memref_slice %arg8[%run_scoped3A, %dma_wait3A_118] : memref<25x80xi32, #tpu.memory_space<vmem>> -> memref<1x80xi32, #tpu.memory_space<vmem>>
        %dma_wait3A_120 = tpu.memref_squeeze %dma_wait3A_119 : memref<1x80xi32, #tpu.memory_space<vmem>> -> memref<80xi32, #tpu.memory_space<vmem>>
        %dma_wait3A_121 = arith.constant 0 : i32
        %dma_wait3A_122 = arith.constant 0 : i32
        %dma_wait3A_123 = tpu.memref_slice %arg17[%dma_wait3A_121, %dma_wait3A_122] : memref<10112x128xf32, #tpu.memory_space<vmem_shared>> -> memref<10112x128xf32, #tpu.memory_space<vmem_shared>>
        tpu.wait_indirect_dma semaphore(%run_scoped3A_111 : memref<!tpu.dma_semaphore, #tpu.memory_space<semaphore_mem>>) src(%arg9 : memref<80x128xf32, #tpu.memory_space<vmem>>) dst(%dma_wait3A_123 : memref<10112x128xf32, #tpu.memory_space<vmem_shared>>)
        tpu.yield
      }) : () -> ()
    }
    %scan3A_29 = arith.constant 5 : i32
    %barrier3A_30 = arith.constant 0 : index
    tpu.barrier barrier_id(%barrier3A_30)
    %add3A_31 = arith.constant 0 : i32
    %add3A_32 = arith.addi %mul3A_6, %add3A_31 : i32
    %mul3A_33 = arith.constant 10112 : i32
    %mul3A_34 = arith.muli %arg0, %mul3A_33 : i32
    %add3A_35 = arith.addi %mul3A_34, %add3A_32 : i32
    "tpu.region"() ({
      %run_scoped3A = tpu.sem_alloc : memref<!tpu.dma_semaphore, #tpu.memory_space<semaphore_mem>>
      %dma_start3A = arith.constant 0 : i32
      %dma_start3A_56 = tpu.memref_slice %arg6[%add3A_35, %dma_start3A] : memref<20224x128xf32, #tpu.memory_space<hbm>> -> memref<128x128xf32, #tpu.memory_space<hbm>>
      %dma_start3A_57 = arith.constant 0 : i32
      %dma_start3A_58 = tpu.memref_slice %arg17[%add3A_32, %dma_start3A_57] : memref<10112x128xf32, #tpu.memory_space<vmem_shared>> -> memref<128x128xf32, #tpu.memory_space<vmem_shared>>
      tpu.enqueue_dma source(%dma_start3A_58 : memref<128x128xf32, #tpu.memory_space<vmem_shared>>) target(%dma_start3A_56 : memref<128x128xf32, #tpu.memory_space<hbm>>) target_semaphore(%run_scoped3A : memref<!tpu.dma_semaphore, #tpu.memory_space<semaphore_mem>>)
      %dma_wait3A = arith.constant 0 : i32
      %dma_wait3A_59 = tpu.memref_slice %arg6[%add3A_35, %dma_wait3A] : memref<20224x128xf32, #tpu.memory_space<hbm>> -> memref<128x128xf32, #tpu.memory_space<hbm>>
      %dma_wait3A_60 = arith.constant 0 : i32
      %dma_wait3A_61 = tpu.memref_slice %arg17[%add3A_32, %dma_wait3A_60] : memref<10112x128xf32, #tpu.memory_space<vmem_shared>> -> memref<128x128xf32, #tpu.memory_space<vmem_shared>>
      tpu.wait_dma2 semaphore(%run_scoped3A : memref<!tpu.dma_semaphore, #tpu.memory_space<semaphore_mem>>) src(%dma_wait3A_61 : memref<128x128xf32, #tpu.memory_space<vmem_shared>>) dst(%dma_wait3A_59 : memref<128x128xf32, #tpu.memory_space<hbm>>)
      tpu.yield
    }) : () -> ()
    %add3A_36 = arith.constant 128 : i32
    %add3A_37 = arith.addi %mul3A_6, %add3A_36 : i32
    %mul3A_38 = arith.constant 10112 : i32
    %mul3A_39 = arith.muli %arg0, %mul3A_38 : i32
    %add3A_40 = arith.addi %mul3A_39, %add3A_37 : i32
    "tpu.region"() ({
      %run_scoped3A = tpu.sem_alloc : memref<!tpu.dma_semaphore, #tpu.memory_space<semaphore_mem>>
      %dma_start3A = arith.constant 0 : i32
      %dma_start3A_56 = tpu.memref_slice %arg6[%add3A_40, %dma_start3A] : memref<20224x128xf32, #tpu.memory_space<hbm>> -> memref<128x128xf32, #tpu.memory_space<hbm>>
      %dma_start3A_57 = arith.constant 0 : i32
      %dma_start3A_58 = tpu.memref_slice %arg17[%add3A_37, %dma_start3A_57] : memref<10112x128xf32, #tpu.memory_space<vmem_shared>> -> memref<128x128xf32, #tpu.memory_space<vmem_shared>>
      tpu.enqueue_dma source(%dma_start3A_58 : memref<128x128xf32, #tpu.memory_space<vmem_shared>>) target(%dma_start3A_56 : memref<128x128xf32, #tpu.memory_space<hbm>>) target_semaphore(%run_scoped3A : memref<!tpu.dma_semaphore, #tpu.memory_space<semaphore_mem>>)
      %dma_wait3A = arith.constant 0 : i32
      %dma_wait3A_59 = tpu.memref_slice %arg6[%add3A_40, %dma_wait3A] : memref<20224x128xf32, #tpu.memory_space<hbm>> -> memref<128x128xf32, #tpu.memory_space<hbm>>
      %dma_wait3A_60 = arith.constant 0 : i32
      %dma_wait3A_61 = tpu.memref_slice %arg17[%add3A_37, %dma_wait3A_60] : memref<10112x128xf32, #tpu.memory_space<vmem_shared>> -> memref<128x128xf32, #tpu.memory_space<vmem_shared>>
      tpu.wait_dma2 semaphore(%run_scoped3A : memref<!tpu.dma_semaphore, #tpu.memory_space<semaphore_mem>>) src(%dma_wait3A_61 : memref<128x128xf32, #tpu.memory_space<vmem_shared>>) dst(%dma_wait3A_59 : memref<128x128xf32, #tpu.memory_space<hbm>>)
      tpu.yield
    }) : () -> ()
    %add3A_41 = arith.constant 256 : i32
    %add3A_42 = arith.addi %mul3A_6, %add3A_41 : i32
    %mul3A_43 = arith.constant 10112 : i32
    %mul3A_44 = arith.muli %arg0, %mul3A_43 : i32
    %add3A_45 = arith.addi %mul3A_44, %add3A_42 : i32
    "tpu.region"() ({
      %run_scoped3A = tpu.sem_alloc : memref<!tpu.dma_semaphore, #tpu.memory_space<semaphore_mem>>
      %dma_start3A = arith.constant 0 : i32
      %dma_start3A_56 = tpu.memref_slice %arg6[%add3A_45, %dma_start3A] : memref<20224x128xf32, #tpu.memory_space<hbm>> -> memref<128x128xf32, #tpu.memory_space<hbm>>
      %dma_start3A_57 = arith.constant 0 : i32
      %dma_start3A_58 = tpu.memref_slice %arg17[%add3A_42, %dma_start3A_57] : memref<10112x128xf32, #tpu.memory_space<vmem_shared>> -> memref<128x128xf32, #tpu.memory_space<vmem_shared>>
      tpu.enqueue_dma source(%dma_start3A_58 : memref<128x128xf32, #tpu.memory_space<vmem_shared>>) target(%dma_start3A_56 : memref<128x128xf32, #tpu.memory_space<hbm>>) target_semaphore(%run_scoped3A : memref<!tpu.dma_semaphore, #tpu.memory_space<semaphore_mem>>)
      %dma_wait3A = arith.constant 0 : i32
      %dma_wait3A_59 = tpu.memref_slice %arg6[%add3A_45, %dma_wait3A] : memref<20224x128xf32, #tpu.memory_space<hbm>> -> memref<128x128xf32, #tpu.memory_space<hbm>>
      %dma_wait3A_60 = arith.constant 0 : i32
      %dma_wait3A_61 = tpu.memref_slice %arg17[%add3A_42, %dma_wait3A_60] : memref<10112x128xf32, #tpu.memory_space<vmem_shared>> -> memref<128x128xf32, #tpu.memory_space<vmem_shared>>
      tpu.wait_dma2 semaphore(%run_scoped3A : memref<!tpu.dma_semaphore, #tpu.memory_space<semaphore_mem>>) src(%dma_wait3A_61 : memref<128x128xf32, #tpu.memory_space<vmem_shared>>) dst(%dma_wait3A_59 : memref<128x128xf32, #tpu.memory_space<hbm>>)
      tpu.yield
    }) : () -> ()
    %add3A_46 = arith.constant 384 : i32
    %add3A_47 = arith.addi %mul3A_6, %add3A_46 : i32
    %mul3A_48 = arith.constant 10112 : i32
    %mul3A_49 = arith.muli %arg0, %mul3A_48 : i32
    %add3A_50 = arith.addi %mul3A_49, %add3A_47 : i32
    "tpu.region"() ({
      %run_scoped3A = tpu.sem_alloc : memref<!tpu.dma_semaphore, #tpu.memory_space<semaphore_mem>>
      %dma_start3A = arith.constant 0 : i32
      %dma_start3A_56 = tpu.memref_slice %arg6[%add3A_50, %dma_start3A] : memref<20224x128xf32, #tpu.memory_space<hbm>> -> memref<128x128xf32, #tpu.memory_space<hbm>>
      %dma_start3A_57 = arith.constant 0 : i32
      %dma_start3A_58 = tpu.memref_slice %arg17[%add3A_47, %dma_start3A_57] : memref<10112x128xf32, #tpu.memory_space<vmem_shared>> -> memref<128x128xf32, #tpu.memory_space<vmem_shared>>
      tpu.enqueue_dma source(%dma_start3A_58 : memref<128x128xf32, #tpu.memory_space<vmem_shared>>) target(%dma_start3A_56 : memref<128x128xf32, #tpu.memory_space<hbm>>) target_semaphore(%run_scoped3A : memref<!tpu.dma_semaphore, #tpu.memory_space<semaphore_mem>>)
      %dma_wait3A = arith.constant 0 : i32
      %dma_wait3A_59 = tpu.memref_slice %arg6[%add3A_50, %dma_wait3A] : memref<20224x128xf32, #tpu.memory_space<hbm>> -> memref<128x128xf32, #tpu.memory_space<hbm>>
      %dma_wait3A_60 = arith.constant 0 : i32
      %dma_wait3A_61 = tpu.memref_slice %arg17[%add3A_47, %dma_wait3A_60] : memref<10112x128xf32, #tpu.memory_space<vmem_shared>> -> memref<128x128xf32, #tpu.memory_space<vmem_shared>>
      tpu.wait_dma2 semaphore(%run_scoped3A : memref<!tpu.dma_semaphore, #tpu.memory_space<semaphore_mem>>) src(%dma_wait3A_61 : memref<128x128xf32, #tpu.memory_space<vmem_shared>>) dst(%dma_wait3A_59 : memref<128x128xf32, #tpu.memory_space<hbm>>)
      tpu.yield
    }) : () -> ()
    %add3A_51 = arith.constant 512 : i32
    %add3A_52 = arith.addi %mul3A_6, %add3A_51 : i32
    %mul3A_53 = arith.constant 10112 : i32
    %mul3A_54 = arith.muli %arg0, %mul3A_53 : i32
    %add3A_55 = arith.addi %mul3A_54, %add3A_52 : i32
    "tpu.region"() ({
      %run_scoped3A = tpu.sem_alloc : memref<!tpu.dma_semaphore, #tpu.memory_space<semaphore_mem>>
      %dma_start3A = arith.constant 0 : i32
      %dma_start3A_56 = tpu.memref_slice %arg6[%add3A_55, %dma_start3A] : memref<20224x128xf32, #tpu.memory_space<hbm>> -> memref<120x128xf32, #tpu.memory_space<hbm>>
      %dma_start3A_57 = arith.constant 0 : i32
      %dma_start3A_58 = tpu.memref_slice %arg17[%add3A_52, %dma_start3A_57] : memref<10112x128xf32, #tpu.memory_space<vmem_shared>> -> memref<120x128xf32, #tpu.memory_space<vmem_shared>>
      tpu.enqueue_dma source(%dma_start3A_58 : memref<120x128xf32, #tpu.memory_space<vmem_shared>>) target(%dma_start3A_56 : memref<120x128xf32, #tpu.memory_space<hbm>>) target_semaphore(%run_scoped3A : memref<!tpu.dma_semaphore, #tpu.memory_space<semaphore_mem>>)
      %dma_wait3A = arith.constant 0 : i32
      %dma_wait3A_59 = tpu.memref_slice %arg6[%add3A_55, %dma_wait3A] : memref<20224x128xf32, #tpu.memory_space<hbm>> -> memref<120x128xf32, #tpu.memory_space<hbm>>
      %dma_wait3A_60 = arith.constant 0 : i32
      %dma_wait3A_61 = tpu.memref_slice %arg17[%add3A_52, %dma_wait3A_60] : memref<10112x128xf32, #tpu.memory_space<vmem_shared>> -> memref<120x128xf32, #tpu.memory_space<vmem_shared>>
      tpu.wait_dma2 semaphore(%run_scoped3A : memref<!tpu.dma_semaphore, #tpu.memory_space<semaphore_mem>>) src(%dma_wait3A_61 : memref<120x128xf32, #tpu.memory_space<vmem_shared>>) dst(%dma_wait3A_59 : memref<120x128xf32, #tpu.memory_space<hbm>>)
      tpu.yield
    }) : () -> ()
    return
  }
}

#map = affine_map<(d0, d1) -> (0, 0)>
#map1 = affine_map<(d0, d1) -> (0, 0, 0, 0)>
module attributes {stable_mosaic.version = 14 : i64} {
  func.func @_sc_agg_body(%arg0: i32, %arg1: i32, %arg2: memref<10000x128xf32, #tpu.memory_space<hbm>>, %arg3: memref<320000x128xf32, #tpu.memory_space<hbm>>, %arg4: memref<32x5x25x80xi32, #tpu.memory_space<hbm>>, %arg5: memref<32x5x25x80xi32, #tpu.memory_space<hbm>>, %arg6: memref<20224x128xf32, #tpu.memory_space<hbm>>, %arg7: memref<25x80xi32, #tpu.memory_space<vmem>>, %arg8: memref<25x80xi32, #tpu.memory_space<vmem>>, %arg9: memref<80x128xf32, #tpu.memory_space<vmem>>, %arg10: memref<80x128xf32, #tpu.memory_space<vmem>>, %arg11: memref<80x128xf32, #tpu.memory_space<vmem>>, %arg12: memref<80x128xf32, #tpu.memory_space<vmem>>, %arg13: memref<!tpu.dma_semaphore, #tpu.memory_space<semaphore_mem>>, %arg14: memref<!tpu.dma_semaphore, #tpu.memory_space<semaphore_mem>>, %arg15: memref<!tpu.dma_semaphore, #tpu.memory_space<semaphore_mem>>, %arg16: memref<!tpu.dma_semaphore, #tpu.memory_space<semaphore_mem>>, %arg17: memref<10112x128xf32, #tpu.memory_space<vmem_shared>>) attributes {dimension_semantics = [#tpu.dimension_semantics<core_parallel>, #tpu.dimension_semantics<subcore_parallel>], iteration_bounds = array<i64: 2, 16>, scalar_prefetch = 0 : i64, scratch_operands = 11 : i64, tpu.core_type = #tpu.core_type<sc_vector_subcore>, window_params = [{transform_indices = #map}, {transform_indices = #map}, {transform_indices = #map1}, {transform_indices = #map1}, {transform_indices = #map}]} {
    %mul3A = arith.constant 2 : i32
    %mul3A_0 = arith.muli %arg1, %mul3A : i32
    %add3A = arith.addi %mul3A_0, %arg0 : i32
    %scan3A = arith.constant 0 : i32
    %scan3A_1 = arith.constant 80 : i32
    %scan3A_2 = arith.addi %scan3A, %scan3A_1 : i32
    %scan3A_3 = arith.constant 1 : i32
    scf.for %scan3A_56 = %scan3A to %scan3A_2 step %scan3A_3  : i32 {
      %mul3A_57 = arith.constant 1 : i32
      %mul3A_58 = arith.muli %scan3A_56, %mul3A_57 : i32
      %add3A_59 = arith.constant 0 : i32
      %add3A_60 = arith.addi %add3A_59, %mul3A_58 : i32
      %broadcast_in_dim3A = arith.constant 0.000000e+00 : f32
      %broadcast_in_dim3A_61 = vector.broadcast %broadcast_in_dim3A : f32 to vector<16xf32>
      %swap3A = arith.index_cast %add3A_60 : i32 to index
      %swap3A_62 = arith.constant 0 : index
      %swap3A_63 = tpu.vector_load %arg9[%swap3A, %swap3A_62] {strides = array<i32>} : memref<80x128xf32, #tpu.memory_space<vmem>>, vector<1x16xf32>,
      %swap3A_64 = vector.shape_cast %swap3A_63 : vector<1x16xf32> to vector<16xf32>
      %swap3A_65 = vector.shape_cast %broadcast_in_dim3A_61 : vector<16xf32> to vector<1x16xf32>
      tpu.vector_store %arg9[%swap3A, %swap3A_62], %swap3A_65 {strides = array<i32>} : memref<80x128xf32, #tpu.memory_space<vmem>>, vector<1x16xf32>,
      %broadcast_in_dim3A_66 = arith.constant 0.000000e+00 : f32
      %broadcast_in_dim3A_67 = vector.broadcast %broadcast_in_dim3A_66 : f32 to vector<16xf32>
      %swap3A_68 = arith.index_cast %add3A_60 : i32 to index
      %swap3A_69 = arith.constant 16 : index
      %swap3A_70 = tpu.vector_load %arg9[%swap3A_68, %swap3A_69] {strides = array<i32>} : memref<80x128xf32, #tpu.memory_space<vmem>>, vector<1x16xf32>,
      %swap3A_71 = vector.shape_cast %swap3A_70 : vector<1x16xf32> to vector<16xf32>
      %swap3A_72 = vector.shape_cast %broadcast_in_dim3A_67 : vector<16xf32> to vector<1x16xf32>
      tpu.vector_store %arg9[%swap3A_68, %swap3A_69], %swap3A_72 {strides = array<i32>} : memref<80x128xf32, #tpu.memory_space<vmem>>, vector<1x16xf32>,
      %broadcast_in_dim3A_73 = arith.constant 0.000000e+00 : f32
      %broadcast_in_dim3A_74 = vector.broadcast %broadcast_in_dim3A_73 : f32 to vector<16xf32>
      %swap3A_75 = arith.index_cast %add3A_60 : i32 to index
      %swap3A_76 = arith.constant 32 : index
      %swap3A_77 = tpu.vector_load %arg9[%swap3A_75, %swap3A_76] {strides = array<i32>} : memref<80x128xf32, #tpu.memory_space<vmem>>, vector<1x16xf32>,
      %swap3A_78 = vector.shape_cast %swap3A_77 : vector<1x16xf32> to vector<16xf32>
      %swap3A_79 = vector.shape_cast %broadcast_in_dim3A_74 : vector<16xf32> to vector<1x16xf32>
      tpu.vector_store %arg9[%swap3A_75, %swap3A_76], %swap3A_79 {strides = array<i32>} : memref<80x128xf32, #tpu.memory_space<vmem>>, vector<1x16xf32>,
      %broadcast_in_dim3A_80 = arith.constant 0.000000e+00 : f32
      %broadcast_in_dim3A_81 = vector.broadcast %broadcast_in_dim3A_80 : f32 to vector<16xf32>
      %swap3A_82 = arith.index_cast %add3A_60 : i32 to index
      %swap3A_83 = arith.constant 48 : index
      %swap3A_84 = tpu.vector_load %arg9[%swap3A_82, %swap3A_83] {strides = array<i32>} : memref<80x128xf32, #tpu.memory_space<vmem>>, vector<1x16xf32>,
      %swap3A_85 = vector.shape_cast %swap3A_84 : vector<1x16xf32> to vector<16xf32>
      %swap3A_86 = vector.shape_cast %broadcast_in_dim3A_81 : vector<16xf32> to vector<1x16xf32>
      tpu.vector_store %arg9[%swap3A_82, %swap3A_83], %swap3A_86 {strides = array<i32>} : memref<80x128xf32, #tpu.memory_space<vmem>>, vector<1x16xf32>,
      %broadcast_in_dim3A_87 = arith.constant 0.000000e+00 : f32
      %broadcast_in_dim3A_88 = vector.broadcast %broadcast_in_dim3A_87 : f32 to vector<16xf32>
      %swap3A_89 = arith.index_cast %add3A_60 : i32 to index
      %swap3A_90 = arith.constant 64 : index
      %swap3A_91 = tpu.vector_load %arg9[%swap3A_89, %swap3A_90] {strides = array<i32>} : memref<80x128xf32, #tpu.memory_space<vmem>>, vector<1x16xf32>,
      %swap3A_92 = vector.shape_cast %swap3A_91 : vector<1x16xf32> to vector<16xf32>
      %swap3A_93 = vector.shape_cast %broadcast_in_dim3A_88 : vector<16xf32> to vector<1x16xf32>
      tpu.vector_store %arg9[%swap3A_89, %swap3A_90], %swap3A_93 {strides = array<i32>} : memref<80x128xf32, #tpu.memory_space<vmem>>, vector<1x16xf32>,
      %broadcast_in_dim3A_94 = arith.constant 0.000000e+00 : f32
      %broadcast_in_dim3A_95 = vector.broadcast %broadcast_in_dim3A_94 : f32 to vector<16xf32>
      %swap3A_96 = arith.index_cast %add3A_60 : i32 to index
      %swap3A_97 = arith.constant 80 : index
      %swap3A_98 = tpu.vector_load %arg9[%swap3A_96, %swap3A_97] {strides = array<i32>} : memref<80x128xf32, #tpu.memory_space<vmem>>, vector<1x16xf32>,
      %swap3A_99 = vector.shape_cast %swap3A_98 : vector<1x16xf32> to vector<16xf32>
      %swap3A_100 = vector.shape_cast %broadcast_in_dim3A_95 : vector<16xf32> to vector<1x16xf32>
      tpu.vector_store %arg9[%swap3A_96, %swap3A_97], %swap3A_100 {strides = array<i32>} : memref<80x128xf32, #tpu.memory_space<vmem>>, vector<1x16xf32>,
      %broadcast_in_dim3A_101 = arith.constant 0.000000e+00 : f32
      %broadcast_in_dim3A_102 = vector.broadcast %broadcast_in_dim3A_101 : f32 to vector<16xf32>
      %swap3A_103 = arith.index_cast %add3A_60 : i32 to index
      %swap3A_104 = arith.constant 96 : index
      %swap3A_105 = tpu.vector_load %arg9[%swap3A_103, %swap3A_104] {strides = array<i32>} : memref<80x128xf32, #tpu.memory_space<vmem>>, vector<1x16xf32>,
      %swap3A_106 = vector.shape_cast %swap3A_105 : vector<1x16xf32> to vector<16xf32>
      %swap3A_107 = vector.shape_cast %broadcast_in_dim3A_102 : vector<16xf32> to vector<1x16xf32>
      tpu.vector_store %arg9[%swap3A_103, %swap3A_104], %swap3A_107 {strides = array<i32>} : memref<80x128xf32, #tpu.memory_space<vmem>>, vector<1x16xf32>,
      %broadcast_in_dim3A_108 = arith.constant 0.000000e+00 : f32
      %broadcast_in_dim3A_109 = vector.broadcast %broadcast_in_dim3A_108 : f32 to vector<16xf32>
      %swap3A_110 = arith.index_cast %add3A_60 : i32 to index
      %swap3A_111 = arith.constant 112 : index
      %swap3A_112 = tpu.vector_load %arg9[%swap3A_110, %swap3A_111] {strides = array<i32>} : memref<80x128xf32, #tpu.memory_space<vmem>>, vector<1x16xf32>,
      %swap3A_113 = vector.shape_cast %swap3A_112 : vector<1x16xf32> to vector<16xf32>
      %swap3A_114 = vector.shape_cast %broadcast_in_dim3A_109 : vector<16xf32> to vector<1x16xf32>
      tpu.vector_store %arg9[%swap3A_110, %swap3A_111], %swap3A_114 {strides = array<i32>} : memref<80x128xf32, #tpu.memory_space<vmem>>, vector<1x16xf32>,
    }
    %scan3A_4 = arith.constant 80 : i32
    %mul3A_5 = arith.constant 632 : i32
    %mul3A_6 = arith.muli %arg1, %mul3A_5 : i32
    %add3A_7 = arith.constant 0 : i32
    %add3A_8 = arith.addi %mul3A_6, %add3A_7 : i32
    "tpu.region"() ({
      %run_scoped3A = tpu.sem_alloc : memref<!tpu.dma_semaphore, #tpu.memory_space<semaphore_mem>>
      %dma_start3A = arith.constant 0 : i32
      %dma_start3A_56 = tpu.memref_slice %arg17[%add3A_8, %dma_start3A] : memref<10112x128xf32, #tpu.memory_space<vmem_shared>> -> memref<80x128xf32, #tpu.memory_space<vmem_shared>>
      %dma_start3A_57 = arith.constant 0 : i32
      %dma_start3A_58 = tpu.memref_slice %arg17[%add3A_8, %dma_start3A_57] : memref<10112x128xf32, #tpu.memory_space<vmem_shared>> -> memref<80x128xf32, #tpu.memory_space<vmem_shared>>
      tpu.enqueue_dma source(%arg9 : memref<80x128xf32, #tpu.memory_space<vmem>>) target(%dma_start3A_58 : memref<80x128xf32, #tpu.memory_space<vmem_shared>>) target_semaphore(%run_scoped3A : memref<!tpu.dma_semaphore, #tpu.memory_space<semaphore_mem>>)
      %dma_wait3A = arith.constant 0 : i32
      %dma_wait3A_59 = tpu.memref_slice %arg17[%add3A_8, %dma_wait3A] : memref<10112x128xf32, #tpu.memory_space<vmem_shared>> -> memref<80x128xf32, #tpu.memory_space<vmem_shared>>
      %dma_wait3A_60 = arith.constant 0 : i32
      %dma_wait3A_61 = tpu.memref_slice %arg17[%add3A_8, %dma_wait3A_60] : memref<10112x128xf32, #tpu.memory_space<vmem_shared>> -> memref<80x128xf32, #tpu.memory_space<vmem_shared>>
      tpu.wait_dma2 semaphore(%run_scoped3A : memref<!tpu.dma_semaphore, #tpu.memory_space<semaphore_mem>>) src(%arg9 : memref<80x128xf32, #tpu.memory_space<vmem>>) dst(%dma_wait3A_61 : memref<80x128xf32, #tpu.memory_space<vmem_shared>>)
      tpu.yield
    }) : () -> ()
    %add3A_9 = arith.constant 80 : i32
    %add3A_10 = arith.addi %mul3A_6, %add3A_9 : i32
    "tpu.region"() ({
      %run_scoped3A = tpu.sem_alloc : memref<!tpu.dma_semaphore, #tpu.memory_space<semaphore_mem>>
      %dma_start3A = arith.constant 0 : i32
      %dma_start3A_56 = tpu.memref_slice %arg17[%add3A_10, %dma_start3A] : memref<10112x128xf32, #tpu.memory_space<vmem_shared>> -> memref<80x128xf32, #tpu.memory_space<vmem_shared>>
      %dma_start3A_57 = arith.constant 0 : i32
      %dma_start3A_58 = tpu.memref_slice %arg17[%add3A_10, %dma_start3A_57] : memref<10112x128xf32, #tpu.memory_space<vmem_shared>> -> memref<80x128xf32, #tpu.memory_space<vmem_shared>>
      tpu.enqueue_dma source(%arg9 : memref<80x128xf32, #tpu.memory_space<vmem>>) target(%dma_start3A_58 : memref<80x128xf32, #tpu.memory_space<vmem_shared>>) target_semaphore(%run_scoped3A : memref<!tpu.dma_semaphore, #tpu.memory_space<semaphore_mem>>)
      %dma_wait3A = arith.constant 0 : i32
      %dma_wait3A_59 = tpu.memref_slice %arg17[%add3A_10, %dma_wait3A] : memref<10112x128xf32, #tpu.memory_space<vmem_shared>> -> memref<80x128xf32, #tpu.memory_space<vmem_shared>>
      %dma_wait3A_60 = arith.constant 0 : i32
      %dma_wait3A_61 = tpu.memref_slice %arg17[%add3A_10, %dma_wait3A_60] : memref<10112x128xf32, #tpu.memory_space<vmem_shared>> -> memref<80x128xf32, #tpu.memory_space<vmem_shared>>
      tpu.wait_dma2 semaphore(%run_scoped3A : memref<!tpu.dma_semaphore, #tpu.memory_space<semaphore_mem>>) src(%arg9 : memref<80x128xf32, #tpu.memory_space<vmem>>) dst(%dma_wait3A_61 : memref<80x128xf32, #tpu.memory_space<vmem_shared>>)
      tpu.yield
    }) : () -> ()
    %add3A_11 = arith.constant 160 : i32
    %add3A_12 = arith.addi %mul3A_6, %add3A_11 : i32
    "tpu.region"() ({
      %run_scoped3A = tpu.sem_alloc : memref<!tpu.dma_semaphore, #tpu.memory_space<semaphore_mem>>
      %dma_start3A = arith.constant 0 : i32
      %dma_start3A_56 = tpu.memref_slice %arg17[%add3A_12, %dma_start3A] : memref<10112x128xf32, #tpu.memory_space<vmem_shared>> -> memref<80x128xf32, #tpu.memory_space<vmem_shared>>
      %dma_start3A_57 = arith.constant 0 : i32
      %dma_start3A_58 = tpu.memref_slice %arg17[%add3A_12, %dma_start3A_57] : memref<10112x128xf32, #tpu.memory_space<vmem_shared>> -> memref<80x128xf32, #tpu.memory_space<vmem_shared>>
      tpu.enqueue_dma source(%arg9 : memref<80x128xf32, #tpu.memory_space<vmem>>) target(%dma_start3A_58 : memref<80x128xf32, #tpu.memory_space<vmem_shared>>) target_semaphore(%run_scoped3A : memref<!tpu.dma_semaphore, #tpu.memory_space<semaphore_mem>>)
      %dma_wait3A = arith.constant 0 : i32
      %dma_wait3A_59 = tpu.memref_slice %arg17[%add3A_12, %dma_wait3A] : memref<10112x128xf32, #tpu.memory_space<vmem_shared>> -> memref<80x128xf32, #tpu.memory_space<vmem_shared>>
      %dma_wait3A_60 = arith.constant 0 : i32
      %dma_wait3A_61 = tpu.memref_slice %arg17[%add3A_12, %dma_wait3A_60] : memref<10112x128xf32, #tpu.memory_space<vmem_shared>> -> memref<80x128xf32, #tpu.memory_space<vmem_shared>>
      tpu.wait_dma2 semaphore(%run_scoped3A : memref<!tpu.dma_semaphore, #tpu.memory_space<semaphore_mem>>) src(%arg9 : memref<80x128xf32, #tpu.memory_space<vmem>>) dst(%dma_wait3A_61 : memref<80x128xf32, #tpu.memory_space<vmem_shared>>)
      tpu.yield
    }) : () -> ()
    %add3A_13 = arith.constant 240 : i32
    %add3A_14 = arith.addi %mul3A_6, %add3A_13 : i32
    "tpu.region"() ({
      %run_scoped3A = tpu.sem_alloc : memref<!tpu.dma_semaphore, #tpu.memory_space<semaphore_mem>>
      %dma_start3A = arith.constant 0 : i32
      %dma_start3A_56 = tpu.memref_slice %arg17[%add3A_14, %dma_start3A] : memref<10112x128xf32, #tpu.memory_space<vmem_shared>> -> memref<80x128xf32, #tpu.memory_space<vmem_shared>>
      %dma_start3A_57 = arith.constant 0 : i32
      %dma_start3A_58 = tpu.memref_slice %arg17[%add3A_14, %dma_start3A_57] : memref<10112x128xf32, #tpu.memory_space<vmem_shared>> -> memref<80x128xf32, #tpu.memory_space<vmem_shared>>
      tpu.enqueue_dma source(%arg9 : memref<80x128xf32, #tpu.memory_space<vmem>>) target(%dma_start3A_58 : memref<80x128xf32, #tpu.memory_space<vmem_shared>>) target_semaphore(%run_scoped3A : memref<!tpu.dma_semaphore, #tpu.memory_space<semaphore_mem>>)
      %dma_wait3A = arith.constant 0 : i32
      %dma_wait3A_59 = tpu.memref_slice %arg17[%add3A_14, %dma_wait3A] : memref<10112x128xf32, #tpu.memory_space<vmem_shared>> -> memref<80x128xf32, #tpu.memory_space<vmem_shared>>
      %dma_wait3A_60 = arith.constant 0 : i32
      %dma_wait3A_61 = tpu.memref_slice %arg17[%add3A_14, %dma_wait3A_60] : memref<10112x128xf32, #tpu.memory_space<vmem_shared>> -> memref<80x128xf32, #tpu.memory_space<vmem_shared>>
      tpu.wait_dma2 semaphore(%run_scoped3A : memref<!tpu.dma_semaphore, #tpu.memory_space<semaphore_mem>>) src(%arg9 : memref<80x128xf32, #tpu.memory_space<vmem>>) dst(%dma_wait3A_61 : memref<80x128xf32, #tpu.memory_space<vmem_shared>>)
      tpu.yield
    }) : () -> ()
    %add3A_15 = arith.constant 320 : i32
    %add3A_16 = arith.addi %mul3A_6, %add3A_15 : i32
    "tpu.region"() ({
      %run_scoped3A = tpu.sem_alloc : memref<!tpu.dma_semaphore, #tpu.memory_space<semaphore_mem>>
      %dma_start3A = arith.constant 0 : i32
      %dma_start3A_56 = tpu.memref_slice %arg17[%add3A_16, %dma_start3A] : memref<10112x128xf32, #tpu.memory_space<vmem_shared>> -> memref<80x128xf32, #tpu.memory_space<vmem_shared>>
      %dma_start3A_57 = arith.constant 0 : i32
      %dma_start3A_58 = tpu.memref_slice %arg17[%add3A_16, %dma_start3A_57] : memref<10112x128xf32, #tpu.memory_space<vmem_shared>> -> memref<80x128xf32, #tpu.memory_space<vmem_shared>>
      tpu.enqueue_dma source(%arg9 : memref<80x128xf32, #tpu.memory_space<vmem>>) target(%dma_start3A_58 : memref<80x128xf32, #tpu.memory_space<vmem_shared>>) target_semaphore(%run_scoped3A : memref<!tpu.dma_semaphore, #tpu.memory_space<semaphore_mem>>)
      %dma_wait3A = arith.constant 0 : i32
      %dma_wait3A_59 = tpu.memref_slice %arg17[%add3A_16, %dma_wait3A] : memref<10112x128xf32, #tpu.memory_space<vmem_shared>> -> memref<80x128xf32, #tpu.memory_space<vmem_shared>>
      %dma_wait3A_60 = arith.constant 0 : i32
      %dma_wait3A_61 = tpu.memref_slice %arg17[%add3A_16, %dma_wait3A_60] : memref<10112x128xf32, #tpu.memory_space<vmem_shared>> -> memref<80x128xf32, #tpu.memory_space<vmem_shared>>
      tpu.wait_dma2 semaphore(%run_scoped3A : memref<!tpu.dma_semaphore, #tpu.memory_space<semaphore_mem>>) src(%arg9 : memref<80x128xf32, #tpu.memory_space<vmem>>) dst(%dma_wait3A_61 : memref<80x128xf32, #tpu.memory_space<vmem_shared>>)
      tpu.yield
    }) : () -> ()
    %add3A_17 = arith.constant 400 : i32
    %add3A_18 = arith.addi %mul3A_6, %add3A_17 : i32
    "tpu.region"() ({
      %run_scoped3A = tpu.sem_alloc : memref<!tpu.dma_semaphore, #tpu.memory_space<semaphore_mem>>
      %dma_start3A = arith.constant 0 : i32
      %dma_start3A_56 = tpu.memref_slice %arg17[%add3A_18, %dma_start3A] : memref<10112x128xf32, #tpu.memory_space<vmem_shared>> -> memref<80x128xf32, #tpu.memory_space<vmem_shared>>
      %dma_start3A_57 = arith.constant 0 : i32
      %dma_start3A_58 = tpu.memref_slice %arg17[%add3A_18, %dma_start3A_57] : memref<10112x128xf32, #tpu.memory_space<vmem_shared>> -> memref<80x128xf32, #tpu.memory_space<vmem_shared>>
      tpu.enqueue_dma source(%arg9 : memref<80x128xf32, #tpu.memory_space<vmem>>) target(%dma_start3A_58 : memref<80x128xf32, #tpu.memory_space<vmem_shared>>) target_semaphore(%run_scoped3A : memref<!tpu.dma_semaphore, #tpu.memory_space<semaphore_mem>>)
      %dma_wait3A = arith.constant 0 : i32
      %dma_wait3A_59 = tpu.memref_slice %arg17[%add3A_18, %dma_wait3A] : memref<10112x128xf32, #tpu.memory_space<vmem_shared>> -> memref<80x128xf32, #tpu.memory_space<vmem_shared>>
      %dma_wait3A_60 = arith.constant 0 : i32
      %dma_wait3A_61 = tpu.memref_slice %arg17[%add3A_18, %dma_wait3A_60] : memref<10112x128xf32, #tpu.memory_space<vmem_shared>> -> memref<80x128xf32, #tpu.memory_space<vmem_shared>>
      tpu.wait_dma2 semaphore(%run_scoped3A : memref<!tpu.dma_semaphore, #tpu.memory_space<semaphore_mem>>) src(%arg9 : memref<80x128xf32, #tpu.memory_space<vmem>>) dst(%dma_wait3A_61 : memref<80x128xf32, #tpu.memory_space<vmem_shared>>)
      tpu.yield
    }) : () -> ()
    %add3A_19 = arith.constant 480 : i32
    %add3A_20 = arith.addi %mul3A_6, %add3A_19 : i32
    "tpu.region"() ({
      %run_scoped3A = tpu.sem_alloc : memref<!tpu.dma_semaphore, #tpu.memory_space<semaphore_mem>>
      %dma_start3A = arith.constant 0 : i32
      %dma_start3A_56 = tpu.memref_slice %arg17[%add3A_20, %dma_start3A] : memref<10112x128xf32, #tpu.memory_space<vmem_shared>> -> memref<80x128xf32, #tpu.memory_space<vmem_shared>>
      %dma_start3A_57 = arith.constant 0 : i32
      %dma_start3A_58 = tpu.memref_slice %arg17[%add3A_20, %dma_start3A_57] : memref<10112x128xf32, #tpu.memory_space<vmem_shared>> -> memref<80x128xf32, #tpu.memory_space<vmem_shared>>
      tpu.enqueue_dma source(%arg9 : memref<80x128xf32, #tpu.memory_space<vmem>>) target(%dma_start3A_58 : memref<80x128xf32, #tpu.memory_space<vmem_shared>>) target_semaphore(%run_scoped3A : memref<!tpu.dma_semaphore, #tpu.memory_space<semaphore_mem>>)
      %dma_wait3A = arith.constant 0 : i32
      %dma_wait3A_59 = tpu.memref_slice %arg17[%add3A_20, %dma_wait3A] : memref<10112x128xf32, #tpu.memory_space<vmem_shared>> -> memref<80x128xf32, #tpu.memory_space<vmem_shared>>
      %dma_wait3A_60 = arith.constant 0 : i32
      %dma_wait3A_61 = tpu.memref_slice %arg17[%add3A_20, %dma_wait3A_60] : memref<10112x128xf32, #tpu.memory_space<vmem_shared>> -> memref<80x128xf32, #tpu.memory_space<vmem_shared>>
      tpu.wait_dma2 semaphore(%run_scoped3A : memref<!tpu.dma_semaphore, #tpu.memory_space<semaphore_mem>>) src(%arg9 : memref<80x128xf32, #tpu.memory_space<vmem>>) dst(%dma_wait3A_61 : memref<80x128xf32, #tpu.memory_space<vmem_shared>>)
      tpu.yield
    }) : () -> ()
    %add3A_21 = arith.constant 560 : i32
    %add3A_22 = arith.addi %mul3A_6, %add3A_21 : i32
    "tpu.region"() ({
      %run_scoped3A = tpu.sem_alloc : memref<!tpu.dma_semaphore, #tpu.memory_space<semaphore_mem>>
      %dma_start3A = arith.constant 0 : i32
      %dma_start3A_56 = arith.constant 0 : i32
      %dma_start3A_57 = tpu.memref_slice %arg9[%dma_start3A, %dma_start3A_56] : memref<80x128xf32, #tpu.memory_space<vmem>> -> memref<72x128xf32, #tpu.memory_space<vmem>>
      %dma_start3A_58 = arith.constant 0 : i32
      %dma_start3A_59 = tpu.memref_slice %arg17[%add3A_22, %dma_start3A_58] : memref<10112x128xf32, #tpu.memory_space<vmem_shared>> -> memref<72x128xf32, #tpu.memory_space<vmem_shared>>
      %dma_start3A_60 = arith.constant 0 : i32
      %dma_start3A_61 = tpu.memref_slice %arg17[%add3A_22, %dma_start3A_60] : memref<10112x128xf32, #tpu.memory_space<vmem_shared>> -> memref<72x128xf32, #tpu.memory_space<vmem_shared>>
      %dma_start3A_62 = arith.constant 0 : i32
      %dma_start3A_63 = arith.constant 0 : i32
      %dma_start3A_64 = tpu.memref_slice %arg9[%dma_start3A_62, %dma_start3A_63] : memref<80x128xf32, #tpu.memory_space<vmem>> -> memref<72x128xf32, #tpu.memory_space<vmem>>
      tpu.enqueue_dma source(%dma_start3A_64 : memref<72x128xf32, #tpu.memory_space<vmem>>) target(%dma_start3A_61 : memref<72x128xf32, #tpu.memory_space<vmem_shared>>) target_semaphore(%run_scoped3A : memref<!tpu.dma_semaphore, #tpu.memory_space<semaphore_mem>>)
      %dma_wait3A = arith.constant 0 : i32
      %dma_wait3A_65 = arith.constant 0 : i32
      %dma_wait3A_66 = tpu.memref_slice %arg9[%dma_wait3A, %dma_wait3A_65] : memref<80x128xf32, #tpu.memory_space<vmem>> -> memref<72x128xf32, #tpu.memory_space<vmem>>
      %dma_wait3A_67 = arith.constant 0 : i32
      %dma_wait3A_68 = tpu.memref_slice %arg17[%add3A_22, %dma_wait3A_67] : memref<10112x128xf32, #tpu.memory_space<vmem_shared>> -> memref<72x128xf32, #tpu.memory_space<vmem_shared>>
      %dma_wait3A_69 = arith.constant 0 : i32
      %dma_wait3A_70 = tpu.memref_slice %arg17[%add3A_22, %dma_wait3A_69] : memref<10112x128xf32, #tpu.memory_space<vmem_shared>> -> memref<72x128xf32, #tpu.memory_space<vmem_shared>>
      %dma_wait3A_71 = arith.constant 0 : i32
      %dma_wait3A_72 = arith.constant 0 : i32
      %dma_wait3A_73 = tpu.memref_slice %arg9[%dma_wait3A_71, %dma_wait3A_72] : memref<80x128xf32, #tpu.memory_space<vmem>> -> memref<72x128xf32, #tpu.memory_space<vmem>>
      tpu.wait_dma2 semaphore(%run_scoped3A : memref<!tpu.dma_semaphore, #tpu.memory_space<semaphore_mem>>) src(%dma_wait3A_73 : memref<72x128xf32, #tpu.memory_space<vmem>>) dst(%dma_wait3A_70 : memref<72x128xf32, #tpu.memory_space<vmem_shared>>)
      tpu.yield
    }) : () -> ()
    %barrier3A = arith.constant 0 : index
    tpu.barrier barrier_id(%barrier3A)
    %mul3A_23 = arith.constant 10000 : i32
    %mul3A_24 = arith.muli %add3A, %mul3A_23 : i32
    %scan3A_25 = arith.constant 0 : i32
    %scan3A_26 = arith.constant 5 : i32
    %scan3A_27 = arith.addi %scan3A_25, %scan3A_26 : i32
    %scan3A_28 = arith.constant 1 : i32
    scf.for %scan3A_56 = %scan3A_25 to %scan3A_27 step %scan3A_28  : i32 {
      %mul3A_57 = arith.constant 1 : i32
      %mul3A_58 = arith.muli %scan3A_56, %mul3A_57 : i32
      %add3A_59 = arith.constant 0 : i32
      %add3A_60 = arith.addi %add3A_59, %mul3A_58 : i32
      "tpu.region"() ({
        %run_scoped3A_111 = tpu.sem_alloc : memref<!tpu.dma_semaphore, #tpu.memory_space<semaphore_mem>>
        %dma_start3A_112 = arith.constant 0 : i32
        %dma_start3A_113 = arith.constant 0 : i32
        %dma_start3A_114 = tpu.memref_slice %arg4[%add3A, %add3A_60, %dma_start3A_112, %dma_start3A_113] : memref<32x5x25x80xi32, #tpu.memory_space<hbm>> -> memref<1x1x25x80xi32, #tpu.memory_space<hbm>>
        %dma_start3A_115 = tpu.memref_squeeze %dma_start3A_114 : memref<1x1x25x80xi32, #tpu.memory_space<hbm>> -> memref<25x80xi32, #tpu.memory_space<hbm>>
        %dma_start3A_116 = arith.constant 0 : i32
        %dma_start3A_117 = arith.constant 0 : i32
        %dma_start3A_118 = tpu.memref_slice %arg4[%add3A, %add3A_60, %dma_start3A_116, %dma_start3A_117] : memref<32x5x25x80xi32, #tpu.memory_space<hbm>> -> memref<1x1x25x80xi32, #tpu.memory_space<hbm>>
        %dma_start3A_119 = tpu.memref_squeeze %dma_start3A_118 : memref<1x1x25x80xi32, #tpu.memory_space<hbm>> -> memref<25x80xi32, #tpu.memory_space<hbm>>
        tpu.enqueue_dma source(%dma_start3A_119 : memref<25x80xi32, #tpu.memory_space<hbm>>) target(%arg7 : memref<25x80xi32, #tpu.memory_space<vmem>>) target_semaphore(%run_scoped3A_111 : memref<!tpu.dma_semaphore, #tpu.memory_space<semaphore_mem>>)
        %dma_wait3A_120 = arith.constant 0 : i32
        %dma_wait3A_121 = arith.constant 0 : i32
        %dma_wait3A_122 = tpu.memref_slice %arg4[%add3A, %add3A_60, %dma_wait3A_120, %dma_wait3A_121] : memref<32x5x25x80xi32, #tpu.memory_space<hbm>> -> memref<1x1x25x80xi32, #tpu.memory_space<hbm>>
        %dma_wait3A_123 = tpu.memref_squeeze %dma_wait3A_122 : memref<1x1x25x80xi32, #tpu.memory_space<hbm>> -> memref<25x80xi32, #tpu.memory_space<hbm>>
        %dma_wait3A_124 = arith.constant 0 : i32
        %dma_wait3A_125 = arith.constant 0 : i32
        %dma_wait3A_126 = tpu.memref_slice %arg4[%add3A, %add3A_60, %dma_wait3A_124, %dma_wait3A_125] : memref<32x5x25x80xi32, #tpu.memory_space<hbm>> -> memref<1x1x25x80xi32, #tpu.memory_space<hbm>>
        %dma_wait3A_127 = tpu.memref_squeeze %dma_wait3A_126 : memref<1x1x25x80xi32, #tpu.memory_space<hbm>> -> memref<25x80xi32, #tpu.memory_space<hbm>>
        tpu.wait_dma2 semaphore(%run_scoped3A_111 : memref<!tpu.dma_semaphore, #tpu.memory_space<semaphore_mem>>) src(%dma_wait3A_127 : memref<25x80xi32, #tpu.memory_space<hbm>>) dst(%arg7 : memref<25x80xi32, #tpu.memory_space<vmem>>)
        tpu.yield
      }) : () -> ()
      "tpu.region"() ({
        %run_scoped3A_111 = tpu.sem_alloc : memref<!tpu.dma_semaphore, #tpu.memory_space<semaphore_mem>>
        %dma_start3A_112 = arith.constant 0 : i32
        %dma_start3A_113 = arith.constant 0 : i32
        %dma_start3A_114 = tpu.memref_slice %arg5[%add3A, %add3A_60, %dma_start3A_112, %dma_start3A_113] : memref<32x5x25x80xi32, #tpu.memory_space<hbm>> -> memref<1x1x25x80xi32, #tpu.memory_space<hbm>>
        %dma_start3A_115 = tpu.memref_squeeze %dma_start3A_114 : memref<1x1x25x80xi32, #tpu.memory_space<hbm>> -> memref<25x80xi32, #tpu.memory_space<hbm>>
        %dma_start3A_116 = arith.constant 0 : i32
        %dma_start3A_117 = arith.constant 0 : i32
        %dma_start3A_118 = tpu.memref_slice %arg5[%add3A, %add3A_60, %dma_start3A_116, %dma_start3A_117] : memref<32x5x25x80xi32, #tpu.memory_space<hbm>> -> memref<1x1x25x80xi32, #tpu.memory_space<hbm>>
        %dma_start3A_119 = tpu.memref_squeeze %dma_start3A_118 : memref<1x1x25x80xi32, #tpu.memory_space<hbm>> -> memref<25x80xi32, #tpu.memory_space<hbm>>
        tpu.enqueue_dma source(%dma_start3A_119 : memref<25x80xi32, #tpu.memory_space<hbm>>) target(%arg8 : memref<25x80xi32, #tpu.memory_space<vmem>>) target_semaphore(%run_scoped3A_111 : memref<!tpu.dma_semaphore, #tpu.memory_space<semaphore_mem>>)
        %dma_wait3A_120 = arith.constant 0 : i32
        %dma_wait3A_121 = arith.constant 0 : i32
        %dma_wait3A_122 = tpu.memref_slice %arg5[%add3A, %add3A_60, %dma_wait3A_120, %dma_wait3A_121] : memref<32x5x25x80xi32, #tpu.memory_space<hbm>> -> memref<1x1x25x80xi32, #tpu.memory_space<hbm>>
        %dma_wait3A_123 = tpu.memref_squeeze %dma_wait3A_122 : memref<1x1x25x80xi32, #tpu.memory_space<hbm>> -> memref<25x80xi32, #tpu.memory_space<hbm>>
        %dma_wait3A_124 = arith.constant 0 : i32
        %dma_wait3A_125 = arith.constant 0 : i32
        %dma_wait3A_126 = tpu.memref_slice %arg5[%add3A, %add3A_60, %dma_wait3A_124, %dma_wait3A_125] : memref<32x5x25x80xi32, #tpu.memory_space<hbm>> -> memref<1x1x25x80xi32, #tpu.memory_space<hbm>>
        %dma_wait3A_127 = tpu.memref_squeeze %dma_wait3A_126 : memref<1x1x25x80xi32, #tpu.memory_space<hbm>> -> memref<25x80xi32, #tpu.memory_space<hbm>>
        tpu.wait_dma2 semaphore(%run_scoped3A_111 : memref<!tpu.dma_semaphore, #tpu.memory_space<semaphore_mem>>) src(%dma_wait3A_127 : memref<25x80xi32, #tpu.memory_space<hbm>>) dst(%arg8 : memref<25x80xi32, #tpu.memory_space<vmem>>)
        tpu.yield
      }) : () -> ()
      %mul3A_61 = arith.constant 2000 : i32
      %mul3A_62 = arith.muli %add3A_60, %mul3A_61 : i32
      %add3A_63 = arith.addi %mul3A_24, %mul3A_62 : i32
      %dma_start3A = arith.constant 0 : i32
      %dma_start3A_64 = arith.constant 0 : i32
      %dma_start3A_65 = tpu.memref_slice %arg7[%dma_start3A, %dma_start3A_64] : memref<25x80xi32, #tpu.memory_space<vmem>> -> memref<1x80xi32, #tpu.memory_space<vmem>>
      %dma_start3A_66 = tpu.memref_squeeze %dma_start3A_65 : memref<1x80xi32, #tpu.memory_space<vmem>> -> memref<80xi32, #tpu.memory_space<vmem>>
      %dma_start3A_67 = arith.constant 0 : i32
      %dma_start3A_68 = arith.constant 0 : i32
      %dma_start3A_69 = tpu.memref_slice %arg2[%dma_start3A_67, %dma_start3A_68] : memref<10000x128xf32, #tpu.memory_space<hbm>> -> memref<10000x128xf32, #tpu.memory_space<hbm>>
      tpu.enqueue_indirect_dma source(%dma_start3A_69 : memref<10000x128xf32, #tpu.memory_space<hbm>>) target(%arg9 : memref<80x128xf32, #tpu.memory_space<vmem>>) offsets(%dma_start3A_66 : memref<80xi32, #tpu.memory_space<vmem>>) semaphore(%arg13 : memref<!tpu.dma_semaphore, #tpu.memory_space<semaphore_mem>>)
      %add3A_70 = arith.constant 0 : i32
      %add3A_71 = arith.addi %add3A_63, %add3A_70 : i32
      %dma_start3A_72 = arith.constant 0 : i32
      %dma_start3A_73 = tpu.memref_slice %arg3[%add3A_71, %dma_start3A_72] : memref<320000x128xf32, #tpu.memory_space<hbm>> -> memref<80x128xf32, #tpu.memory_space<hbm>>
      %dma_start3A_74 = arith.constant 0 : i32
      %dma_start3A_75 = tpu.memref_slice %arg3[%add3A_71, %dma_start3A_74] : memref<320000x128xf32, #tpu.memory_space<hbm>> -> memref<80x128xf32, #tpu.memory_space<hbm>>
      tpu.enqueue_dma source(%dma_start3A_75 : memref<80x128xf32, #tpu.memory_space<hbm>>) target(%arg11 : memref<80x128xf32, #tpu.memory_space<vmem>>) target_semaphore(%arg15 : memref<!tpu.dma_semaphore, #tpu.memory_space<semaphore_mem>>)
      %dma_start3A_76 = arith.constant 1 : i32
      %dma_start3A_77 = arith.constant 0 : i32
      %dma_start3A_78 = tpu.memref_slice %arg7[%dma_start3A_76, %dma_start3A_77] : memref<25x80xi32, #tpu.memory_space<vmem>> -> memref<1x80xi32, #tpu.memory_space<vmem>>
      %dma_start3A_79 = tpu.memref_squeeze %dma_start3A_78 : memref<1x80xi32, #tpu.memory_space<vmem>> -> memref<80xi32, #tpu.memory_space<vmem>>
      %dma_start3A_80 = arith.constant 0 : i32
      %dma_start3A_81 = arith.constant 0 : i32
      %dma_start3A_82 = tpu.memref_slice %arg2[%dma_start3A_80, %dma_start3A_81] : memref<10000x128xf32, #tpu.memory_space<hbm>> -> memref<10000x128xf32, #tpu.memory_space<hbm>>
      tpu.enqueue_indirect_dma source(%dma_start3A_82 : memref<10000x128xf32, #tpu.memory_space<hbm>>) target(%arg10 : memref<80x128xf32, #tpu.memory_space<vmem>>) offsets(%dma_start3A_79 : memref<80xi32, #tpu.memory_space<vmem>>) semaphore(%arg14 : memref<!tpu.dma_semaphore, #tpu.memory_space<semaphore_mem>>)
      %add3A_83 = arith.constant 80 : i32
      %add3A_84 = arith.addi %add3A_63, %add3A_83 : i32
      %dma_start3A_85 = arith.constant 0 : i32
      %dma_start3A_86 = tpu.memref_slice %arg3[%add3A_84, %dma_start3A_85] : memref<320000x128xf32, #tpu.memory_space<hbm>> -> memref<80x128xf32, #tpu.memory_space<hbm>>
      %dma_start3A_87 = arith.constant 0 : i32
      %dma_start3A_88 = tpu.memref_slice %arg3[%add3A_84, %dma_start3A_87] : memref<320000x128xf32, #tpu.memory_space<hbm>> -> memref<80x128xf32, #tpu.memory_space<hbm>>
      tpu.enqueue_dma source(%dma_start3A_88 : memref<80x128xf32, #tpu.memory_space<hbm>>) target(%arg12 : memref<80x128xf32, #tpu.memory_space<vmem>>) target_semaphore(%arg16 : memref<!tpu.dma_semaphore, #tpu.memory_space<semaphore_mem>>)
      %scan3A_89 = arith.constant 0 : i32
      %scan3A_90 = arith.constant 12 : i32
      %scan3A_91 = arith.addi %scan3A_89, %scan3A_90 : i32
      %scan3A_92 = arith.constant 1 : i32
      scf.for %scan3A_111 = %scan3A_89 to %scan3A_91 step %scan3A_92  : i32 {
        %mul3A_112 = arith.constant 1 : i32
        %mul3A_113 = arith.muli %scan3A_111, %mul3A_112 : i32
        %add3A_114 = arith.constant 0 : i32
        %add3A_115 = arith.addi %add3A_114, %mul3A_113 : i32
        %mul3A_116 = arith.constant 2 : i32
        %mul3A_117 = arith.muli %add3A_115, %mul3A_116 : i32
        %dma_wait3A_118 = arith.constant 0 : i32
        %dma_wait3A_119 = tpu.memref_slice %arg7[%mul3A_117, %dma_wait3A_118] : memref<25x80xi32, #tpu.memory_space<vmem>> -> memref<1x80xi32, #tpu.memory_space<vmem>>
        %dma_wait3A_120 = tpu.memref_squeeze %dma_wait3A_119 : memref<1x80xi32, #tpu.memory_space<vmem>> -> memref<80xi32, #tpu.memory_space<vmem>>
        %dma_wait3A_121 = arith.constant 0 : i32
        %dma_wait3A_122 = arith.constant 0 : i32
        %dma_wait3A_123 = tpu.memref_slice %arg2[%dma_wait3A_121, %dma_wait3A_122] : memref<10000x128xf32, #tpu.memory_space<hbm>> -> memref<10000x128xf32, #tpu.memory_space<hbm>>
        tpu.wait_indirect_dma semaphore(%arg13 : memref<!tpu.dma_semaphore, #tpu.memory_space<semaphore_mem>>) src(%dma_wait3A_123 : memref<10000x128xf32, #tpu.memory_space<hbm>>) dst(%arg9 : memref<80x128xf32, #tpu.memory_space<vmem>>)
        %mul3A_124 = arith.constant 80 : i32
        %mul3A_125 = arith.muli %mul3A_117, %mul3A_124 : i32
        %add3A_126 = arith.addi %add3A_63, %mul3A_125 : i32
        %dma_wait3A_127 = arith.constant 0 : i32
        %dma_wait3A_128 = tpu.memref_slice %arg3[%add3A_126, %dma_wait3A_127] : memref<320000x128xf32, #tpu.memory_space<hbm>> -> memref<80x128xf32, #tpu.memory_space<hbm>>
        %dma_wait3A_129 = arith.constant 0 : i32
        %dma_wait3A_130 = tpu.memref_slice %arg3[%add3A_126, %dma_wait3A_129] : memref<320000x128xf32, #tpu.memory_space<hbm>> -> memref<80x128xf32, #tpu.memory_space<hbm>>
        tpu.wait_dma2 semaphore(%arg15 : memref<!tpu.dma_semaphore, #tpu.memory_space<semaphore_mem>>) src(%dma_wait3A_130 : memref<80x128xf32, #tpu.memory_space<hbm>>) dst(%arg11 : memref<80x128xf32, #tpu.memory_space<vmem>>)
        %scan3A_131 = arith.constant 0 : i32
        %scan3A_132 = arith.constant 80 : i32
        %scan3A_133 = arith.addi %scan3A_131, %scan3A_132 : i32
        %scan3A_134 = arith.constant 1 : i32
        scf.for %scan3A_175 = %scan3A_131 to %scan3A_133 step %scan3A_134  : i32 {
          %mul3A_176 = arith.constant 1 : i32
          %mul3A_177 = arith.muli %scan3A_175, %mul3A_176 : i32
          %add3A_178 = arith.constant 0 : i32
          %add3A_179 = arith.addi %add3A_178, %mul3A_177 : i32
          %get3A = arith.index_cast %add3A_179 : i32 to index
          %get3A_180 = arith.constant 0 : index
          %get3A_181 = tpu.vector_load %arg9[%get3A, %get3A_180] {strides = array<i32>} : memref<80x128xf32, #tpu.memory_space<vmem>>, vector<1x16xf32>,
          %get3A_182 = vector.shape_cast %get3A_181 : vector<1x16xf32> to vector<16xf32>
          %get3A_183 = arith.index_cast %add3A_179 : i32 to index
          %get3A_184 = arith.constant 0 : index
          %get3A_185 = tpu.vector_load %arg11[%get3A_183, %get3A_184] {strides = array<i32>} : memref<80x128xf32, #tpu.memory_space<vmem>>, vector<1x16xf32>,
          %get3A_186 = vector.shape_cast %get3A_185 : vector<1x16xf32> to vector<16xf32>
          %add3A_187 = arith.addf %get3A_182, %get3A_186 : vector<16xf32>
          %max3A = arith.constant 0.000000e+00 : f32
          %max3A_188 = vector.broadcast %max3A : f32 to vector<16xf32>
          %max3A_189 = arith.maximumf %add3A_187, %max3A_188 : vector<16xf32>
          %swap3A = arith.index_cast %add3A_179 : i32 to index
          %swap3A_190 = arith.constant 0 : index
          %swap3A_191 = tpu.vector_load %arg9[%swap3A, %swap3A_190] {strides = array<i32>} : memref<80x128xf32, #tpu.memory_space<vmem>>, vector<1x16xf32>,
          %swap3A_192 = vector.shape_cast %swap3A_191 : vector<1x16xf32> to vector<16xf32>
          %swap3A_193 = vector.shape_cast %max3A_189 : vector<16xf32> to vector<1x16xf32>
          tpu.vector_store %arg9[%swap3A, %swap3A_190], %swap3A_193 {strides = array<i32>} : memref<80x128xf32, #tpu.memory_space<vmem>>, vector<1x16xf32>,
          %get3A_194 = arith.index_cast %add3A_179 : i32 to index
          %get3A_195 = arith.constant 16 : index
          %get3A_196 = tpu.vector_load %arg9[%get3A_194, %get3A_195] {strides = array<i32>} : memref<80x128xf32, #tpu.memory_space<vmem>>, vector<1x16xf32>,
          %get3A_197 = vector.shape_cast %get3A_196 : vector<1x16xf32> to vector<16xf32>
          %get3A_198 = arith.index_cast %add3A_179 : i32 to index
          %get3A_199 = arith.constant 16 : index
          %get3A_200 = tpu.vector_load %arg11[%get3A_198, %get3A_199] {strides = array<i32>} : memref<80x128xf32, #tpu.memory_space<vmem>>, vector<1x16xf32>,
          %get3A_201 = vector.shape_cast %get3A_200 : vector<1x16xf32> to vector<16xf32>
          %add3A_202 = arith.addf %get3A_197, %get3A_201 : vector<16xf32>
          %max3A_203 = arith.constant 0.000000e+00 : f32
          %max3A_204 = vector.broadcast %max3A_203 : f32 to vector<16xf32>
          %max3A_205 = arith.maximumf %add3A_202, %max3A_204 : vector<16xf32>
          %swap3A_206 = arith.index_cast %add3A_179 : i32 to index
          %swap3A_207 = arith.constant 16 : index
          %swap3A_208 = tpu.vector_load %arg9[%swap3A_206, %swap3A_207] {strides = array<i32>} : memref<80x128xf32, #tpu.memory_space<vmem>>, vector<1x16xf32>,
          %swap3A_209 = vector.shape_cast %swap3A_208 : vector<1x16xf32> to vector<16xf32>
          %swap3A_210 = vector.shape_cast %max3A_205 : vector<16xf32> to vector<1x16xf32>
          tpu.vector_store %arg9[%swap3A_206, %swap3A_207], %swap3A_210 {strides = array<i32>} : memref<80x128xf32, #tpu.memory_space<vmem>>, vector<1x16xf32>,
          %get3A_211 = arith.index_cast %add3A_179 : i32 to index
          %get3A_212 = arith.constant 32 : index
          %get3A_213 = tpu.vector_load %arg9[%get3A_211, %get3A_212] {strides = array<i32>} : memref<80x128xf32, #tpu.memory_space<vmem>>, vector<1x16xf32>,
          %get3A_214 = vector.shape_cast %get3A_213 : vector<1x16xf32> to vector<16xf32>
          %get3A_215 = arith.index_cast %add3A_179 : i32 to index
          %get3A_216 = arith.constant 32 : index
          %get3A_217 = tpu.vector_load %arg11[%get3A_215, %get3A_216] {strides = array<i32>} : memref<80x128xf32, #tpu.memory_space<vmem>>, vector<1x16xf32>,
          %get3A_218 = vector.shape_cast %get3A_217 : vector<1x16xf32> to vector<16xf32>
          %add3A_219 = arith.addf %get3A_214, %get3A_218 : vector<16xf32>
          %max3A_220 = arith.constant 0.000000e+00 : f32
          %max3A_221 = vector.broadcast %max3A_220 : f32 to vector<16xf32>
          %max3A_222 = arith.maximumf %add3A_219, %max3A_221 : vector<16xf32>
          %swap3A_223 = arith.index_cast %add3A_179 : i32 to index
          %swap3A_224 = arith.constant 32 : index
          %swap3A_225 = tpu.vector_load %arg9[%swap3A_223, %swap3A_224] {strides = array<i32>} : memref<80x128xf32, #tpu.memory_space<vmem>>, vector<1x16xf32>,
          %swap3A_226 = vector.shape_cast %swap3A_225 : vector<1x16xf32> to vector<16xf32>
          %swap3A_227 = vector.shape_cast %max3A_222 : vector<16xf32> to vector<1x16xf32>
          tpu.vector_store %arg9[%swap3A_223, %swap3A_224], %swap3A_227 {strides = array<i32>} : memref<80x128xf32, #tpu.memory_space<vmem>>, vector<1x16xf32>,
          %get3A_228 = arith.index_cast %add3A_179 : i32 to index
          %get3A_229 = arith.constant 48 : index
          %get3A_230 = tpu.vector_load %arg9[%get3A_228, %get3A_229] {strides = array<i32>} : memref<80x128xf32, #tpu.memory_space<vmem>>, vector<1x16xf32>,
          %get3A_231 = vector.shape_cast %get3A_230 : vector<1x16xf32> to vector<16xf32>
          %get3A_232 = arith.index_cast %add3A_179 : i32 to index
          %get3A_233 = arith.constant 48 : index
          %get3A_234 = tpu.vector_load %arg11[%get3A_232, %get3A_233] {strides = array<i32>} : memref<80x128xf32, #tpu.memory_space<vmem>>, vector<1x16xf32>,
          %get3A_235 = vector.shape_cast %get3A_234 : vector<1x16xf32> to vector<16xf32>
          %add3A_236 = arith.addf %get3A_231, %get3A_235 : vector<16xf32>
          %max3A_237 = arith.constant 0.000000e+00 : f32
          %max3A_238 = vector.broadcast %max3A_237 : f32 to vector<16xf32>
          %max3A_239 = arith.maximumf %add3A_236, %max3A_238 : vector<16xf32>
          %swap3A_240 = arith.index_cast %add3A_179 : i32 to index
          %swap3A_241 = arith.constant 48 : index
          %swap3A_242 = tpu.vector_load %arg9[%swap3A_240, %swap3A_241] {strides = array<i32>} : memref<80x128xf32, #tpu.memory_space<vmem>>, vector<1x16xf32>,
          %swap3A_243 = vector.shape_cast %swap3A_242 : vector<1x16xf32> to vector<16xf32>
          %swap3A_244 = vector.shape_cast %max3A_239 : vector<16xf32> to vector<1x16xf32>
          tpu.vector_store %arg9[%swap3A_240, %swap3A_241], %swap3A_244 {strides = array<i32>} : memref<80x128xf32, #tpu.memory_space<vmem>>, vector<1x16xf32>,
          %get3A_245 = arith.index_cast %add3A_179 : i32 to index
          %get3A_246 = arith.constant 64 : index
          %get3A_247 = tpu.vector_load %arg9[%get3A_245, %get3A_246] {strides = array<i32>} : memref<80x128xf32, #tpu.memory_space<vmem>>, vector<1x16xf32>,
          %get3A_248 = vector.shape_cast %get3A_247 : vector<1x16xf32> to vector<16xf32>
          %get3A_249 = arith.index_cast %add3A_179 : i32 to index
          %get3A_250 = arith.constant 64 : index
          %get3A_251 = tpu.vector_load %arg11[%get3A_249, %get3A_250] {strides = array<i32>} : memref<80x128xf32, #tpu.memory_space<vmem>>, vector<1x16xf32>,
          %get3A_252 = vector.shape_cast %get3A_251 : vector<1x16xf32> to vector<16xf32>
          %add3A_253 = arith.addf %get3A_248, %get3A_252 : vector<16xf32>
          %max3A_254 = arith.constant 0.000000e+00 : f32
          %max3A_255 = vector.broadcast %max3A_254 : f32 to vector<16xf32>
          %max3A_256 = arith.maximumf %add3A_253, %max3A_255 : vector<16xf32>
          %swap3A_257 = arith.index_cast %add3A_179 : i32 to index
          %swap3A_258 = arith.constant 64 : index
          %swap3A_259 = tpu.vector_load %arg9[%swap3A_257, %swap3A_258] {strides = array<i32>} : memref<80x128xf32, #tpu.memory_space<vmem>>, vector<1x16xf32>,
          %swap3A_260 = vector.shape_cast %swap3A_259 : vector<1x16xf32> to vector<16xf32>
          %swap3A_261 = vector.shape_cast %max3A_256 : vector<16xf32> to vector<1x16xf32>
          tpu.vector_store %arg9[%swap3A_257, %swap3A_258], %swap3A_261 {strides = array<i32>} : memref<80x128xf32, #tpu.memory_space<vmem>>, vector<1x16xf32>,
          %get3A_262 = arith.index_cast %add3A_179 : i32 to index
          %get3A_263 = arith.constant 80 : index
          %get3A_264 = tpu.vector_load %arg9[%get3A_262, %get3A_263] {strides = array<i32>} : memref<80x128xf32, #tpu.memory_space<vmem>>, vector<1x16xf32>,
          %get3A_265 = vector.shape_cast %get3A_264 : vector<1x16xf32> to vector<16xf32>
          %get3A_266 = arith.index_cast %add3A_179 : i32 to index
          %get3A_267 = arith.constant 80 : index
          %get3A_268 = tpu.vector_load %arg11[%get3A_266, %get3A_267] {strides = array<i32>} : memref<80x128xf32, #tpu.memory_space<vmem>>, vector<1x16xf32>,
          %get3A_269 = vector.shape_cast %get3A_268 : vector<1x16xf32> to vector<16xf32>
          %add3A_270 = arith.addf %get3A_265, %get3A_269 : vector<16xf32>
          %max3A_271 = arith.constant 0.000000e+00 : f32
          %max3A_272 = vector.broadcast %max3A_271 : f32 to vector<16xf32>
          %max3A_273 = arith.maximumf %add3A_270, %max3A_272 : vector<16xf32>
          %swap3A_274 = arith.index_cast %add3A_179 : i32 to index
          %swap3A_275 = arith.constant 80 : index
          %swap3A_276 = tpu.vector_load %arg9[%swap3A_274, %swap3A_275] {strides = array<i32>} : memref<80x128xf32, #tpu.memory_space<vmem>>, vector<1x16xf32>,
          %swap3A_277 = vector.shape_cast %swap3A_276 : vector<1x16xf32> to vector<16xf32>
          %swap3A_278 = vector.shape_cast %max3A_273 : vector<16xf32> to vector<1x16xf32>
          tpu.vector_store %arg9[%swap3A_274, %swap3A_275], %swap3A_278 {strides = array<i32>} : memref<80x128xf32, #tpu.memory_space<vmem>>, vector<1x16xf32>,
          %get3A_279 = arith.index_cast %add3A_179 : i32 to index
          %get3A_280 = arith.constant 96 : index
          %get3A_281 = tpu.vector_load %arg9[%get3A_279, %get3A_280] {strides = array<i32>} : memref<80x128xf32, #tpu.memory_space<vmem>>, vector<1x16xf32>,
          %get3A_282 = vector.shape_cast %get3A_281 : vector<1x16xf32> to vector<16xf32>
          %get3A_283 = arith.index_cast %add3A_179 : i32 to index
          %get3A_284 = arith.constant 96 : index
          %get3A_285 = tpu.vector_load %arg11[%get3A_283, %get3A_284] {strides = array<i32>} : memref<80x128xf32, #tpu.memory_space<vmem>>, vector<1x16xf32>,
          %get3A_286 = vector.shape_cast %get3A_285 : vector<1x16xf32> to vector<16xf32>
          %add3A_287 = arith.addf %get3A_282, %get3A_286 : vector<16xf32>
          %max3A_288 = arith.constant 0.000000e+00 : f32
          %max3A_289 = vector.broadcast %max3A_288 : f32 to vector<16xf32>
          %max3A_290 = arith.maximumf %add3A_287, %max3A_289 : vector<16xf32>
          %swap3A_291 = arith.index_cast %add3A_179 : i32 to index
          %swap3A_292 = arith.constant 96 : index
          %swap3A_293 = tpu.vector_load %arg9[%swap3A_291, %swap3A_292] {strides = array<i32>} : memref<80x128xf32, #tpu.memory_space<vmem>>, vector<1x16xf32>,
          %swap3A_294 = vector.shape_cast %swap3A_293 : vector<1x16xf32> to vector<16xf32>
          %swap3A_295 = vector.shape_cast %max3A_290 : vector<16xf32> to vector<1x16xf32>
          tpu.vector_store %arg9[%swap3A_291, %swap3A_292], %swap3A_295 {strides = array<i32>} : memref<80x128xf32, #tpu.memory_space<vmem>>, vector<1x16xf32>,
          %get3A_296 = arith.index_cast %add3A_179 : i32 to index
          %get3A_297 = arith.constant 112 : index
          %get3A_298 = tpu.vector_load %arg9[%get3A_296, %get3A_297] {strides = array<i32>} : memref<80x128xf32, #tpu.memory_space<vmem>>, vector<1x16xf32>,
          %get3A_299 = vector.shape_cast %get3A_298 : vector<1x16xf32> to vector<16xf32>
          %get3A_300 = arith.index_cast %add3A_179 : i32 to index
          %get3A_301 = arith.constant 112 : index
          %get3A_302 = tpu.vector_load %arg11[%get3A_300, %get3A_301] {strides = array<i32>} : memref<80x128xf32, #tpu.memory_space<vmem>>, vector<1x16xf32>,
          %get3A_303 = vector.shape_cast %get3A_302 : vector<1x16xf32> to vector<16xf32>
          %add3A_304 = arith.addf %get3A_299, %get3A_303 : vector<16xf32>
          %max3A_305 = arith.constant 0.000000e+00 : f32
          %max3A_306 = vector.broadcast %max3A_305 : f32 to vector<16xf32>
          %max3A_307 = arith.maximumf %add3A_304, %max3A_306 : vector<16xf32>
          %swap3A_308 = arith.index_cast %add3A_179 : i32 to index
          %swap3A_309 = arith.constant 112 : index
          %swap3A_310 = tpu.vector_load %arg9[%swap3A_308, %swap3A_309] {strides = array<i32>} : memref<80x128xf32, #tpu.memory_space<vmem>>, vector<1x16xf32>,
          %swap3A_311 = vector.shape_cast %swap3A_310 : vector<1x16xf32> to vector<16xf32>
          %swap3A_312 = vector.shape_cast %max3A_307 : vector<16xf32> to vector<1x16xf32>
          tpu.vector_store %arg9[%swap3A_308, %swap3A_309], %swap3A_312 {strides = array<i32>} : memref<80x128xf32, #tpu.memory_space<vmem>>, vector<1x16xf32>,
        }
        %scan3A_135 = arith.constant 80 : i32
        "tpu.region"() ({
          %run_scoped3A_175 = tpu.sem_alloc : memref<!tpu.dma_semaphore, #tpu.memory_space<semaphore_mem>>
          %dma_start3A_176 = arith.constant 0 : i32
          %dma_start3A_177 = tpu.memref_slice %arg8[%mul3A_117, %dma_start3A_176] : memref<25x80xi32, #tpu.memory_space<vmem>> -> memref<1x80xi32, #tpu.memory_space<vmem>>
          %dma_start3A_178 = tpu.memref_squeeze %dma_start3A_177 : memref<1x80xi32, #tpu.memory_space<vmem>> -> memref<80xi32, #tpu.memory_space<vmem>>
          %dma_start3A_179 = arith.constant 0 : i32
          %dma_start3A_180 = arith.constant 0 : i32
          %dma_start3A_181 = tpu.memref_slice %arg17[%dma_start3A_179, %dma_start3A_180] : memref<10112x128xf32, #tpu.memory_space<vmem_shared>> -> memref<10112x128xf32, #tpu.memory_space<vmem_shared>>
          tpu.enqueue_indirect_dma source(%arg9 : memref<80x128xf32, #tpu.memory_space<vmem>>) target(%dma_start3A_181 : memref<10112x128xf32, #tpu.memory_space<vmem_shared>>) offsets(%dma_start3A_178 : memref<80xi32, #tpu.memory_space<vmem>>) semaphore(%run_scoped3A_175 : memref<!tpu.dma_semaphore, #tpu.memory_space<semaphore_mem>>) {add = true}
          %dma_wait3A_182 = arith.constant 0 : i32
          %dma_wait3A_183 = tpu.memref_slice %arg8[%mul3A_117, %dma_wait3A_182] : memref<25x80xi32, #tpu.memory_space<vmem>> -> memref<1x80xi32, #tpu.memory_space<vmem>>
          %dma_wait3A_184 = tpu.memref_squeeze %dma_wait3A_183 : memref<1x80xi32, #tpu.memory_space<vmem>> -> memref<80xi32, #tpu.memory_space<vmem>>
          %dma_wait3A_185 = arith.constant 0 : i32
          %dma_wait3A_186 = arith.constant 0 : i32
          %dma_wait3A_187 = tpu.memref_slice %arg17[%dma_wait3A_185, %dma_wait3A_186] : memref<10112x128xf32, #tpu.memory_space<vmem_shared>> -> memref<10112x128xf32, #tpu.memory_space<vmem_shared>>
          tpu.wait_indirect_dma semaphore(%run_scoped3A_175 : memref<!tpu.dma_semaphore, #tpu.memory_space<semaphore_mem>>) src(%arg9 : memref<80x128xf32, #tpu.memory_space<vmem>>) dst(%dma_wait3A_187 : memref<10112x128xf32, #tpu.memory_space<vmem_shared>>)
          tpu.yield
        }) : () -> ()
        %add3A_136 = arith.constant 2 : i32
        %add3A_137 = arith.addi %mul3A_117, %add3A_136 : i32
        %dma_start3A_138 = arith.constant 0 : i32
        %dma_start3A_139 = tpu.memref_slice %arg7[%add3A_137, %dma_start3A_138] : memref<25x80xi32, #tpu.memory_space<vmem>> -> memref<1x80xi32, #tpu.memory_space<vmem>>
        %dma_start3A_140 = tpu.memref_squeeze %dma_start3A_139 : memref<1x80xi32, #tpu.memory_space<vmem>> -> memref<80xi32, #tpu.memory_space<vmem>>
        %dma_start3A_141 = arith.constant 0 : i32
        %dma_start3A_142 = arith.constant 0 : i32
        %dma_start3A_143 = tpu.memref_slice %arg2[%dma_start3A_141, %dma_start3A_142] : memref<10000x128xf32, #tpu.memory_space<hbm>> -> memref<10000x128xf32, #tpu.memory_space<hbm>>
        tpu.enqueue_indirect_dma source(%dma_start3A_143 : memref<10000x128xf32, #tpu.memory_space<hbm>>) target(%arg9 : memref<80x128xf32, #tpu.memory_space<vmem>>) offsets(%dma_start3A_140 : memref<80xi32, #tpu.memory_space<vmem>>) semaphore(%arg13 : memref<!tpu.dma_semaphore, #tpu.memory_space<semaphore_mem>>)
        %mul3A_144 = arith.constant 80 : i32
        %mul3A_145 = arith.muli %add3A_137, %mul3A_144 : i32
        %add3A_146 = arith.addi %add3A_63, %mul3A_145 : i32
        %dma_start3A_147 = arith.constant 0 : i32
        %dma_start3A_148 = tpu.memref_slice %arg3[%add3A_146, %dma_start3A_147] : memref<320000x128xf32, #tpu.memory_space<hbm>> -> memref<80x128xf32, #tpu.memory_space<hbm>>
        %dma_start3A_149 = arith.constant 0 : i32
        %dma_start3A_150 = tpu.memref_slice %arg3[%add3A_146, %dma_start3A_149] : memref<320000x128xf32, #tpu.memory_space<hbm>> -> memref<80x128xf32, #tpu.memory_space<hbm>>
        tpu.enqueue_dma source(%dma_start3A_150 : memref<80x128xf32, #tpu.memory_space<hbm>>) target(%arg11 : memref<80x128xf32, #tpu.memory_space<vmem>>) target_semaphore(%arg15 : memref<!tpu.dma_semaphore, #tpu.memory_space<semaphore_mem>>)
        %add3A_151 = arith.constant 1 : i32
        %add3A_152 = arith.addi %mul3A_117, %add3A_151 : i32
        %dma_wait3A_153 = arith.constant 0 : i32
        %dma_wait3A_154 = tpu.memref_slice %arg7[%add3A_152, %dma_wait3A_153] : memref<25x80xi32, #tpu.memory_space<vmem>> -> memref<1x80xi32, #tpu.memory_space<vmem>>
        %dma_wait3A_155 = tpu.memref_squeeze %dma_wait3A_154 : memref<1x80xi32, #tpu.memory_space<vmem>> -> memref<80xi32, #tpu.memory_space<vmem>>
        %dma_wait3A_156 = arith.constant 0 : i32
        %dma_wait3A_157 = arith.constant 0 : i32
        %dma_wait3A_158 = tpu.memref_slice %arg2[%dma_wait3A_156, %dma_wait3A_157] : memref<10000x128xf32, #tpu.memory_space<hbm>> -> memref<10000x128xf32, #tpu.memory_space<hbm>>
        tpu.wait_indirect_dma semaphore(%arg14 : memref<!tpu.dma_semaphore, #tpu.memory_space<semaphore_mem>>) src(%dma_wait3A_158 : memref<10000x128xf32, #tpu.memory_space<hbm>>) dst(%arg10 : memref<80x128xf32, #tpu.memory_space<vmem>>)
        %mul3A_159 = arith.constant 80 : i32
        %mul3A_160 = arith.muli %add3A_152, %mul3A_159 : i32
        %add3A_161 = arith.addi %add3A_63, %mul3A_160 : i32
        %dma_wait3A_162 = arith.constant 0 : i32
        %dma_wait3A_163 = tpu.memref_slice %arg3[%add3A_161, %dma_wait3A_162] : memref<320000x128xf32, #tpu.memory_space<hbm>> -> memref<80x128xf32, #tpu.memory_space<hbm>>
        %dma_wait3A_164 = arith.constant 0 : i32
        %dma_wait3A_165 = tpu.memref_slice %arg3[%add3A_161, %dma_wait3A_164] : memref<320000x128xf32, #tpu.memory_space<hbm>> -> memref<80x128xf32, #tpu.memory_space<hbm>>
        tpu.wait_dma2 semaphore(%arg16 : memref<!tpu.dma_semaphore, #tpu.memory_space<semaphore_mem>>) src(%dma_wait3A_165 : memref<80x128xf32, #tpu.memory_space<hbm>>) dst(%arg12 : memref<80x128xf32, #tpu.memory_space<vmem>>)
        %scan3A_166 = arith.constant 0 : i32
        %scan3A_167 = arith.constant 80 : i32
        %scan3A_168 = arith.addi %scan3A_166, %scan3A_167 : i32
        %scan3A_169 = arith.constant 1 : i32
        scf.for %scan3A_175 = %scan3A_166 to %scan3A_168 step %scan3A_169  : i32 {
          %mul3A_176 = arith.constant 1 : i32
          %mul3A_177 = arith.muli %scan3A_175, %mul3A_176 : i32
          %add3A_178 = arith.constant 0 : i32
          %add3A_179 = arith.addi %add3A_178, %mul3A_177 : i32
          %get3A = arith.index_cast %add3A_179 : i32 to index
          %get3A_180 = arith.constant 0 : index
          %get3A_181 = tpu.vector_load %arg10[%get3A, %get3A_180] {strides = array<i32>} : memref<80x128xf32, #tpu.memory_space<vmem>>, vector<1x16xf32>,
          %get3A_182 = vector.shape_cast %get3A_181 : vector<1x16xf32> to vector<16xf32>
          %get3A_183 = arith.index_cast %add3A_179 : i32 to index
          %get3A_184 = arith.constant 0 : index
          %get3A_185 = tpu.vector_load %arg12[%get3A_183, %get3A_184] {strides = array<i32>} : memref<80x128xf32, #tpu.memory_space<vmem>>, vector<1x16xf32>,
          %get3A_186 = vector.shape_cast %get3A_185 : vector<1x16xf32> to vector<16xf32>
          %add3A_187 = arith.addf %get3A_182, %get3A_186 : vector<16xf32>
          %max3A = arith.constant 0.000000e+00 : f32
          %max3A_188 = vector.broadcast %max3A : f32 to vector<16xf32>
          %max3A_189 = arith.maximumf %add3A_187, %max3A_188 : vector<16xf32>
          %swap3A = arith.index_cast %add3A_179 : i32 to index
          %swap3A_190 = arith.constant 0 : index
          %swap3A_191 = tpu.vector_load %arg10[%swap3A, %swap3A_190] {strides = array<i32>} : memref<80x128xf32, #tpu.memory_space<vmem>>, vector<1x16xf32>,
          %swap3A_192 = vector.shape_cast %swap3A_191 : vector<1x16xf32> to vector<16xf32>
          %swap3A_193 = vector.shape_cast %max3A_189 : vector<16xf32> to vector<1x16xf32>
          tpu.vector_store %arg10[%swap3A, %swap3A_190], %swap3A_193 {strides = array<i32>} : memref<80x128xf32, #tpu.memory_space<vmem>>, vector<1x16xf32>,
          %get3A_194 = arith.index_cast %add3A_179 : i32 to index
          %get3A_195 = arith.constant 16 : index
          %get3A_196 = tpu.vector_load %arg10[%get3A_194, %get3A_195] {strides = array<i32>} : memref<80x128xf32, #tpu.memory_space<vmem>>, vector<1x16xf32>,
          %get3A_197 = vector.shape_cast %get3A_196 : vector<1x16xf32> to vector<16xf32>
          %get3A_198 = arith.index_cast %add3A_179 : i32 to index
          %get3A_199 = arith.constant 16 : index
          %get3A_200 = tpu.vector_load %arg12[%get3A_198, %get3A_199] {strides = array<i32>} : memref<80x128xf32, #tpu.memory_space<vmem>>, vector<1x16xf32>,
          %get3A_201 = vector.shape_cast %get3A_200 : vector<1x16xf32> to vector<16xf32>
          %add3A_202 = arith.addf %get3A_197, %get3A_201 : vector<16xf32>
          %max3A_203 = arith.constant 0.000000e+00 : f32
          %max3A_204 = vector.broadcast %max3A_203 : f32 to vector<16xf32>
          %max3A_205 = arith.maximumf %add3A_202, %max3A_204 : vector<16xf32>
          %swap3A_206 = arith.index_cast %add3A_179 : i32 to index
          %swap3A_207 = arith.constant 16 : index
          %swap3A_208 = tpu.vector_load %arg10[%swap3A_206, %swap3A_207] {strides = array<i32>} : memref<80x128xf32, #tpu.memory_space<vmem>>, vector<1x16xf32>,
          %swap3A_209 = vector.shape_cast %swap3A_208 : vector<1x16xf32> to vector<16xf32>
          %swap3A_210 = vector.shape_cast %max3A_205 : vector<16xf32> to vector<1x16xf32>
          tpu.vector_store %arg10[%swap3A_206, %swap3A_207], %swap3A_210 {strides = array<i32>} : memref<80x128xf32, #tpu.memory_space<vmem>>, vector<1x16xf32>,
          %get3A_211 = arith.index_cast %add3A_179 : i32 to index
          %get3A_212 = arith.constant 32 : index
          %get3A_213 = tpu.vector_load %arg10[%get3A_211, %get3A_212] {strides = array<i32>} : memref<80x128xf32, #tpu.memory_space<vmem>>, vector<1x16xf32>,
          %get3A_214 = vector.shape_cast %get3A_213 : vector<1x16xf32> to vector<16xf32>
          %get3A_215 = arith.index_cast %add3A_179 : i32 to index
          %get3A_216 = arith.constant 32 : index
          %get3A_217 = tpu.vector_load %arg12[%get3A_215, %get3A_216] {strides = array<i32>} : memref<80x128xf32, #tpu.memory_space<vmem>>, vector<1x16xf32>,
          %get3A_218 = vector.shape_cast %get3A_217 : vector<1x16xf32> to vector<16xf32>
          %add3A_219 = arith.addf %get3A_214, %get3A_218 : vector<16xf32>
          %max3A_220 = arith.constant 0.000000e+00 : f32
          %max3A_221 = vector.broadcast %max3A_220 : f32 to vector<16xf32>
          %max3A_222 = arith.maximumf %add3A_219, %max3A_221 : vector<16xf32>
          %swap3A_223 = arith.index_cast %add3A_179 : i32 to index
          %swap3A_224 = arith.constant 32 : index
          %swap3A_225 = tpu.vector_load %arg10[%swap3A_223, %swap3A_224] {strides = array<i32>} : memref<80x128xf32, #tpu.memory_space<vmem>>, vector<1x16xf32>,
          %swap3A_226 = vector.shape_cast %swap3A_225 : vector<1x16xf32> to vector<16xf32>
          %swap3A_227 = vector.shape_cast %max3A_222 : vector<16xf32> to vector<1x16xf32>
          tpu.vector_store %arg10[%swap3A_223, %swap3A_224], %swap3A_227 {strides = array<i32>} : memref<80x128xf32, #tpu.memory_space<vmem>>, vector<1x16xf32>,
          %get3A_228 = arith.index_cast %add3A_179 : i32 to index
          %get3A_229 = arith.constant 48 : index
          %get3A_230 = tpu.vector_load %arg10[%get3A_228, %get3A_229] {strides = array<i32>} : memref<80x128xf32, #tpu.memory_space<vmem>>, vector<1x16xf32>,
          %get3A_231 = vector.shape_cast %get3A_230 : vector<1x16xf32> to vector<16xf32>
          %get3A_232 = arith.index_cast %add3A_179 : i32 to index
          %get3A_233 = arith.constant 48 : index
          %get3A_234 = tpu.vector_load %arg12[%get3A_232, %get3A_233] {strides = array<i32>} : memref<80x128xf32, #tpu.memory_space<vmem>>, vector<1x16xf32>,
          %get3A_235 = vector.shape_cast %get3A_234 : vector<1x16xf32> to vector<16xf32>
          %add3A_236 = arith.addf %get3A_231, %get3A_235 : vector<16xf32>
          %max3A_237 = arith.constant 0.000000e+00 : f32
          %max3A_238 = vector.broadcast %max3A_237 : f32 to vector<16xf32>
          %max3A_239 = arith.maximumf %add3A_236, %max3A_238 : vector<16xf32>
          %swap3A_240 = arith.index_cast %add3A_179 : i32 to index
          %swap3A_241 = arith.constant 48 : index
          %swap3A_242 = tpu.vector_load %arg10[%swap3A_240, %swap3A_241] {strides = array<i32>} : memref<80x128xf32, #tpu.memory_space<vmem>>, vector<1x16xf32>,
          %swap3A_243 = vector.shape_cast %swap3A_242 : vector<1x16xf32> to vector<16xf32>
          %swap3A_244 = vector.shape_cast %max3A_239 : vector<16xf32> to vector<1x16xf32>
          tpu.vector_store %arg10[%swap3A_240, %swap3A_241], %swap3A_244 {strides = array<i32>} : memref<80x128xf32, #tpu.memory_space<vmem>>, vector<1x16xf32>,
          %get3A_245 = arith.index_cast %add3A_179 : i32 to index
          %get3A_246 = arith.constant 64 : index
          %get3A_247 = tpu.vector_load %arg10[%get3A_245, %get3A_246] {strides = array<i32>} : memref<80x128xf32, #tpu.memory_space<vmem>>, vector<1x16xf32>,
          %get3A_248 = vector.shape_cast %get3A_247 : vector<1x16xf32> to vector<16xf32>
          %get3A_249 = arith.index_cast %add3A_179 : i32 to index
          %get3A_250 = arith.constant 64 : index
          %get3A_251 = tpu.vector_load %arg12[%get3A_249, %get3A_250] {strides = array<i32>} : memref<80x128xf32, #tpu.memory_space<vmem>>, vector<1x16xf32>,
          %get3A_252 = vector.shape_cast %get3A_251 : vector<1x16xf32> to vector<16xf32>
          %add3A_253 = arith.addf %get3A_248, %get3A_252 : vector<16xf32>
          %max3A_254 = arith.constant 0.000000e+00 : f32
          %max3A_255 = vector.broadcast %max3A_254 : f32 to vector<16xf32>
          %max3A_256 = arith.maximumf %add3A_253, %max3A_255 : vector<16xf32>
          %swap3A_257 = arith.index_cast %add3A_179 : i32 to index
          %swap3A_258 = arith.constant 64 : index
          %swap3A_259 = tpu.vector_load %arg10[%swap3A_257, %swap3A_258] {strides = array<i32>} : memref<80x128xf32, #tpu.memory_space<vmem>>, vector<1x16xf32>,
          %swap3A_260 = vector.shape_cast %swap3A_259 : vector<1x16xf32> to vector<16xf32>
          %swap3A_261 = vector.shape_cast %max3A_256 : vector<16xf32> to vector<1x16xf32>
          tpu.vector_store %arg10[%swap3A_257, %swap3A_258], %swap3A_261 {strides = array<i32>} : memref<80x128xf32, #tpu.memory_space<vmem>>, vector<1x16xf32>,
          %get3A_262 = arith.index_cast %add3A_179 : i32 to index
          %get3A_263 = arith.constant 80 : index
          %get3A_264 = tpu.vector_load %arg10[%get3A_262, %get3A_263] {strides = array<i32>} : memref<80x128xf32, #tpu.memory_space<vmem>>, vector<1x16xf32>,
          %get3A_265 = vector.shape_cast %get3A_264 : vector<1x16xf32> to vector<16xf32>
          %get3A_266 = arith.index_cast %add3A_179 : i32 to index
          %get3A_267 = arith.constant 80 : index
          %get3A_268 = tpu.vector_load %arg12[%get3A_266, %get3A_267] {strides = array<i32>} : memref<80x128xf32, #tpu.memory_space<vmem>>, vector<1x16xf32>,
          %get3A_269 = vector.shape_cast %get3A_268 : vector<1x16xf32> to vector<16xf32>
          %add3A_270 = arith.addf %get3A_265, %get3A_269 : vector<16xf32>
          %max3A_271 = arith.constant 0.000000e+00 : f32
          %max3A_272 = vector.broadcast %max3A_271 : f32 to vector<16xf32>
          %max3A_273 = arith.maximumf %add3A_270, %max3A_272 : vector<16xf32>
          %swap3A_274 = arith.index_cast %add3A_179 : i32 to index
          %swap3A_275 = arith.constant 80 : index
          %swap3A_276 = tpu.vector_load %arg10[%swap3A_274, %swap3A_275] {strides = array<i32>} : memref<80x128xf32, #tpu.memory_space<vmem>>, vector<1x16xf32>,
          %swap3A_277 = vector.shape_cast %swap3A_276 : vector<1x16xf32> to vector<16xf32>
          %swap3A_278 = vector.shape_cast %max3A_273 : vector<16xf32> to vector<1x16xf32>
          tpu.vector_store %arg10[%swap3A_274, %swap3A_275], %swap3A_278 {strides = array<i32>} : memref<80x128xf32, #tpu.memory_space<vmem>>, vector<1x16xf32>,
          %get3A_279 = arith.index_cast %add3A_179 : i32 to index
          %get3A_280 = arith.constant 96 : index
          %get3A_281 = tpu.vector_load %arg10[%get3A_279, %get3A_280] {strides = array<i32>} : memref<80x128xf32, #tpu.memory_space<vmem>>, vector<1x16xf32>,
          %get3A_282 = vector.shape_cast %get3A_281 : vector<1x16xf32> to vector<16xf32>
          %get3A_283 = arith.index_cast %add3A_179 : i32 to index
          %get3A_284 = arith.constant 96 : index
          %get3A_285 = tpu.vector_load %arg12[%get3A_283, %get3A_284] {strides = array<i32>} : memref<80x128xf32, #tpu.memory_space<vmem>>, vector<1x16xf32>,
          %get3A_286 = vector.shape_cast %get3A_285 : vector<1x16xf32> to vector<16xf32>
          %add3A_287 = arith.addf %get3A_282, %get3A_286 : vector<16xf32>
          %max3A_288 = arith.constant 0.000000e+00 : f32
          %max3A_289 = vector.broadcast %max3A_288 : f32 to vector<16xf32>
          %max3A_290 = arith.maximumf %add3A_287, %max3A_289 : vector<16xf32>
          %swap3A_291 = arith.index_cast %add3A_179 : i32 to index
          %swap3A_292 = arith.constant 96 : index
          %swap3A_293 = tpu.vector_load %arg10[%swap3A_291, %swap3A_292] {strides = array<i32>} : memref<80x128xf32, #tpu.memory_space<vmem>>, vector<1x16xf32>,
          %swap3A_294 = vector.shape_cast %swap3A_293 : vector<1x16xf32> to vector<16xf32>
          %swap3A_295 = vector.shape_cast %max3A_290 : vector<16xf32> to vector<1x16xf32>
          tpu.vector_store %arg10[%swap3A_291, %swap3A_292], %swap3A_295 {strides = array<i32>} : memref<80x128xf32, #tpu.memory_space<vmem>>, vector<1x16xf32>,
          %get3A_296 = arith.index_cast %add3A_179 : i32 to index
          %get3A_297 = arith.constant 112 : index
          %get3A_298 = tpu.vector_load %arg10[%get3A_296, %get3A_297] {strides = array<i32>} : memref<80x128xf32, #tpu.memory_space<vmem>>, vector<1x16xf32>,
          %get3A_299 = vector.shape_cast %get3A_298 : vector<1x16xf32> to vector<16xf32>
          %get3A_300 = arith.index_cast %add3A_179 : i32 to index
          %get3A_301 = arith.constant 112 : index
          %get3A_302 = tpu.vector_load %arg12[%get3A_300, %get3A_301] {strides = array<i32>} : memref<80x128xf32, #tpu.memory_space<vmem>>, vector<1x16xf32>,
          %get3A_303 = vector.shape_cast %get3A_302 : vector<1x16xf32> to vector<16xf32>
          %add3A_304 = arith.addf %get3A_299, %get3A_303 : vector<16xf32>
          %max3A_305 = arith.constant 0.000000e+00 : f32
          %max3A_306 = vector.broadcast %max3A_305 : f32 to vector<16xf32>
          %max3A_307 = arith.maximumf %add3A_304, %max3A_306 : vector<16xf32>
          %swap3A_308 = arith.index_cast %add3A_179 : i32 to index
          %swap3A_309 = arith.constant 112 : index
          %swap3A_310 = tpu.vector_load %arg10[%swap3A_308, %swap3A_309] {strides = array<i32>} : memref<80x128xf32, #tpu.memory_space<vmem>>, vector<1x16xf32>,
          %swap3A_311 = vector.shape_cast %swap3A_310 : vector<1x16xf32> to vector<16xf32>
          %swap3A_312 = vector.shape_cast %max3A_307 : vector<16xf32> to vector<1x16xf32>
          tpu.vector_store %arg10[%swap3A_308, %swap3A_309], %swap3A_312 {strides = array<i32>} : memref<80x128xf32, #tpu.memory_space<vmem>>, vector<1x16xf32>,
        }
        %scan3A_170 = arith.constant 80 : i32
        "tpu.region"() ({
          %run_scoped3A_175 = tpu.sem_alloc : memref<!tpu.dma_semaphore, #tpu.memory_space<semaphore_mem>>
          %dma_start3A_176 = arith.constant 0 : i32
          %dma_start3A_177 = tpu.memref_slice %arg8[%add3A_152, %dma_start3A_176] : memref<25x80xi32, #tpu.memory_space<vmem>> -> memref<1x80xi32, #tpu.memory_space<vmem>>
          %dma_start3A_178 = tpu.memref_squeeze %dma_start3A_177 : memref<1x80xi32, #tpu.memory_space<vmem>> -> memref<80xi32, #tpu.memory_space<vmem>>
          %dma_start3A_179 = arith.constant 0 : i32
          %dma_start3A_180 = arith.constant 0 : i32
          %dma_start3A_181 = tpu.memref_slice %arg17[%dma_start3A_179, %dma_start3A_180] : memref<10112x128xf32, #tpu.memory_space<vmem_shared>> -> memref<10112x128xf32, #tpu.memory_space<vmem_shared>>
          tpu.enqueue_indirect_dma source(%arg10 : memref<80x128xf32, #tpu.memory_space<vmem>>) target(%dma_start3A_181 : memref<10112x128xf32, #tpu.memory_space<vmem_shared>>) offsets(%dma_start3A_178 : memref<80xi32, #tpu.memory_space<vmem>>) semaphore(%run_scoped3A_175 : memref<!tpu.dma_semaphore, #tpu.memory_space<semaphore_mem>>) {add = true}
          %dma_wait3A_182 = arith.constant 0 : i32
          %dma_wait3A_183 = tpu.memref_slice %arg8[%add3A_152, %dma_wait3A_182] : memref<25x80xi32, #tpu.memory_space<vmem>> -> memref<1x80xi32, #tpu.memory_space<vmem>>
          %dma_wait3A_184 = tpu.memref_squeeze %dma_wait3A_183 : memref<1x80xi32, #tpu.memory_space<vmem>> -> memref<80xi32, #tpu.memory_space<vmem>>
          %dma_wait3A_185 = arith.constant 0 : i32
          %dma_wait3A_186 = arith.constant 0 : i32
          %dma_wait3A_187 = tpu.memref_slice %arg17[%dma_wait3A_185, %dma_wait3A_186] : memref<10112x128xf32, #tpu.memory_space<vmem_shared>> -> memref<10112x128xf32, #tpu.memory_space<vmem_shared>>
          tpu.wait_indirect_dma semaphore(%run_scoped3A_175 : memref<!tpu.dma_semaphore, #tpu.memory_space<semaphore_mem>>) src(%arg10 : memref<80x128xf32, #tpu.memory_space<vmem>>) dst(%dma_wait3A_187 : memref<10112x128xf32, #tpu.memory_space<vmem_shared>>)
          tpu.yield
        }) : () -> ()
        %add3A_171 = arith.constant 2 : i32
        %add3A_172 = arith.addi %add3A_152, %add3A_171 : i32
        %lt3A = arith.constant 25 : i32
        %lt3A_173 = arith.cmpi slt, %add3A_172, %lt3A : i32
        %convert_element_type3A = arith.extui %lt3A_173 : i1 to i32
        %cond3A = arith.constant 0 : i32
        %cond3A_174 = arith.cmpi ne, %convert_element_type3A, %cond3A : i32
        scf.if %cond3A_174 {
          %add3A_175 = arith.constant 2 : i32
          %add3A_176 = arith.addi %add3A_152, %add3A_175 : i32
          %dma_start3A_177 = arith.constant 0 : i32
          %dma_start3A_178 = tpu.memref_slice %arg7[%add3A_176, %dma_start3A_177] : memref<25x80xi32, #tpu.memory_space<vmem>> -> memref<1x80xi32, #tpu.memory_space<vmem>>
          %dma_start3A_179 = tpu.memref_squeeze %dma_start3A_178 : memref<1x80xi32, #tpu.memory_space<vmem>> -> memref<80xi32, #tpu.memory_space<vmem>>
          %dma_start3A_180 = arith.constant 0 : i32
          %dma_start3A_181 = arith.constant 0 : i32
          %dma_start3A_182 = tpu.memref_slice %arg2[%dma_start3A_180, %dma_start3A_181] : memref<10000x128xf32, #tpu.memory_space<hbm>> -> memref<10000x128xf32, #tpu.memory_space<hbm>>
          tpu.enqueue_indirect_dma source(%dma_start3A_182 : memref<10000x128xf32, #tpu.memory_space<hbm>>) target(%arg10 : memref<80x128xf32, #tpu.memory_space<vmem>>) offsets(%dma_start3A_179 : memref<80xi32, #tpu.memory_space<vmem>>) semaphore(%arg14 : memref<!tpu.dma_semaphore, #tpu.memory_space<semaphore_mem>>)
          %mul3A_183 = arith.constant 80 : i32
          %mul3A_184 = arith.muli %add3A_176, %mul3A_183 : i32
          %add3A_185 = arith.addi %add3A_63, %mul3A_184 : i32
          %dma_start3A_186 = arith.constant 0 : i32
          %dma_start3A_187 = tpu.memref_slice %arg3[%add3A_185, %dma_start3A_186] : memref<320000x128xf32, #tpu.memory_space<hbm>> -> memref<80x128xf32, #tpu.memory_space<hbm>>
          %dma_start3A_188 = arith.constant 0 : i32
          %dma_start3A_189 = tpu.memref_slice %arg3[%add3A_185, %dma_start3A_188] : memref<320000x128xf32, #tpu.memory_space<hbm>> -> memref<80x128xf32, #tpu.memory_space<hbm>>
          tpu.enqueue_dma source(%dma_start3A_189 : memref<80x128xf32, #tpu.memory_space<hbm>>) target(%arg12 : memref<80x128xf32, #tpu.memory_space<vmem>>) target_semaphore(%arg16 : memref<!tpu.dma_semaphore, #tpu.memory_space<semaphore_mem>>)
        } else {
        }
      }
      %scan3A_93 = arith.constant 12 : i32
      %dma_wait3A = arith.constant 24 : i32
      %dma_wait3A_94 = arith.constant 0 : i32
      %dma_wait3A_95 = tpu.memref_slice %arg7[%dma_wait3A, %dma_wait3A_94] : memref<25x80xi32, #tpu.memory_space<vmem>> -> memref<1x80xi32, #tpu.memory_space<vmem>>
      %dma_wait3A_96 = tpu.memref_squeeze %dma_wait3A_95 : memref<1x80xi32, #tpu.memory_space<vmem>> -> memref<80xi32, #tpu.memory_space<vmem>>
      %dma_wait3A_97 = arith.constant 0 : i32
      %dma_wait3A_98 = arith.constant 0 : i32
      %dma_wait3A_99 = tpu.memref_slice %arg2[%dma_wait3A_97, %dma_wait3A_98] : memref<10000x128xf32, #tpu.memory_space<hbm>> -> memref<10000x128xf32, #tpu.memory_space<hbm>>
      tpu.wait_indirect_dma semaphore(%arg13 : memref<!tpu.dma_semaphore, #tpu.memory_space<semaphore_mem>>) src(%dma_wait3A_99 : memref<10000x128xf32, #tpu.memory_space<hbm>>) dst(%arg9 : memref<80x128xf32, #tpu.memory_space<vmem>>)
      %add3A_100 = arith.constant 1920 : i32
      %add3A_101 = arith.addi %add3A_63, %add3A_100 : i32
      %dma_wait3A_102 = arith.constant 0 : i32
      %dma_wait3A_103 = tpu.memref_slice %arg3[%add3A_101, %dma_wait3A_102] : memref<320000x128xf32, #tpu.memory_space<hbm>> -> memref<80x128xf32, #tpu.memory_space<hbm>>
      %dma_wait3A_104 = arith.constant 0 : i32
      %dma_wait3A_105 = tpu.memref_slice %arg3[%add3A_101, %dma_wait3A_104] : memref<320000x128xf32, #tpu.memory_space<hbm>> -> memref<80x128xf32, #tpu.memory_space<hbm>>
      tpu.wait_dma2 semaphore(%arg15 : memref<!tpu.dma_semaphore, #tpu.memory_space<semaphore_mem>>) src(%dma_wait3A_105 : memref<80x128xf32, #tpu.memory_space<hbm>>) dst(%arg11 : memref<80x128xf32, #tpu.memory_space<vmem>>)
      %scan3A_106 = arith.constant 0 : i32
      %scan3A_107 = arith.constant 80 : i32
      %scan3A_108 = arith.addi %scan3A_106, %scan3A_107 : i32
      %scan3A_109 = arith.constant 1 : i32
      scf.for %scan3A_111 = %scan3A_106 to %scan3A_108 step %scan3A_109  : i32 {
        %mul3A_112 = arith.constant 1 : i32
        %mul3A_113 = arith.muli %scan3A_111, %mul3A_112 : i32
        %add3A_114 = arith.constant 0 : i32
        %add3A_115 = arith.addi %add3A_114, %mul3A_113 : i32
        %get3A = arith.index_cast %add3A_115 : i32 to index
        %get3A_116 = arith.constant 0 : index
        %get3A_117 = tpu.vector_load %arg9[%get3A, %get3A_116] {strides = array<i32>} : memref<80x128xf32, #tpu.memory_space<vmem>>, vector<1x16xf32>,
        %get3A_118 = vector.shape_cast %get3A_117 : vector<1x16xf32> to vector<16xf32>
        %get3A_119 = arith.index_cast %add3A_115 : i32 to index
        %get3A_120 = arith.constant 0 : index
        %get3A_121 = tpu.vector_load %arg11[%get3A_119, %get3A_120] {strides = array<i32>} : memref<80x128xf32, #tpu.memory_space<vmem>>, vector<1x16xf32>,
        %get3A_122 = vector.shape_cast %get3A_121 : vector<1x16xf32> to vector<16xf32>
        %add3A_123 = arith.addf %get3A_118, %get3A_122 : vector<16xf32>
        %max3A = arith.constant 0.000000e+00 : f32
        %max3A_124 = vector.broadcast %max3A : f32 to vector<16xf32>
        %max3A_125 = arith.maximumf %add3A_123, %max3A_124 : vector<16xf32>
        %swap3A = arith.index_cast %add3A_115 : i32 to index
        %swap3A_126 = arith.constant 0 : index
        %swap3A_127 = tpu.vector_load %arg9[%swap3A, %swap3A_126] {strides = array<i32>} : memref<80x128xf32, #tpu.memory_space<vmem>>, vector<1x16xf32>,
        %swap3A_128 = vector.shape_cast %swap3A_127 : vector<1x16xf32> to vector<16xf32>
        %swap3A_129 = vector.shape_cast %max3A_125 : vector<16xf32> to vector<1x16xf32>
        tpu.vector_store %arg9[%swap3A, %swap3A_126], %swap3A_129 {strides = array<i32>} : memref<80x128xf32, #tpu.memory_space<vmem>>, vector<1x16xf32>,
        %get3A_130 = arith.index_cast %add3A_115 : i32 to index
        %get3A_131 = arith.constant 16 : index
        %get3A_132 = tpu.vector_load %arg9[%get3A_130, %get3A_131] {strides = array<i32>} : memref<80x128xf32, #tpu.memory_space<vmem>>, vector<1x16xf32>,
        %get3A_133 = vector.shape_cast %get3A_132 : vector<1x16xf32> to vector<16xf32>
        %get3A_134 = arith.index_cast %add3A_115 : i32 to index
        %get3A_135 = arith.constant 16 : index
        %get3A_136 = tpu.vector_load %arg11[%get3A_134, %get3A_135] {strides = array<i32>} : memref<80x128xf32, #tpu.memory_space<vmem>>, vector<1x16xf32>,
        %get3A_137 = vector.shape_cast %get3A_136 : vector<1x16xf32> to vector<16xf32>
        %add3A_138 = arith.addf %get3A_133, %get3A_137 : vector<16xf32>
        %max3A_139 = arith.constant 0.000000e+00 : f32
        %max3A_140 = vector.broadcast %max3A_139 : f32 to vector<16xf32>
        %max3A_141 = arith.maximumf %add3A_138, %max3A_140 : vector<16xf32>
        %swap3A_142 = arith.index_cast %add3A_115 : i32 to index
        %swap3A_143 = arith.constant 16 : index
        %swap3A_144 = tpu.vector_load %arg9[%swap3A_142, %swap3A_143] {strides = array<i32>} : memref<80x128xf32, #tpu.memory_space<vmem>>, vector<1x16xf32>,
        %swap3A_145 = vector.shape_cast %swap3A_144 : vector<1x16xf32> to vector<16xf32>
        %swap3A_146 = vector.shape_cast %max3A_141 : vector<16xf32> to vector<1x16xf32>
        tpu.vector_store %arg9[%swap3A_142, %swap3A_143], %swap3A_146 {strides = array<i32>} : memref<80x128xf32, #tpu.memory_space<vmem>>, vector<1x16xf32>,
        %get3A_147 = arith.index_cast %add3A_115 : i32 to index
        %get3A_148 = arith.constant 32 : index
        %get3A_149 = tpu.vector_load %arg9[%get3A_147, %get3A_148] {strides = array<i32>} : memref<80x128xf32, #tpu.memory_space<vmem>>, vector<1x16xf32>,
        %get3A_150 = vector.shape_cast %get3A_149 : vector<1x16xf32> to vector<16xf32>
        %get3A_151 = arith.index_cast %add3A_115 : i32 to index
        %get3A_152 = arith.constant 32 : index
        %get3A_153 = tpu.vector_load %arg11[%get3A_151, %get3A_152] {strides = array<i32>} : memref<80x128xf32, #tpu.memory_space<vmem>>, vector<1x16xf32>,
        %get3A_154 = vector.shape_cast %get3A_153 : vector<1x16xf32> to vector<16xf32>
        %add3A_155 = arith.addf %get3A_150, %get3A_154 : vector<16xf32>
        %max3A_156 = arith.constant 0.000000e+00 : f32
        %max3A_157 = vector.broadcast %max3A_156 : f32 to vector<16xf32>
        %max3A_158 = arith.maximumf %add3A_155, %max3A_157 : vector<16xf32>
        %swap3A_159 = arith.index_cast %add3A_115 : i32 to index
        %swap3A_160 = arith.constant 32 : index
        %swap3A_161 = tpu.vector_load %arg9[%swap3A_159, %swap3A_160] {strides = array<i32>} : memref<80x128xf32, #tpu.memory_space<vmem>>, vector<1x16xf32>,
        %swap3A_162 = vector.shape_cast %swap3A_161 : vector<1x16xf32> to vector<16xf32>
        %swap3A_163 = vector.shape_cast %max3A_158 : vector<16xf32> to vector<1x16xf32>
        tpu.vector_store %arg9[%swap3A_159, %swap3A_160], %swap3A_163 {strides = array<i32>} : memref<80x128xf32, #tpu.memory_space<vmem>>, vector<1x16xf32>,
        %get3A_164 = arith.index_cast %add3A_115 : i32 to index
        %get3A_165 = arith.constant 48 : index
        %get3A_166 = tpu.vector_load %arg9[%get3A_164, %get3A_165] {strides = array<i32>} : memref<80x128xf32, #tpu.memory_space<vmem>>, vector<1x16xf32>,
        %get3A_167 = vector.shape_cast %get3A_166 : vector<1x16xf32> to vector<16xf32>
        %get3A_168 = arith.index_cast %add3A_115 : i32 to index
        %get3A_169 = arith.constant 48 : index
        %get3A_170 = tpu.vector_load %arg11[%get3A_168, %get3A_169] {strides = array<i32>} : memref<80x128xf32, #tpu.memory_space<vmem>>, vector<1x16xf32>,
        %get3A_171 = vector.shape_cast %get3A_170 : vector<1x16xf32> to vector<16xf32>
        %add3A_172 = arith.addf %get3A_167, %get3A_171 : vector<16xf32>
        %max3A_173 = arith.constant 0.000000e+00 : f32
        %max3A_174 = vector.broadcast %max3A_173 : f32 to vector<16xf32>
        %max3A_175 = arith.maximumf %add3A_172, %max3A_174 : vector<16xf32>
        %swap3A_176 = arith.index_cast %add3A_115 : i32 to index
        %swap3A_177 = arith.constant 48 : index
        %swap3A_178 = tpu.vector_load %arg9[%swap3A_176, %swap3A_177] {strides = array<i32>} : memref<80x128xf32, #tpu.memory_space<vmem>>, vector<1x16xf32>,
        %swap3A_179 = vector.shape_cast %swap3A_178 : vector<1x16xf32> to vector<16xf32>
        %swap3A_180 = vector.shape_cast %max3A_175 : vector<16xf32> to vector<1x16xf32>
        tpu.vector_store %arg9[%swap3A_176, %swap3A_177], %swap3A_180 {strides = array<i32>} : memref<80x128xf32, #tpu.memory_space<vmem>>, vector<1x16xf32>,
        %get3A_181 = arith.index_cast %add3A_115 : i32 to index
        %get3A_182 = arith.constant 64 : index
        %get3A_183 = tpu.vector_load %arg9[%get3A_181, %get3A_182] {strides = array<i32>} : memref<80x128xf32, #tpu.memory_space<vmem>>, vector<1x16xf32>,
        %get3A_184 = vector.shape_cast %get3A_183 : vector<1x16xf32> to vector<16xf32>
        %get3A_185 = arith.index_cast %add3A_115 : i32 to index
        %get3A_186 = arith.constant 64 : index
        %get3A_187 = tpu.vector_load %arg11[%get3A_185, %get3A_186] {strides = array<i32>} : memref<80x128xf32, #tpu.memory_space<vmem>>, vector<1x16xf32>,
        %get3A_188 = vector.shape_cast %get3A_187 : vector<1x16xf32> to vector<16xf32>
        %add3A_189 = arith.addf %get3A_184, %get3A_188 : vector<16xf32>
        %max3A_190 = arith.constant 0.000000e+00 : f32
        %max3A_191 = vector.broadcast %max3A_190 : f32 to vector<16xf32>
        %max3A_192 = arith.maximumf %add3A_189, %max3A_191 : vector<16xf32>
        %swap3A_193 = arith.index_cast %add3A_115 : i32 to index
        %swap3A_194 = arith.constant 64 : index
        %swap3A_195 = tpu.vector_load %arg9[%swap3A_193, %swap3A_194] {strides = array<i32>} : memref<80x128xf32, #tpu.memory_space<vmem>>, vector<1x16xf32>,
        %swap3A_196 = vector.shape_cast %swap3A_195 : vector<1x16xf32> to vector<16xf32>
        %swap3A_197 = vector.shape_cast %max3A_192 : vector<16xf32> to vector<1x16xf32>
        tpu.vector_store %arg9[%swap3A_193, %swap3A_194], %swap3A_197 {strides = array<i32>} : memref<80x128xf32, #tpu.memory_space<vmem>>, vector<1x16xf32>,
        %get3A_198 = arith.index_cast %add3A_115 : i32 to index
        %get3A_199 = arith.constant 80 : index
        %get3A_200 = tpu.vector_load %arg9[%get3A_198, %get3A_199] {strides = array<i32>} : memref<80x128xf32, #tpu.memory_space<vmem>>, vector<1x16xf32>,
        %get3A_201 = vector.shape_cast %get3A_200 : vector<1x16xf32> to vector<16xf32>
        %get3A_202 = arith.index_cast %add3A_115 : i32 to index
        %get3A_203 = arith.constant 80 : index
        %get3A_204 = tpu.vector_load %arg11[%get3A_202, %get3A_203] {strides = array<i32>} : memref<80x128xf32, #tpu.memory_space<vmem>>, vector<1x16xf32>,
        %get3A_205 = vector.shape_cast %get3A_204 : vector<1x16xf32> to vector<16xf32>
        %add3A_206 = arith.addf %get3A_201, %get3A_205 : vector<16xf32>
        %max3A_207 = arith.constant 0.000000e+00 : f32
        %max3A_208 = vector.broadcast %max3A_207 : f32 to vector<16xf32>
        %max3A_209 = arith.maximumf %add3A_206, %max3A_208 : vector<16xf32>
        %swap3A_210 = arith.index_cast %add3A_115 : i32 to index
        %swap3A_211 = arith.constant 80 : index
        %swap3A_212 = tpu.vector_load %arg9[%swap3A_210, %swap3A_211] {strides = array<i32>} : memref<80x128xf32, #tpu.memory_space<vmem>>, vector<1x16xf32>,
        %swap3A_213 = vector.shape_cast %swap3A_212 : vector<1x16xf32> to vector<16xf32>
        %swap3A_214 = vector.shape_cast %max3A_209 : vector<16xf32> to vector<1x16xf32>
        tpu.vector_store %arg9[%swap3A_210, %swap3A_211], %swap3A_214 {strides = array<i32>} : memref<80x128xf32, #tpu.memory_space<vmem>>, vector<1x16xf32>,
        %get3A_215 = arith.index_cast %add3A_115 : i32 to index
        %get3A_216 = arith.constant 96 : index
        %get3A_217 = tpu.vector_load %arg9[%get3A_215, %get3A_216] {strides = array<i32>} : memref<80x128xf32, #tpu.memory_space<vmem>>, vector<1x16xf32>,
        %get3A_218 = vector.shape_cast %get3A_217 : vector<1x16xf32> to vector<16xf32>
        %get3A_219 = arith.index_cast %add3A_115 : i32 to index
        %get3A_220 = arith.constant 96 : index
        %get3A_221 = tpu.vector_load %arg11[%get3A_219, %get3A_220] {strides = array<i32>} : memref<80x128xf32, #tpu.memory_space<vmem>>, vector<1x16xf32>,
        %get3A_222 = vector.shape_cast %get3A_221 : vector<1x16xf32> to vector<16xf32>
        %add3A_223 = arith.addf %get3A_218, %get3A_222 : vector<16xf32>
        %max3A_224 = arith.constant 0.000000e+00 : f32
        %max3A_225 = vector.broadcast %max3A_224 : f32 to vector<16xf32>
        %max3A_226 = arith.maximumf %add3A_223, %max3A_225 : vector<16xf32>
        %swap3A_227 = arith.index_cast %add3A_115 : i32 to index
        %swap3A_228 = arith.constant 96 : index
        %swap3A_229 = tpu.vector_load %arg9[%swap3A_227, %swap3A_228] {strides = array<i32>} : memref<80x128xf32, #tpu.memory_space<vmem>>, vector<1x16xf32>,
        %swap3A_230 = vector.shape_cast %swap3A_229 : vector<1x16xf32> to vector<16xf32>
        %swap3A_231 = vector.shape_cast %max3A_226 : vector<16xf32> to vector<1x16xf32>
        tpu.vector_store %arg9[%swap3A_227, %swap3A_228], %swap3A_231 {strides = array<i32>} : memref<80x128xf32, #tpu.memory_space<vmem>>, vector<1x16xf32>,
        %get3A_232 = arith.index_cast %add3A_115 : i32 to index
        %get3A_233 = arith.constant 112 : index
        %get3A_234 = tpu.vector_load %arg9[%get3A_232, %get3A_233] {strides = array<i32>} : memref<80x128xf32, #tpu.memory_space<vmem>>, vector<1x16xf32>,
        %get3A_235 = vector.shape_cast %get3A_234 : vector<1x16xf32> to vector<16xf32>
        %get3A_236 = arith.index_cast %add3A_115 : i32 to index
        %get3A_237 = arith.constant 112 : index
        %get3A_238 = tpu.vector_load %arg11[%get3A_236, %get3A_237] {strides = array<i32>} : memref<80x128xf32, #tpu.memory_space<vmem>>, vector<1x16xf32>,
        %get3A_239 = vector.shape_cast %get3A_238 : vector<1x16xf32> to vector<16xf32>
        %add3A_240 = arith.addf %get3A_235, %get3A_239 : vector<16xf32>
        %max3A_241 = arith.constant 0.000000e+00 : f32
        %max3A_242 = vector.broadcast %max3A_241 : f32 to vector<16xf32>
        %max3A_243 = arith.maximumf %add3A_240, %max3A_242 : vector<16xf32>
        %swap3A_244 = arith.index_cast %add3A_115 : i32 to index
        %swap3A_245 = arith.constant 112 : index
        %swap3A_246 = tpu.vector_load %arg9[%swap3A_244, %swap3A_245] {strides = array<i32>} : memref<80x128xf32, #tpu.memory_space<vmem>>, vector<1x16xf32>,
        %swap3A_247 = vector.shape_cast %swap3A_246 : vector<1x16xf32> to vector<16xf32>
        %swap3A_248 = vector.shape_cast %max3A_243 : vector<16xf32> to vector<1x16xf32>
        tpu.vector_store %arg9[%swap3A_244, %swap3A_245], %swap3A_248 {strides = array<i32>} : memref<80x128xf32, #tpu.memory_space<vmem>>, vector<1x16xf32>,
      }
      %scan3A_110 = arith.constant 80 : i32
      %run_scoped3A = arith.constant 24 : i32
      "tpu.region"() ({
        %run_scoped3A_111 = tpu.sem_alloc : memref<!tpu.dma_semaphore, #tpu.memory_space<semaphore_mem>>
        %dma_start3A_112 = arith.constant 0 : i32
        %dma_start3A_113 = tpu.memref_slice %arg8[%run_scoped3A, %dma_start3A_112] : memref<25x80xi32, #tpu.memory_space<vmem>> -> memref<1x80xi32, #tpu.memory_space<vmem>>
        %dma_start3A_114 = tpu.memref_squeeze %dma_start3A_113 : memref<1x80xi32, #tpu.memory_space<vmem>> -> memref<80xi32, #tpu.memory_space<vmem>>
        %dma_start3A_115 = arith.constant 0 : i32
        %dma_start3A_116 = arith.constant 0 : i32
        %dma_start3A_117 = tpu.memref_slice %arg17[%dma_start3A_115, %dma_start3A_116] : memref<10112x128xf32, #tpu.memory_space<vmem_shared>> -> memref<10112x128xf32, #tpu.memory_space<vmem_shared>>
        tpu.enqueue_indirect_dma source(%arg9 : memref<80x128xf32, #tpu.memory_space<vmem>>) target(%dma_start3A_117 : memref<10112x128xf32, #tpu.memory_space<vmem_shared>>) offsets(%dma_start3A_114 : memref<80xi32, #tpu.memory_space<vmem>>) semaphore(%run_scoped3A_111 : memref<!tpu.dma_semaphore, #tpu.memory_space<semaphore_mem>>) {add = true}
        %dma_wait3A_118 = arith.constant 0 : i32
        %dma_wait3A_119 = tpu.memref_slice %arg8[%run_scoped3A, %dma_wait3A_118] : memref<25x80xi32, #tpu.memory_space<vmem>> -> memref<1x80xi32, #tpu.memory_space<vmem>>
        %dma_wait3A_120 = tpu.memref_squeeze %dma_wait3A_119 : memref<1x80xi32, #tpu.memory_space<vmem>> -> memref<80xi32, #tpu.memory_space<vmem>>
        %dma_wait3A_121 = arith.constant 0 : i32
        %dma_wait3A_122 = arith.constant 0 : i32
        %dma_wait3A_123 = tpu.memref_slice %arg17[%dma_wait3A_121, %dma_wait3A_122] : memref<10112x128xf32, #tpu.memory_space<vmem_shared>> -> memref<10112x128xf32, #tpu.memory_space<vmem_shared>>
        tpu.wait_indirect_dma semaphore(%run_scoped3A_111 : memref<!tpu.dma_semaphore, #tpu.memory_space<semaphore_mem>>) src(%arg9 : memref<80x128xf32, #tpu.memory_space<vmem>>) dst(%dma_wait3A_123 : memref<10112x128xf32, #tpu.memory_space<vmem_shared>>)
        tpu.yield
      }) : () -> ()
    }
    %scan3A_29 = arith.constant 5 : i32
    %barrier3A_30 = arith.constant 0 : index
    tpu.barrier barrier_id(%barrier3A_30)
    %add3A_31 = arith.constant 0 : i32
    %add3A_32 = arith.addi %mul3A_6, %add3A_31 : i32
    %mul3A_33 = arith.constant 10112 : i32
    %mul3A_34 = arith.muli %arg0, %mul3A_33 : i32
    %add3A_35 = arith.addi %mul3A_34, %add3A_32 : i32
    "tpu.region"() ({
      %run_scoped3A = tpu.sem_alloc : memref<!tpu.dma_semaphore, #tpu.memory_space<semaphore_mem>>
      %dma_start3A = arith.constant 0 : i32
      %dma_start3A_56 = tpu.memref_slice %arg6[%add3A_35, %dma_start3A] : memref<20224x128xf32, #tpu.memory_space<hbm>> -> memref<128x128xf32, #tpu.memory_space<hbm>>
      %dma_start3A_57 = arith.constant 0 : i32
      %dma_start3A_58 = tpu.memref_slice %arg17[%add3A_32, %dma_start3A_57] : memref<10112x128xf32, #tpu.memory_space<vmem_shared>> -> memref<128x128xf32, #tpu.memory_space<vmem_shared>>
      tpu.enqueue_dma source(%dma_start3A_58 : memref<128x128xf32, #tpu.memory_space<vmem_shared>>) target(%dma_start3A_56 : memref<128x128xf32, #tpu.memory_space<hbm>>) target_semaphore(%run_scoped3A : memref<!tpu.dma_semaphore, #tpu.memory_space<semaphore_mem>>)
      %dma_wait3A = arith.constant 0 : i32
      %dma_wait3A_59 = tpu.memref_slice %arg6[%add3A_35, %dma_wait3A] : memref<20224x128xf32, #tpu.memory_space<hbm>> -> memref<128x128xf32, #tpu.memory_space<hbm>>
      %dma_wait3A_60 = arith.constant 0 : i32
      %dma_wait3A_61 = tpu.memref_slice %arg17[%add3A_32, %dma_wait3A_60] : memref<10112x128xf32, #tpu.memory_space<vmem_shared>> -> memref<128x128xf32, #tpu.memory_space<vmem_shared>>
      tpu.wait_dma2 semaphore(%run_scoped3A : memref<!tpu.dma_semaphore, #tpu.memory_space<semaphore_mem>>) src(%dma_wait3A_61 : memref<128x128xf32, #tpu.memory_space<vmem_shared>>) dst(%dma_wait3A_59 : memref<128x128xf32, #tpu.memory_space<hbm>>)
      tpu.yield
    }) : () -> ()
    %add3A_36 = arith.constant 128 : i32
    %add3A_37 = arith.addi %mul3A_6, %add3A_36 : i32
    %mul3A_38 = arith.constant 10112 : i32
    %mul3A_39 = arith.muli %arg0, %mul3A_38 : i32
    %add3A_40 = arith.addi %mul3A_39, %add3A_37 : i32
    "tpu.region"() ({
      %run_scoped3A = tpu.sem_alloc : memref<!tpu.dma_semaphore, #tpu.memory_space<semaphore_mem>>
      %dma_start3A = arith.constant 0 : i32
      %dma_start3A_56 = tpu.memref_slice %arg6[%add3A_40, %dma_start3A] : memref<20224x128xf32, #tpu.memory_space<hbm>> -> memref<128x128xf32, #tpu.memory_space<hbm>>
      %dma_start3A_57 = arith.constant 0 : i32
      %dma_start3A_58 = tpu.memref_slice %arg17[%add3A_37, %dma_start3A_57] : memref<10112x128xf32, #tpu.memory_space<vmem_shared>> -> memref<128x128xf32, #tpu.memory_space<vmem_shared>>
      tpu.enqueue_dma source(%dma_start3A_58 : memref<128x128xf32, #tpu.memory_space<vmem_shared>>) target(%dma_start3A_56 : memref<128x128xf32, #tpu.memory_space<hbm>>) target_semaphore(%run_scoped3A : memref<!tpu.dma_semaphore, #tpu.memory_space<semaphore_mem>>)
      %dma_wait3A = arith.constant 0 : i32
      %dma_wait3A_59 = tpu.memref_slice %arg6[%add3A_40, %dma_wait3A] : memref<20224x128xf32, #tpu.memory_space<hbm>> -> memref<128x128xf32, #tpu.memory_space<hbm>>
      %dma_wait3A_60 = arith.constant 0 : i32
      %dma_wait3A_61 = tpu.memref_slice %arg17[%add3A_37, %dma_wait3A_60] : memref<10112x128xf32, #tpu.memory_space<vmem_shared>> -> memref<128x128xf32, #tpu.memory_space<vmem_shared>>
      tpu.wait_dma2 semaphore(%run_scoped3A : memref<!tpu.dma_semaphore, #tpu.memory_space<semaphore_mem>>) src(%dma_wait3A_61 : memref<128x128xf32, #tpu.memory_space<vmem_shared>>) dst(%dma_wait3A_59 : memref<128x128xf32, #tpu.memory_space<hbm>>)
      tpu.yield
    }) : () -> ()
    %add3A_41 = arith.constant 256 : i32
    %add3A_42 = arith.addi %mul3A_6, %add3A_41 : i32
    %mul3A_43 = arith.constant 10112 : i32
    %mul3A_44 = arith.muli %arg0, %mul3A_43 : i32
    %add3A_45 = arith.addi %mul3A_44, %add3A_42 : i32
    "tpu.region"() ({
      %run_scoped3A = tpu.sem_alloc : memref<!tpu.dma_semaphore, #tpu.memory_space<semaphore_mem>>
      %dma_start3A = arith.constant 0 : i32
      %dma_start3A_56 = tpu.memref_slice %arg6[%add3A_45, %dma_start3A] : memref<20224x128xf32, #tpu.memory_space<hbm>> -> memref<128x128xf32, #tpu.memory_space<hbm>>
      %dma_start3A_57 = arith.constant 0 : i32
      %dma_start3A_58 = tpu.memref_slice %arg17[%add3A_42, %dma_start3A_57] : memref<10112x128xf32, #tpu.memory_space<vmem_shared>> -> memref<128x128xf32, #tpu.memory_space<vmem_shared>>
      tpu.enqueue_dma source(%dma_start3A_58 : memref<128x128xf32, #tpu.memory_space<vmem_shared>>) target(%dma_start3A_56 : memref<128x128xf32, #tpu.memory_space<hbm>>) target_semaphore(%run_scoped3A : memref<!tpu.dma_semaphore, #tpu.memory_space<semaphore_mem>>)
      %dma_wait3A = arith.constant 0 : i32
      %dma_wait3A_59 = tpu.memref_slice %arg6[%add3A_45, %dma_wait3A] : memref<20224x128xf32, #tpu.memory_space<hbm>> -> memref<128x128xf32, #tpu.memory_space<hbm>>
      %dma_wait3A_60 = arith.constant 0 : i32
      %dma_wait3A_61 = tpu.memref_slice %arg17[%add3A_42, %dma_wait3A_60] : memref<10112x128xf32, #tpu.memory_space<vmem_shared>> -> memref<128x128xf32, #tpu.memory_space<vmem_shared>>
      tpu.wait_dma2 semaphore(%run_scoped3A : memref<!tpu.dma_semaphore, #tpu.memory_space<semaphore_mem>>) src(%dma_wait3A_61 : memref<128x128xf32, #tpu.memory_space<vmem_shared>>) dst(%dma_wait3A_59 : memref<128x128xf32, #tpu.memory_space<hbm>>)
      tpu.yield
    }) : () -> ()
    %add3A_46 = arith.constant 384 : i32
    %add3A_47 = arith.addi %mul3A_6, %add3A_46 : i32
    %mul3A_48 = arith.constant 10112 : i32
    %mul3A_49 = arith.muli %arg0, %mul3A_48 : i32
    %add3A_50 = arith.addi %mul3A_49, %add3A_47 : i32
    "tpu.region"() ({
      %run_scoped3A = tpu.sem_alloc : memref<!tpu.dma_semaphore, #tpu.memory_space<semaphore_mem>>
      %dma_start3A = arith.constant 0 : i32
      %dma_start3A_56 = tpu.memref_slice %arg6[%add3A_50, %dma_start3A] : memref<20224x128xf32, #tpu.memory_space<hbm>> -> memref<128x128xf32, #tpu.memory_space<hbm>>
      %dma_start3A_57 = arith.constant 0 : i32
      %dma_start3A_58 = tpu.memref_slice %arg17[%add3A_47, %dma_start3A_57] : memref<10112x128xf32, #tpu.memory_space<vmem_shared>> -> memref<128x128xf32, #tpu.memory_space<vmem_shared>>
      tpu.enqueue_dma source(%dma_start3A_58 : memref<128x128xf32, #tpu.memory_space<vmem_shared>>) target(%dma_start3A_56 : memref<128x128xf32, #tpu.memory_space<hbm>>) target_semaphore(%run_scoped3A : memref<!tpu.dma_semaphore, #tpu.memory_space<semaphore_mem>>)
      %dma_wait3A = arith.constant 0 : i32
      %dma_wait3A_59 = tpu.memref_slice %arg6[%add3A_50, %dma_wait3A] : memref<20224x128xf32, #tpu.memory_space<hbm>> -> memref<128x128xf32, #tpu.memory_space<hbm>>
      %dma_wait3A_60 = arith.constant 0 : i32
      %dma_wait3A_61 = tpu.memref_slice %arg17[%add3A_47, %dma_wait3A_60] : memref<10112x128xf32, #tpu.memory_space<vmem_shared>> -> memref<128x128xf32, #tpu.memory_space<vmem_shared>>
      tpu.wait_dma2 semaphore(%run_scoped3A : memref<!tpu.dma_semaphore, #tpu.memory_space<semaphore_mem>>) src(%dma_wait3A_61 : memref<128x128xf32, #tpu.memory_space<vmem_shared>>) dst(%dma_wait3A_59 : memref<128x128xf32, #tpu.memory_space<hbm>>)
      tpu.yield
    }) : () -> ()
    %add3A_51 = arith.constant 512 : i32
    %add3A_52 = arith.addi %mul3A_6, %add3A_51 : i32
    %mul3A_53 = arith.constant 10112 : i32
    %mul3A_54 = arith.muli %arg0, %mul3A_53 : i32
    %add3A_55 = arith.addi %mul3A_54, %add3A_52 : i32
    "tpu.region"() ({
      %run_scoped3A = tpu.sem_alloc : memref<!tpu.dma_semaphore, #tpu.memory_space<semaphore_mem>>
      %dma_start3A = arith.constant 0 : i32
      %dma_start3A_56 = tpu.memref_slice %arg6[%add3A_55, %dma_start3A] : memref<20224x128xf32, #tpu.memory_space<hbm>> -> memref<120x128xf32, #tpu.memory_space<hbm>>
      %dma_start3A_57 = arith.constant 0 : i32
      %dma_start3A_58 = tpu.memref_slice %arg17[%add3A_52, %dma_start3A_57] : memref<10112x128xf32, #tpu.memory_space<vmem_shared>> -> memref<120x128xf32, #tpu.memory_space<vmem_shared>>
      tpu.enqueue_dma source(%dma_start3A_58 : memref<120x128xf32, #tpu.memory_space<vmem_shared>>) target(%dma_start3A_56 : memref<120x128xf32, #tpu.memory_space<hbm>>) target_semaphore(%run_scoped3A : memref<!tpu.dma_semaphore, #tpu.memory_space<semaphore_mem>>)
      %dma_wait3A = arith.constant 0 : i32
      %dma_wait3A_59 = tpu.memref_slice %arg6[%add3A_55, %dma_wait3A] : memref<20224x128xf32, #tpu.memory_space<hbm>> -> memref<120x128xf32, #tpu.memory_space<hbm>>
      %dma_wait3A_60 = arith.constant 0 : i32
      %dma_wait3A_61 = tpu.memref_slice %arg17[%add3A_52, %dma_wait3A_60] : memref<10112x128xf32, #tpu.memory_space<vmem_shared>> -> memref<120x128xf32, #tpu.memory_space<vmem_shared>>
      tpu.wait_dma2 semaphore(%run_scoped3A : memref<!tpu.dma_semaphore, #tpu.memory_space<semaphore_mem>>) src(%dma_wait3A_61 : memref<120x128xf32, #tpu.memory_space<vmem_shared>>) dst(%dma_wait3A_59 : memref<120x128xf32, #tpu.memory_space<hbm>>)
      tpu.yield
    }) : () -> ()
    return
  }
}

module attributes {stable_mosaic.version = 14 : i64} {
  func.func @_mm_bias_body(%arg0: i32, %arg1: memref<1000x128xf32, #tpu.memory_space<vmem>>, %arg2: memref<128x128xf32, #tpu.memory_space<vmem>>, %arg3: memref<1x128xf32, #tpu.memory_space<vmem>>, %arg4: memref<1000x128xf32, #tpu.memory_space<vmem>>) attributes {dimension_semantics = [#tpu.dimension_semantics<arbitrary>], iteration_bounds = array<i64: 10>, scalar_prefetch = 0 : i64, scratch_operands = 0 : i64, tpu.core_type = #tpu.core_type<tc>, window_params = [{transform_indices = @transform_0, window_bounds = array<i64: 1000, 128>}, {pipeline_mode = #tpu.pipeline_mode<synchronous>, transform_indices = @transform_1, window_bounds = array<i64: 128, 128>}, {pipeline_mode = #tpu.pipeline_mode<synchronous>, transform_indices = @transform_2, window_bounds = array<i64: 1, 128>}, {transform_indices = @transform_3, window_bounds = array<i64: 1000, 128>}]} {
    %get3A = arith.constant 0 : index
    %get3A_0 = arith.constant 0 : index
    %get3A_1 = vector.load %arg1[%get3A, %get3A_0] : memref<1000x128xf32, #tpu.memory_space<vmem>>, vector<1000x128xf32>
    %get3A_2 = arith.constant 0 : index
    %get3A_3 = arith.constant 0 : index
    %get3A_4 = vector.load %arg2[%get3A_2, %get3A_3] : memref<128x128xf32, #tpu.memory_space<vmem>>, vector<128x128xf32>
    %dot_general3A = arith.constant dense<0.000000e+00> : vector<1000x128xf32>
    %dot_general3A_5 = tpu.matmul %get3A_1, %get3A_4, %dot_general3A {dimension_numbers = #tpu.dot_dimension_numbers<[1], [0], [0], [1], [0, 0, 1, 1], [], []>, transpose_lhs_hint = false} : vector<1000x128xf32>, vector<128x128xf32>, vector<1000x128xf32> -> vector<1000x128xf32>
    %get3A_6 = arith.constant 0 : index
    %get3A_7 = arith.constant 0 : index
    %get3A_8 = vector.load %arg3[%get3A_6, %get3A_7] : memref<1x128xf32, #tpu.memory_space<vmem>>, vector<1x128xf32>
    %add3A = vector.broadcast %get3A_8 : vector<1x128xf32> to vector<1000x128xf32>
    %add3A_9 = arith.addf %dot_general3A_5, %add3A : vector<1000x128xf32>
    %swap3A = arith.constant 0 : index
    %swap3A_10 = arith.constant 0 : index
    %swap3A_11 = vector.load %arg4[%swap3A, %swap3A_10] : memref<1000x128xf32, #tpu.memory_space<vmem>>, vector<1000x128xf32>
    tpu.vector_store %arg4[%swap3A, %swap3A_10], %add3A_9 {strides = array<i32>} : memref<1000x128xf32, #tpu.memory_space<vmem>>, vector<1000x128xf32>,
    return
  }
  func.func @transform_0(%arg0: i32) -> (i32, i32) {
    %c0_i32 = arith.constant 0 : i32
    %c0_i32_0 = arith.constant 0 : i32
    return %arg0, %c0_i32 : i32, i32
  }
  func.func @transform_1(%arg0: i32) -> (i32, i32) {
    %c0_i32 = arith.constant 0 : i32
    %c0_i32_0 = arith.constant 0 : i32
    %c0_i32_1 = arith.constant 0 : i32
    return %c0_i32, %c0_i32_0 : i32, i32
  }
  func.func @transform_2(%arg0: i32) -> (i32, i32) {
    %c0_i32 = arith.constant 0 : i32
    %c0_i32_0 = arith.constant 0 : i32
    %c0_i32_1 = arith.constant 0 : i32
    return %c0_i32, %c0_i32_0 : i32, i32
  }
  func.func @transform_3(%arg0: i32) -> (i32, i32) {
    %c0_i32 = arith.constant 0 : i32
    %c0_i32_0 = arith.constant 0 : i32
    return %arg0, %c0_i32 : i32, i32
  }
}

module attributes {stable_mosaic.version = 14 : i64} {
  func.func @_mm_bias_body(%arg0: i32, %arg1: memref<2000x16xf32, #tpu.memory_space<vmem>>, %arg2: memref<16x128xf32, #tpu.memory_space<vmem>>, %arg3: memref<1x128xf32, #tpu.memory_space<vmem>>, %arg4: memref<2000x128xf32, #tpu.memory_space<vmem>>) attributes {dimension_semantics = [#tpu.dimension_semantics<arbitrary>], iteration_bounds = array<i64: 160>, scalar_prefetch = 0 : i64, scratch_operands = 0 : i64, tpu.core_type = #tpu.core_type<tc>, window_params = [{transform_indices = @transform_0, window_bounds = array<i64: 2000, 16>}, {pipeline_mode = #tpu.pipeline_mode<synchronous>, transform_indices = @transform_1, window_bounds = array<i64: 16, 128>}, {pipeline_mode = #tpu.pipeline_mode<synchronous>, transform_indices = @transform_2, window_bounds = array<i64: 1, 128>}, {transform_indices = @transform_3, window_bounds = array<i64: 2000, 128>}]} {
    %get3A = arith.constant 0 : index
    %get3A_0 = arith.constant 0 : index
    %get3A_1 = vector.load %arg1[%get3A, %get3A_0] : memref<2000x16xf32, #tpu.memory_space<vmem>>, vector<2000x16xf32>
    %get3A_2 = arith.constant 0 : index
    %get3A_3 = arith.constant 0 : index
    %get3A_4 = vector.load %arg2[%get3A_2, %get3A_3] : memref<16x128xf32, #tpu.memory_space<vmem>>, vector<16x128xf32>
    %dot_general3A = arith.constant dense<0.000000e+00> : vector<2000x128xf32>
    %dot_general3A_5 = tpu.matmul %get3A_1, %get3A_4, %dot_general3A {dimension_numbers = #tpu.dot_dimension_numbers<[1], [0], [0], [1], [0, 0, 1, 1], [], []>, transpose_lhs_hint = false} : vector<2000x16xf32>, vector<16x128xf32>, vector<2000x128xf32> -> vector<2000x128xf32>
    %get3A_6 = arith.constant 0 : index
    %get3A_7 = arith.constant 0 : index
    %get3A_8 = vector.load %arg3[%get3A_6, %get3A_7] : memref<1x128xf32, #tpu.memory_space<vmem>>, vector<1x128xf32>
    %add3A = vector.broadcast %get3A_8 : vector<1x128xf32> to vector<2000x128xf32>
    %add3A_9 = arith.addf %dot_general3A_5, %add3A : vector<2000x128xf32>
    %swap3A = arith.constant 0 : index
    %swap3A_10 = arith.constant 0 : index
    %swap3A_11 = vector.load %arg4[%swap3A, %swap3A_10] : memref<2000x128xf32, #tpu.memory_space<vmem>>, vector<2000x128xf32>
    tpu.vector_store %arg4[%swap3A, %swap3A_10], %add3A_9 {strides = array<i32>} : memref<2000x128xf32, #tpu.memory_space<vmem>>, vector<2000x128xf32>,
    return
  }
  func.func @transform_0(%arg0: i32) -> (i32, i32) {
    %c0_i32 = arith.constant 0 : i32
    %c0_i32_0 = arith.constant 0 : i32
    return %arg0, %c0_i32 : i32, i32
  }
  func.func @transform_1(%arg0: i32) -> (i32, i32) {
    %c0_i32 = arith.constant 0 : i32
    %c0_i32_0 = arith.constant 0 : i32
    %c0_i32_1 = arith.constant 0 : i32
    return %c0_i32, %c0_i32_0 : i32, i32
  }
  func.func @transform_2(%arg0: i32) -> (i32, i32) {
    %c0_i32 = arith.constant 0 : i32
    %c0_i32_0 = arith.constant 0 : i32
    %c0_i32_1 = arith.constant 0 : i32
    return %c0_i32, %c0_i32_0 : i32, i32
  }
  func.func @transform_3(%arg0: i32) -> (i32, i32) {
    %c0_i32 = arith.constant 0 : i32
    %c0_i32_0 = arith.constant 0 : i32
    return %arg0, %c0_i32 : i32, i32
  }
}

module attributes {stable_mosaic.version = 14 : i64} {
  func.func @_node_update_body(%arg0: i32, %arg1: memref<1000x128xf32, #tpu.memory_space<vmem>>, %arg2: memref<1000x128xf32, #tpu.memory_space<vmem>>, %arg3: memref<1000x128xf32, #tpu.memory_space<vmem>>, %arg4: memref<128x128xf32, #tpu.memory_space<vmem>>, %arg5: memref<1x128xf32, #tpu.memory_space<vmem>>, %arg6: memref<128x128xf32, #tpu.memory_space<vmem>>, %arg7: memref<1x128xf32, #tpu.memory_space<vmem>>, %arg8: memref<1x128xf32, #tpu.memory_space<vmem>>, %arg9: memref<1x128xf32, #tpu.memory_space<vmem>>, %arg10: memref<1x128xf32, #tpu.memory_space<vmem>>, %arg11: memref<1x128xf32, #tpu.memory_space<vmem>>, %arg12: memref<1000x128xf32, #tpu.memory_space<vmem>>) attributes {dimension_semantics = [#tpu.dimension_semantics<arbitrary>], iteration_bounds = array<i64: 10>, scalar_prefetch = 0 : i64, scratch_operands = 0 : i64, tpu.core_type = #tpu.core_type<tc>, window_params = [{transform_indices = @transform_0, window_bounds = array<i64: 1000, 128>}, {transform_indices = @transform_1, window_bounds = array<i64: 1000, 128>}, {transform_indices = @transform_2, window_bounds = array<i64: 1000, 128>}, {pipeline_mode = #tpu.pipeline_mode<synchronous>, transform_indices = @transform_3, window_bounds = array<i64: 128, 128>}, {pipeline_mode = #tpu.pipeline_mode<synchronous>, transform_indices = @transform_4, window_bounds = array<i64: 1, 128>}, {pipeline_mode = #tpu.pipeline_mode<synchronous>, transform_indices = @transform_5, window_bounds = array<i64: 128, 128>}, {pipeline_mode = #tpu.pipeline_mode<synchronous>, transform_indices = @transform_6, window_bounds = array<i64: 1, 128>}, {pipeline_mode = #tpu.pipeline_mode<synchronous>, transform_indices = @transform_7, window_bounds = array<i64: 1, 128>}, {pipeline_mode = #tpu.pipeline_mode<synchronous>, transform_indices = @transform_8, window_bounds = array<i64: 1, 128>}, {pipeline_mode = #tpu.pipeline_mode<synchronous>, transform_indices = @transform_9, window_bounds = array<i64: 1, 128>}, {pipeline_mode = #tpu.pipeline_mode<synchronous>, transform_indices = @transform_10, window_bounds = array<i64: 1, 128>}, {transform_indices = @transform_11, window_bounds = array<i64: 1000, 128>}]} {
    %get3A = arith.constant 0 : index
    %get3A_0 = arith.constant 0 : index
    %get3A_1 = vector.load %arg1[%get3A, %get3A_0] : memref<1000x128xf32, #tpu.memory_space<vmem>>, vector<1000x128xf32>
    %get3A_2 = arith.constant 0 : index
    %get3A_3 = arith.constant 0 : index
    %get3A_4 = vector.load %arg2[%get3A_2, %get3A_3] : memref<1000x128xf32, #tpu.memory_space<vmem>>, vector<1000x128xf32>
    %add3A = arith.addf %get3A_1, %get3A_4 : vector<1000x128xf32>
    %get3A_5 = arith.constant 0 : index
    %get3A_6 = arith.constant 0 : index
    %get3A_7 = vector.load %arg3[%get3A_5, %get3A_6] : memref<1000x128xf32, #tpu.memory_space<vmem>>, vector<1000x128xf32>
    %add3A_8 = arith.addf %add3A, %get3A_7 : vector<1000x128xf32>
    %get3A_9 = arith.constant 0 : index
    %get3A_10 = arith.constant 0 : index
    %get3A_11 = vector.load %arg4[%get3A_9, %get3A_10] : memref<128x128xf32, #tpu.memory_space<vmem>>, vector<128x128xf32>
    %dot_general3A = arith.constant dense<0.000000e+00> : vector<1000x128xf32>
    %dot_general3A_12 = tpu.matmul %add3A_8, %get3A_11, %dot_general3A {dimension_numbers = #tpu.dot_dimension_numbers<[1], [0], [0], [1], [0, 0, 1, 1], [], []>, transpose_lhs_hint = false} : vector<1000x128xf32>, vector<128x128xf32>, vector<1000x128xf32> -> vector<1000x128xf32>
    %get3A_13 = arith.constant 0 : index
    %get3A_14 = arith.constant 0 : index
    %get3A_15 = vector.load %arg5[%get3A_13, %get3A_14] : memref<1x128xf32, #tpu.memory_space<vmem>>, vector<1x128xf32>
    %add3A_16 = vector.broadcast %get3A_15 : vector<1x128xf32> to vector<1000x128xf32>
    %add3A_17 = arith.addf %dot_general3A_12, %add3A_16 : vector<1000x128xf32>
    %max3A = arith.constant 0.000000e+00 : f32
    %max3A_18 = vector.broadcast %max3A : f32 to vector<1000x128xf32>
    %max3A_19 = arith.maximumf %add3A_17, %max3A_18 : vector<1000x128xf32>
    %get3A_20 = arith.constant 0 : index
    %get3A_21 = arith.constant 0 : index
    %get3A_22 = vector.load %arg6[%get3A_20, %get3A_21] : memref<128x128xf32, #tpu.memory_space<vmem>>, vector<128x128xf32>
    %dot_general3A_23 = arith.constant dense<0.000000e+00> : vector<1000x128xf32>
    %dot_general3A_24 = tpu.matmul %max3A_19, %get3A_22, %dot_general3A_23 {dimension_numbers = #tpu.dot_dimension_numbers<[1], [0], [0], [1], [0, 0, 1, 1], [], []>, transpose_lhs_hint = false} : vector<1000x128xf32>, vector<128x128xf32>, vector<1000x128xf32> -> vector<1000x128xf32>
    %get3A_25 = arith.constant 0 : index
    %get3A_26 = arith.constant 0 : index
    %get3A_27 = vector.load %arg7[%get3A_25, %get3A_26] : memref<1x128xf32, #tpu.memory_space<vmem>>, vector<1x128xf32>
    %add3A_28 = vector.broadcast %get3A_27 : vector<1x128xf32> to vector<1000x128xf32>
    %add3A_29 = arith.addf %dot_general3A_24, %add3A_28 : vector<1000x128xf32>
    %get3A_30 = arith.constant 0 : index
    %get3A_31 = arith.constant 0 : index
    %get3A_32 = vector.load %arg8[%get3A_30, %get3A_31] : memref<1x128xf32, #tpu.memory_space<vmem>>, vector<1x128xf32>
    %get3A_33 = arith.constant 0 : index
    %get3A_34 = arith.constant 0 : index
    %get3A_35 = vector.load %arg11[%get3A_33, %get3A_34] : memref<1x128xf32, #tpu.memory_space<vmem>>, vector<1x128xf32>
    %add3A_36 = arith.constant 9.99999974E-6 : f32
    %add3A_37 = vector.broadcast %add3A_36 : f32 to vector<1x128xf32>
    %add3A_38 = arith.addf %get3A_35, %add3A_37 : vector<1x128xf32>
    %rsqrt3A = math.rsqrt %add3A_38 : vector<1x128xf32>
    %mul3A = arith.mulf %get3A_32, %rsqrt3A : vector<1x128xf32>
    %get3A_39 = arith.constant 0 : index
    %get3A_40 = arith.constant 0 : index
    %get3A_41 = vector.load %arg10[%get3A_39, %get3A_40] : memref<1x128xf32, #tpu.memory_space<vmem>>, vector<1x128xf32>
    %sub3A = vector.broadcast %get3A_41 : vector<1x128xf32> to vector<1000x128xf32>
    %sub3A_42 = arith.subf %add3A_29, %sub3A : vector<1000x128xf32>
    %mul3A_43 = vector.broadcast %mul3A : vector<1x128xf32> to vector<1000x128xf32>
    %mul3A_44 = arith.mulf %sub3A_42, %mul3A_43 : vector<1000x128xf32>
    %get3A_45 = arith.constant 0 : index
    %get3A_46 = arith.constant 0 : index
    %get3A_47 = vector.load %arg9[%get3A_45, %get3A_46] : memref<1x128xf32, #tpu.memory_space<vmem>>, vector<1x128xf32>
    %add3A_48 = vector.broadcast %get3A_47 : vector<1x128xf32> to vector<1000x128xf32>
    %add3A_49 = arith.addf %mul3A_44, %add3A_48 : vector<1000x128xf32>
    %max3A_50 = arith.constant 0.000000e+00 : f32
    %max3A_51 = vector.broadcast %max3A_50 : f32 to vector<1000x128xf32>
    %max3A_52 = arith.maximumf %add3A_49, %max3A_51 : vector<1000x128xf32>
    %add3A_53 = arith.addf %get3A_1, %max3A_52 : vector<1000x128xf32>
    %mul3A_54 = arith.constant 5.000000e-01 : f32
    %mul3A_55 = vector.broadcast %mul3A_54 : f32 to vector<1000x128xf32>
    %mul3A_56 = arith.mulf %add3A_53, %mul3A_55 : vector<1000x128xf32>
    %swap3A = arith.constant 0 : index
    %swap3A_57 = arith.constant 0 : index
    %swap3A_58 = vector.load %arg12[%swap3A, %swap3A_57] : memref<1000x128xf32, #tpu.memory_space<vmem>>, vector<1000x128xf32>
    tpu.vector_store %arg12[%swap3A, %swap3A_57], %mul3A_56 {strides = array<i32>} : memref<1000x128xf32, #tpu.memory_space<vmem>>, vector<1000x128xf32>,
    return
  }
  func.func @transform_0(%arg0: i32) -> (i32, i32) {
    %c0_i32 = arith.constant 0 : i32
    %c0_i32_0 = arith.constant 0 : i32
    return %arg0, %c0_i32 : i32, i32
  }
  func.func @transform_1(%arg0: i32) -> (i32, i32) {
    %c0_i32 = arith.constant 0 : i32
    %c0_i32_0 = arith.constant 0 : i32
    return %arg0, %c0_i32 : i32, i32
  }
  func.func @transform_2(%arg0: i32) -> (i32, i32) {
    %c0_i32 = arith.constant 0 : i32
    %c0_i32_0 = arith.constant 0 : i32
    return %arg0, %c0_i32 : i32, i32
  }
  func.func @transform_3(%arg0: i32) -> (i32, i32) {
    %c0_i32 = arith.constant 0 : i32
    %c0_i32_0 = arith.constant 0 : i32
    %c0_i32_1 = arith.constant 0 : i32
    return %c0_i32, %c0_i32_0 : i32, i32
  }
  func.func @transform_4(%arg0: i32) -> (i32, i32) {
    %c0_i32 = arith.constant 0 : i32
    %c0_i32_0 = arith.constant 0 : i32
    %c0_i32_1 = arith.constant 0 : i32
    return %c0_i32, %c0_i32_0 : i32, i32
  }
  func.func @transform_5(%arg0: i32) -> (i32, i32) {
    %c0_i32 = arith.constant 0 : i32
    %c0_i32_0 = arith.constant 0 : i32
    %c0_i32_1 = arith.constant 0 : i32
    return %c0_i32, %c0_i32_0 : i32, i32
  }
  func.func @transform_6(%arg0: i32) -> (i32, i32) {
    %c0_i32 = arith.constant 0 : i32
    %c0_i32_0 = arith.constant 0 : i32
    %c0_i32_1 = arith.constant 0 : i32
    return %c0_i32, %c0_i32_0 : i32, i32
  }
  func.func @transform_7(%arg0: i32) -> (i32, i32) {
    %c0_i32 = arith.constant 0 : i32
    %c0_i32_0 = arith.constant 0 : i32
    %c0_i32_1 = arith.constant 0 : i32
    return %c0_i32, %c0_i32_0 : i32, i32
  }
  func.func @transform_8(%arg0: i32) -> (i32, i32) {
    %c0_i32 = arith.constant 0 : i32
    %c0_i32_0 = arith.constant 0 : i32
    %c0_i32_1 = arith.constant 0 : i32
    return %c0_i32, %c0_i32_0 : i32, i32
  }
  func.func @transform_9(%arg0: i32) -> (i32, i32) {
    %c0_i32 = arith.constant 0 : i32
    %c0_i32_0 = arith.constant 0 : i32
    %c0_i32_1 = arith.constant 0 : i32
    return %c0_i32, %c0_i32_0 : i32, i32
  }
  func.func @transform_10(%arg0: i32) -> (i32, i32) {
    %c0_i32 = arith.constant 0 : i32
    %c0_i32_0 = arith.constant 0 : i32
    %c0_i32_1 = arith.constant 0 : i32
    return %c0_i32, %c0_i32_0 : i32, i32
  }
  func.func @transform_11(%arg0: i32) -> (i32, i32) {
    %c0_i32 = arith.constant 0 : i32
    %c0_i32_0 = arith.constant 0 : i32
    return %arg0, %c0_i32 : i32, i32
  }
}

module attributes {stable_mosaic.version = 14 : i64} {
  func.func @_node_head_body(%arg0: i32, %arg1: memref<1000x128xf32, #tpu.memory_space<vmem>>, %arg2: memref<1000x128xf32, #tpu.memory_space<vmem>>, %arg3: memref<1000x128xf32, #tpu.memory_space<vmem>>, %arg4: memref<128x128xf32, #tpu.memory_space<vmem>>, %arg5: memref<1x128xf32, #tpu.memory_space<vmem>>, %arg6: memref<128x128xf32, #tpu.memory_space<vmem>>, %arg7: memref<1x128xf32, #tpu.memory_space<vmem>>, %arg8: memref<1x128xf32, #tpu.memory_space<vmem>>, %arg9: memref<1x128xf32, #tpu.memory_space<vmem>>, %arg10: memref<1x128xf32, #tpu.memory_space<vmem>>, %arg11: memref<1x128xf32, #tpu.memory_space<vmem>>, %arg12: memref<128x128xf32, #tpu.memory_space<vmem>>, %arg13: memref<1x128xf32, #tpu.memory_space<vmem>>, %arg14: memref<128x128xf32, #tpu.memory_space<vmem>>, %arg15: memref<1x128xf32, #tpu.memory_space<vmem>>, %arg16: memref<128x128xf32, #tpu.memory_space<vmem>>, %arg17: memref<1x128xf32, #tpu.memory_space<vmem>>, %arg18: memref<1000x128xf32, #tpu.memory_space<vmem>>) attributes {dimension_semantics = [#tpu.dimension_semantics<arbitrary>], iteration_bounds = array<i64: 10>, scalar_prefetch = 0 : i64, scratch_operands = 0 : i64, tpu.core_type = #tpu.core_type<tc>, window_params = [{transform_indices = @transform_0, window_bounds = array<i64: 1000, 128>}, {transform_indices = @transform_1, window_bounds = array<i64: 1000, 128>}, {transform_indices = @transform_2, window_bounds = array<i64: 1000, 128>}, {pipeline_mode = #tpu.pipeline_mode<synchronous>, transform_indices = @transform_3, window_bounds = array<i64: 128, 128>}, {pipeline_mode = #tpu.pipeline_mode<synchronous>, transform_indices = @transform_4, window_bounds = array<i64: 1, 128>}, {pipeline_mode = #tpu.pipeline_mode<synchronous>, transform_indices = @transform_5, window_bounds = array<i64: 128, 128>}, {pipeline_mode = #tpu.pipeline_mode<synchronous>, transform_indices = @transform_6, window_bounds = array<i64: 1, 128>}, {pipeline_mode = #tpu.pipeline_mode<synchronous>, transform_indices = @transform_7, window_bounds = array<i64: 1, 128>}, {pipeline_mode = #tpu.pipeline_mode<synchronous>, transform_indices = @transform_8, window_bounds = array<i64: 1, 128>}, {pipeline_mode = #tpu.pipeline_mode<synchronous>, transform_indices = @transform_9, window_bounds = array<i64: 1, 128>}, {pipeline_mode = #tpu.pipeline_mode<synchronous>, transform_indices = @transform_10, window_bounds = array<i64: 1, 128>}, {pipeline_mode = #tpu.pipeline_mode<synchronous>, transform_indices = @transform_11, window_bounds = array<i64: 128, 128>}, {pipeline_mode = #tpu.pipeline_mode<synchronous>, transform_indices = @transform_12, window_bounds = array<i64: 1, 128>}, {pipeline_mode = #tpu.pipeline_mode<synchronous>, transform_indices = @transform_13, window_bounds = array<i64: 128, 128>}, {pipeline_mode = #tpu.pipeline_mode<synchronous>, transform_indices = @transform_14, window_bounds = array<i64: 1, 128>}, {pipeline_mode = #tpu.pipeline_mode<synchronous>, transform_indices = @transform_15, window_bounds = array<i64: 128, 128>}, {pipeline_mode = #tpu.pipeline_mode<synchronous>, transform_indices = @transform_16, window_bounds = array<i64: 1, 128>}, {transform_indices = @transform_17, window_bounds = array<i64: 1000, 128>}]} {
    %get3A = arith.constant 0 : index
    %get3A_0 = arith.constant 0 : index
    %get3A_1 = vector.load %arg1[%get3A, %get3A_0] : memref<1000x128xf32, #tpu.memory_space<vmem>>, vector<1000x128xf32>
    %get3A_2 = arith.constant 0 : index
    %get3A_3 = arith.constant 0 : index
    %get3A_4 = vector.load %arg2[%get3A_2, %get3A_3] : memref<1000x128xf32, #tpu.memory_space<vmem>>, vector<1000x128xf32>
    %add3A = arith.addf %get3A_1, %get3A_4 : vector<1000x128xf32>
    %get3A_5 = arith.constant 0 : index
    %get3A_6 = arith.constant 0 : index
    %get3A_7 = vector.load %arg3[%get3A_5, %get3A_6] : memref<1000x128xf32, #tpu.memory_space<vmem>>, vector<1000x128xf32>
    %add3A_8 = arith.addf %add3A, %get3A_7 : vector<1000x128xf32>
    %get3A_9 = arith.constant 0 : index
    %get3A_10 = arith.constant 0 : index
    %get3A_11 = vector.load %arg4[%get3A_9, %get3A_10] : memref<128x128xf32, #tpu.memory_space<vmem>>, vector<128x128xf32>
    %dot_general3A = arith.constant dense<0.000000e+00> : vector<1000x128xf32>
    %dot_general3A_12 = tpu.matmul %add3A_8, %get3A_11, %dot_general3A {dimension_numbers = #tpu.dot_dimension_numbers<[1], [0], [0], [1], [0, 0, 1, 1], [], []>, transpose_lhs_hint = false} : vector<1000x128xf32>, vector<128x128xf32>, vector<1000x128xf32> -> vector<1000x128xf32>
    %get3A_13 = arith.constant 0 : index
    %get3A_14 = arith.constant 0 : index
    %get3A_15 = vector.load %arg5[%get3A_13, %get3A_14] : memref<1x128xf32, #tpu.memory_space<vmem>>, vector<1x128xf32>
    %add3A_16 = vector.broadcast %get3A_15 : vector<1x128xf32> to vector<1000x128xf32>
    %add3A_17 = arith.addf %dot_general3A_12, %add3A_16 : vector<1000x128xf32>
    %max3A = arith.constant 0.000000e+00 : f32
    %max3A_18 = vector.broadcast %max3A : f32 to vector<1000x128xf32>
    %max3A_19 = arith.maximumf %add3A_17, %max3A_18 : vector<1000x128xf32>
    %get3A_20 = arith.constant 0 : index
    %get3A_21 = arith.constant 0 : index
    %get3A_22 = vector.load %arg6[%get3A_20, %get3A_21] : memref<128x128xf32, #tpu.memory_space<vmem>>, vector<128x128xf32>
    %dot_general3A_23 = arith.constant dense<0.000000e+00> : vector<1000x128xf32>
    %dot_general3A_24 = tpu.matmul %max3A_19, %get3A_22, %dot_general3A_23 {dimension_numbers = #tpu.dot_dimension_numbers<[1], [0], [0], [1], [0, 0, 1, 1], [], []>, transpose_lhs_hint = false} : vector<1000x128xf32>, vector<128x128xf32>, vector<1000x128xf32> -> vector<1000x128xf32>
    %get3A_25 = arith.constant 0 : index
    %get3A_26 = arith.constant 0 : index
    %get3A_27 = vector.load %arg7[%get3A_25, %get3A_26] : memref<1x128xf32, #tpu.memory_space<vmem>>, vector<1x128xf32>
    %add3A_28 = vector.broadcast %get3A_27 : vector<1x128xf32> to vector<1000x128xf32>
    %add3A_29 = arith.addf %dot_general3A_24, %add3A_28 : vector<1000x128xf32>
    %get3A_30 = arith.constant 0 : index
    %get3A_31 = arith.constant 0 : index
    %get3A_32 = vector.load %arg8[%get3A_30, %get3A_31] : memref<1x128xf32, #tpu.memory_space<vmem>>, vector<1x128xf32>
    %get3A_33 = arith.constant 0 : index
    %get3A_34 = arith.constant 0 : index
    %get3A_35 = vector.load %arg11[%get3A_33, %get3A_34] : memref<1x128xf32, #tpu.memory_space<vmem>>, vector<1x128xf32>
    %add3A_36 = arith.constant 9.99999974E-6 : f32
    %add3A_37 = vector.broadcast %add3A_36 : f32 to vector<1x128xf32>
    %add3A_38 = arith.addf %get3A_35, %add3A_37 : vector<1x128xf32>
    %rsqrt3A = math.rsqrt %add3A_38 : vector<1x128xf32>
    %mul3A = arith.mulf %get3A_32, %rsqrt3A : vector<1x128xf32>
    %get3A_39 = arith.constant 0 : index
    %get3A_40 = arith.constant 0 : index
    %get3A_41 = vector.load %arg10[%get3A_39, %get3A_40] : memref<1x128xf32, #tpu.memory_space<vmem>>, vector<1x128xf32>
    %sub3A = vector.broadcast %get3A_41 : vector<1x128xf32> to vector<1000x128xf32>
    %sub3A_42 = arith.subf %add3A_29, %sub3A : vector<1000x128xf32>
    %mul3A_43 = vector.broadcast %mul3A : vector<1x128xf32> to vector<1000x128xf32>
    %mul3A_44 = arith.mulf %sub3A_42, %mul3A_43 : vector<1000x128xf32>
    %get3A_45 = arith.constant 0 : index
    %get3A_46 = arith.constant 0 : index
    %get3A_47 = vector.load %arg9[%get3A_45, %get3A_46] : memref<1x128xf32, #tpu.memory_space<vmem>>, vector<1x128xf32>
    %add3A_48 = vector.broadcast %get3A_47 : vector<1x128xf32> to vector<1000x128xf32>
    %add3A_49 = arith.addf %mul3A_44, %add3A_48 : vector<1000x128xf32>
    %max3A_50 = arith.constant 0.000000e+00 : f32
    %max3A_51 = vector.broadcast %max3A_50 : f32 to vector<1000x128xf32>
    %max3A_52 = arith.maximumf %add3A_49, %max3A_51 : vector<1000x128xf32>
    %add3A_53 = arith.addf %get3A_1, %max3A_52 : vector<1000x128xf32>
    %mul3A_54 = arith.constant 5.000000e-01 : f32
    %mul3A_55 = vector.broadcast %mul3A_54 : f32 to vector<1000x128xf32>
    %mul3A_56 = arith.mulf %add3A_53, %mul3A_55 : vector<1000x128xf32>
    %get3A_57 = arith.constant 0 : index
    %get3A_58 = arith.constant 0 : index
    %get3A_59 = vector.load %arg12[%get3A_57, %get3A_58] : memref<128x128xf32, #tpu.memory_space<vmem>>, vector<128x128xf32>
    %dot_general3A_60 = arith.constant dense<0.000000e+00> : vector<1000x128xf32>
    %dot_general3A_61 = tpu.matmul %mul3A_56, %get3A_59, %dot_general3A_60 {dimension_numbers = #tpu.dot_dimension_numbers<[1], [0], [0], [1], [0, 0, 1, 1], [], []>, transpose_lhs_hint = false} : vector<1000x128xf32>, vector<128x128xf32>, vector<1000x128xf32> -> vector<1000x128xf32>
    %get3A_62 = arith.constant 0 : index
    %get3A_63 = arith.constant 0 : index
    %get3A_64 = vector.load %arg13[%get3A_62, %get3A_63] : memref<1x128xf32, #tpu.memory_space<vmem>>, vector<1x128xf32>
    %add3A_65 = vector.broadcast %get3A_64 : vector<1x128xf32> to vector<1000x128xf32>
    %add3A_66 = arith.addf %dot_general3A_61, %add3A_65 : vector<1000x128xf32>
    %max3A_67 = arith.constant 0.000000e+00 : f32
    %max3A_68 = vector.broadcast %max3A_67 : f32 to vector<1000x128xf32>
    %max3A_69 = arith.maximumf %add3A_66, %max3A_68 : vector<1000x128xf32>
    %get3A_70 = arith.constant 0 : index
    %get3A_71 = arith.constant 0 : index
    %get3A_72 = vector.load %arg14[%get3A_70, %get3A_71] : memref<128x128xf32, #tpu.memory_space<vmem>>, vector<128x128xf32>
    %dot_general3A_73 = arith.constant dense<0.000000e+00> : vector<1000x128xf32>
    %dot_general3A_74 = tpu.matmul %max3A_69, %get3A_72, %dot_general3A_73 {dimension_numbers = #tpu.dot_dimension_numbers<[1], [0], [0], [1], [0, 0, 1, 1], [], []>, transpose_lhs_hint = false} : vector<1000x128xf32>, vector<128x128xf32>, vector<1000x128xf32> -> vector<1000x128xf32>
    %get3A_75 = arith.constant 0 : index
    %get3A_76 = arith.constant 0 : index
    %get3A_77 = vector.load %arg15[%get3A_75, %get3A_76] : memref<1x128xf32, #tpu.memory_space<vmem>>, vector<1x128xf32>
    %add3A_78 = vector.broadcast %get3A_77 : vector<1x128xf32> to vector<1000x128xf32>
    %add3A_79 = arith.addf %dot_general3A_74, %add3A_78 : vector<1000x128xf32>
    %max3A_80 = arith.constant 0.000000e+00 : f32
    %max3A_81 = vector.broadcast %max3A_80 : f32 to vector<1000x128xf32>
    %max3A_82 = arith.maximumf %add3A_79, %max3A_81 : vector<1000x128xf32>
    %get3A_83 = arith.constant 0 : index
    %get3A_84 = arith.constant 0 : index
    %get3A_85 = vector.load %arg16[%get3A_83, %get3A_84] : memref<128x128xf32, #tpu.memory_space<vmem>>, vector<128x128xf32>
    %dot_general3A_86 = arith.constant dense<0.000000e+00> : vector<1000x128xf32>
    %dot_general3A_87 = tpu.matmul %max3A_82, %get3A_85, %dot_general3A_86 {dimension_numbers = #tpu.dot_dimension_numbers<[1], [0], [0], [1], [0, 0, 1, 1], [], []>, transpose_lhs_hint = false} : vector<1000x128xf32>, vector<128x128xf32>, vector<1000x128xf32> -> vector<1000x128xf32>
    %get3A_88 = arith.constant 0 : index
    %get3A_89 = arith.constant 0 : index
    %get3A_90 = vector.load %arg17[%get3A_88, %get3A_89] : memref<1x128xf32, #tpu.memory_space<vmem>>, vector<1x128xf32>
    %add3A_91 = vector.broadcast %get3A_90 : vector<1x128xf32> to vector<1000x128xf32>
    %add3A_92 = arith.addf %dot_general3A_87, %add3A_91 : vector<1000x128xf32>
    %swap3A = arith.constant 0 : index
    %swap3A_93 = arith.constant 0 : index
    %swap3A_94 = vector.load %arg18[%swap3A, %swap3A_93] : memref<1000x128xf32, #tpu.memory_space<vmem>>, vector<1000x128xf32>
    tpu.vector_store %arg18[%swap3A, %swap3A_93], %add3A_92 {strides = array<i32>} : memref<1000x128xf32, #tpu.memory_space<vmem>>, vector<1000x128xf32>,
    return
  }
  func.func @transform_0(%arg0: i32) -> (i32, i32) {
    %c0_i32 = arith.constant 0 : i32
    %c0_i32_0 = arith.constant 0 : i32
    return %arg0, %c0_i32 : i32, i32
  }
  func.func @transform_1(%arg0: i32) -> (i32, i32) {
    %c0_i32 = arith.constant 0 : i32
    %c0_i32_0 = arith.constant 0 : i32
    return %arg0, %c0_i32 : i32, i32
  }
  func.func @transform_2(%arg0: i32) -> (i32, i32) {
    %c0_i32 = arith.constant 0 : i32
    %c0_i32_0 = arith.constant 0 : i32
    return %arg0, %c0_i32 : i32, i32
  }
  func.func @transform_3(%arg0: i32) -> (i32, i32) {
    %c0_i32 = arith.constant 0 : i32
    %c0_i32_0 = arith.constant 0 : i32
    %c0_i32_1 = arith.constant 0 : i32
    return %c0_i32, %c0_i32_0 : i32, i32
  }
  func.func @transform_4(%arg0: i32) -> (i32, i32) {
    %c0_i32 = arith.constant 0 : i32
    %c0_i32_0 = arith.constant 0 : i32
    %c0_i32_1 = arith.constant 0 : i32
    return %c0_i32, %c0_i32_0 : i32, i32
  }
  func.func @transform_5(%arg0: i32) -> (i32, i32) {
    %c0_i32 = arith.constant 0 : i32
    %c0_i32_0 = arith.constant 0 : i32
    %c0_i32_1 = arith.constant 0 : i32
    return %c0_i32, %c0_i32_0 : i32, i32
  }
  func.func @transform_6(%arg0: i32) -> (i32, i32) {
    %c0_i32 = arith.constant 0 : i32
    %c0_i32_0 = arith.constant 0 : i32
    %c0_i32_1 = arith.constant 0 : i32
    return %c0_i32, %c0_i32_0 : i32, i32
  }
  func.func @transform_7(%arg0: i32) -> (i32, i32) {
    %c0_i32 = arith.constant 0 : i32
    %c0_i32_0 = arith.constant 0 : i32
    %c0_i32_1 = arith.constant 0 : i32
    return %c0_i32, %c0_i32_0 : i32, i32
  }
  func.func @transform_8(%arg0: i32) -> (i32, i32) {
    %c0_i32 = arith.constant 0 : i32
    %c0_i32_0 = arith.constant 0 : i32
    %c0_i32_1 = arith.constant 0 : i32
    return %c0_i32, %c0_i32_0 : i32, i32
  }
  func.func @transform_9(%arg0: i32) -> (i32, i32) {
    %c0_i32 = arith.constant 0 : i32
    %c0_i32_0 = arith.constant 0 : i32
    %c0_i32_1 = arith.constant 0 : i32
    return %c0_i32, %c0_i32_0 : i32, i32
  }
  func.func @transform_10(%arg0: i32) -> (i32, i32) {
    %c0_i32 = arith.constant 0 : i32
    %c0_i32_0 = arith.constant 0 : i32
    %c0_i32_1 = arith.constant 0 : i32
    return %c0_i32, %c0_i32_0 : i32, i32
  }
  func.func @transform_11(%arg0: i32) -> (i32, i32) {
    %c0_i32 = arith.constant 0 : i32
    %c0_i32_0 = arith.constant 0 : i32
    %c0_i32_1 = arith.constant 0 : i32
    return %c0_i32, %c0_i32_0 : i32, i32
  }
  func.func @transform_12(%arg0: i32) -> (i32, i32) {
    %c0_i32 = arith.constant 0 : i32
    %c0_i32_0 = arith.constant 0 : i32
    %c0_i32_1 = arith.constant 0 : i32
    return %c0_i32, %c0_i32_0 : i32, i32
  }
  func.func @transform_13(%arg0: i32) -> (i32, i32) {
    %c0_i32 = arith.constant 0 : i32
    %c0_i32_0 = arith.constant 0 : i32
    %c0_i32_1 = arith.constant 0 : i32
    return %c0_i32, %c0_i32_0 : i32, i32
  }
  func.func @transform_14(%arg0: i32) -> (i32, i32) {
    %c0_i32 = arith.constant 0 : i32
    %c0_i32_0 = arith.constant 0 : i32
    %c0_i32_1 = arith.constant 0 : i32
    return %c0_i32, %c0_i32_0 : i32, i32
  }
  func.func @transform_15(%arg0: i32) -> (i32, i32) {
    %c0_i32 = arith.constant 0 : i32
    %c0_i32_0 = arith.constant 0 : i32
    %c0_i32_1 = arith.constant 0 : i32
    return %c0_i32, %c0_i32_0 : i32, i32
  }
  func.func @transform_16(%arg0: i32) -> (i32, i32) {
    %c0_i32 = arith.constant 0 : i32
    %c0_i32_0 = arith.constant 0 : i32
    %c0_i32_1 = arith.constant 0 : i32
    return %c0_i32, %c0_i32_0 : i32, i32
  }
  func.func @transform_17(%arg0: i32) -> (i32, i32) {
    %c0_i32 = arith.constant 0 : i32
    %c0_i32_0 = arith.constant 0 : i32
    return %arg0, %c0_i32 : i32, i32
  }
}

</mosaic_0001>

<sc_bundles>
// kernel: kernel.11.cloned.1.call-start
scs
__scs_entry_jumppad:
0x0: {  	(pc) =	sbr.rel $0x88, $3  }
0x1: {  	(tag) =	ssettag $0x0;
	lr =	simm.s32 $0x1  }
0x2: {  	[smem:$0x3F8C] =	sst lr;
	_ =	strace $0xD0000000  }
0x3: {  	_ = 	snop  }
0x4: {  	_ = 	snop  }
0x5: {  	_ = 	snop  }
0x6: {  	_ = 	snop  }
0x7: {  	_ = 	snop  }
__scs_overlays_trampoline_lowered:
0x8: {  	[smem:$0x3F9B] =	sst s0  }
0x9: {  	[smem:$0x3F9C] =	sst s1  }
0xa: {  	[smem:$0x3F9D] =	sst s2  }
0xb: {  	[smem:$0x3F9E] =	sst s3  }
0xc: {  	[smem:$0x3F9F] =	sst s4  }
0xd: {  	[smem:$0x3FA0] =	sst s5  }
0xe: {  	[smem:$0x3FA1] =	sst s6  }
0xf: {  	[smem:$0x3FA2] =	sst s7  }
0x10: {  	[smem:$0x3FA3] =	sst s8  }
0x11: {  	[smem:$0x3FA4] =	sst s9;
	s0 =	simm.s32 @!p0 $0x0  }
0x12: {  	s1 =	sld [smem:$0x3F8A];
	s0 =	simm.s32 @p0 $0x1  }
0x13: {  	[smem:$0x3FA5] =	sst s0;
	s0 =	simm.s32 @!p1 $0x0  }
0x14: {  	s2 =	sld [smem:$0x3F89];
	s0 =	simm.s32 @p1 $0x1  }
0x15: {  	[smem:$0x3FA6] =	sst s0;
	s0 =	simm.s32 @!p2 $0x0  }
0x16: {  	s3 =	sld [smem:$0x3FDB];
	s0 =	simm.s32 @p2 $0x1  }
0x17: {  	s4 =	simm.s32 $0x1BF5;
	[smem:$0x3FA8] =	sst s0  }
0x18: {  	s0 =	sld [smem:$0x3F8B];
	_ =	swait.ge [sflag:s4], $0x0  }
0x19: {  	s7 =	sld [smem:$0x3F8C]  }
0x1a: {  	s8 =	sadd.s32 $0xFFFFE003, lr  }
0x1b: {  	s9 =	sadd.s32 $0xFFFFFEF7, lr;
	s5 =	simm.s32 $0xFFFFFFFF;
	p2 =	slt.u32 s8, $0xFFFFF086  }
0x1c: {  	p1 =	slt.u32 s9, $0xF7A;
	s5 =	simm.s32 @!p2 $0x0  }
0x1d: {  	s5 =	simm.s32 @p1 $0x1;
	p0 =	seq.s32 s7, s2  }
0x1e: {  	s7 =	smul.u32 @!p0 $0xF7A, s2;
	p2 =	seq.s32 @!p0 s5, $0x0  }
0x1f: {  	s9 =	smul.u32 $0xF7A, s1;
	s8 =	simm.s32 @!p0 $0x1BF5;
	p2 =	por !p2, p0  }
0x20: {  	[sflag:s8] =	ssyncset.s32 @!p0 $0xFFFFF086;
	s6 =	sadd.s32 @!p0 s3, s7;
	s7 =	simm.s32 @!p0 $0x108  }
0x21: {  	s3 =	sadd.s32 s3, s9;
	s6 =	sadd.s32 @!p0 $0x88, s6;
	s7 =	simm.s32 @p2 $0x1082  }
0x22: {  	[simem:s7], [sflag:s8] =	dma.local @!p0 [hbm:s6], $0xF7A  }
0x23: {  	s9 =	sor.u32 $0xD0000000, s2;
	s6 =	simm.s32 $0x108;
	_ =	swait.ge @!p0 [sflag:s8], $0x0  }
0x24: {  	s3 =	sadd.s32 $0x88, s3;
	s6 =	simm.s32 @!p1 $0x1082;
	[sflag:s4] =	ssyncset.s32 $0xFFFFF086  }
0x25: {  	[simem:s6], [sflag:s4] =	dma.local [hbm:s3], $0xF7A  }
0x26: {  	[smem:$0x3F8C] =	sst s1;
	(tag) =	ssettag s2;
	_ =	strace s9  }
0x27: {  	s1 =	sld [smem:$0x3F9C]  }
0x28: {  	s2 =	sld [smem:$0x3F9D]  }
0x29: {  	s4 =	sld [smem:$0x3F9F]  }
0x2a: {  	p0 =	seq.s32 s5, $0x0;
	s5 =	sld [smem:$0x3FA0]  }
0x2b: {  	s6 =	sld [smem:$0x3FA1]  }
0x2c: {  	s7 =	sld [smem:$0x3FA2]  }
0x2d: {  	s3 =	simm.s32 $0x108;
	s8 =	sld [smem:$0x3FA3]  }
0x2e: {  	s3 =	simm.s32 @!p0 $0x1082;
	s9 =	sld [smem:$0x3FA4]  }
0x2f: {  	lr =	sadd.s32 s0, s3;
	s0 =	sld [smem:$0x3F9B]  }
0x30: {  	s3 =	sld [smem:$0x3F9E]  }
0x31: {  	[smem:$0x3FA7] =	sst s10  }
0x32: {  	s10 =	sld [smem:$0x3FA5];
	_ =	sdelay $0x3  }
0x33: {  	p0 =	seq.s32 s10, $0x1;
	s10 =	sld [smem:$0x3FA7];
	_ =	sdelay $0x3  }
0x34: {  	[smem:$0x3FA7] =	sst s10  }
0x35: {  	s10 =	sld [smem:$0x3FA6];
	_ =	sdelay $0x3  }
0x36: {  	p1 =	seq.s32 s10, $0x1;
	s10 =	sld [smem:$0x3FA7];
	_ =	sdelay $0x3  }
0x37: {  	[smem:$0x3FA7] =	sst s10  }
0x38: {  	s10 =	sld [smem:$0x3FA8]  }
0x39: {  	_ = 	snop;
	(pc) =	sbr.ind lr, $3  }
0x3a: {  	_ = 	snop  }
0x3b: {  	_ = 	snop  }
0x3c: {  	p2 =	seq.s32 s10, $0x1;
	s10 =	sld [smem:$0x3FA7]  }
0x3d: {  	_ =	shalt  }
0x3e: {  	_ =	shalt  }
0x3f: {  	_ =	shalt  }
0x40: {  	_ =	shalt  }
0x41: {  	_ =	shalt  }
0x42: {  	_ =	shalt  }
0x43: {  	_ =	shalt  }
0x44: {  	_ =	shalt  }
0x45: {  	_ =	shalt  }
0x46: {  	_ =	shalt  }
0x47: {  	_ =	shalt  }
0x48: {  	_ =	shalt  }
0x49: {  	_ =	shalt  }
0x4a: {  	_ =	shalt  }
0x4b: {  	_ =	shalt  }
0x4c: {  	_ =	shalt  }
0x4d: {  	_ =	shalt  }
0x4e: {  	_ =	shalt  }
0x4f: {  	_ =	shalt  }
0x50: {  	_ =	shalt  }
0x51: {  	_ =	shalt  }
0x52: {  	_ =	shalt  }
0x53: {  	_ =	shalt  }
0x54: {  	_ =	shalt  }
0x55: {  	_ =	shalt  }
0x56: {  	_ =	shalt  }
0x57: {  	_ =	shalt  }
0x58: {  	_ =	shalt  }
0x59: {  	_ =	shalt  }
0x5a: {  	_ =	shalt  }
0x5b: {  	_ =	shalt  }
0x5c: {  	_ =	shalt  }
0x5d: {  	_ =	shalt  }
0x5e: {  	_ =	shalt  }
0x5f: {  	_ =	shalt  }
0x60: {  	_ =	shalt  }
0x61: {  	_ =	shalt  }
0x62: {  	_ =	shalt  }
0x63: {  	_ =	shalt  }
0x64: {  	_ =	shalt  }
0x65: {  	_ =	shalt  }
0x66: {  	_ =	shalt  }
0x67: {  	_ =	shalt  }
0x68: {  	_ =	shalt  }
0x69: {  	_ =	shalt  }
0x6a: {  	_ =	shalt  }
0x6b: {  	_ =	shalt  }
0x6c: {  	_ =	shalt  }
0x6d: {  	_ =	shalt  }
0x6e: {  	_ =	shalt  }
0x6f: {  	_ =	shalt  }
0x70: {  	_ =	shalt  }
0x71: {  	_ =	shalt  }
0x72: {  	_ =	shalt  }
0x73: {  	_ =	shalt  }
0x74: {  	_ =	shalt  }
0x75: {  	_ =	shalt  }
0x76: {  	_ =	shalt  }
0x77: {  	_ =	shalt  }
0x78: {  	_ =	shalt  }
0x79: {  	_ =	shalt  }
0x7a: {  	_ =	shalt  }
0x7b: {  	_ =	shalt  }
0x7c: {  	_ =	shalt  }
0x7d: {  	_ =	shalt  }
0x7e: {  	_ =	shalt  }
0x7f: {  	_ =	shalt  }
0x80: {  	_ =	shalt  }
0x81: {  	_ =	shalt  }
0x82: {  	_ =	shalt  }
0x83: {  	_ =	shalt  }
0x84: {  	_ =	shalt  }
0x85: {  	_ =	shalt  }
0x86: {  	_ =	shalt  }
0x87: {  	_ =	shalt  }
.Lfunc_end0:
.L_simem_size_0:
called_computation.1_lowered:
.L_overlay_start_0:
0x88: {  	s2 =	sld [smem:$0x3FD9]  }
0x89: {  	s3 =	sld [smem:$0x3FFE];
	_ =	sdelay $0x1  }
0x8a: {  	s1 =	srdreg.scid  }
0x8b: {  	s0 =	sand.u32 $0x1, s1  }
0x8c: {  	s16 =	sshll.u32 s0, $0xA;
	s2 =	sadd.s32 s3, s2  }
0x8d: {  	s2 =	sadd.s32 s2, s16  }
0x8e: {  	[smem:$0x3FB3] =	sst s2  }
0x8f: {  	_ = 	snop  }
0x90: {  	(tm) =	ssettm $0x1  }
0x91: {  	s17 =	sld [smem:$0x3FFB];
	_ =	sdelay $0x3  }
0x92: {  	_ =	strace s17  }
0x93: {  	s2 =	sld [smem:$0x3FFC];
	_ =	sdelay $0x3  }
0x94: {  	_ =	strace s2  }
0x95: {  	s2 =	sld [smem:$0x3FFD];
	_ =	sdelay $0x3  }
0x96: {  	_ =	strace s2  }
0x97: {  	_ =	strace $0x8FFFFFFF  }
0x98: {  	s18 =	sld [smem:$0x3FDB];
	_ =	sdelay $0x1  }
0x99: {  	s19 =	simm.s32 $_scs_section_size  }
0x9a: {  	s4 =	simm.s32 $_size__tile_overlayer_lowered;
	s5 =	simm.s32 $_tile_overlayer_lowered  }
0x9b: {  	s22 =	simm.s32 $0x1BFF;
	s21 =	sshll.u32 s5, $0x1;
	s2 =	sadd.s32 s19, s18  }
0x9c: {  	s6 =	simm.s32 $0x0;
	s20 =	sshll.u32 s4, $0x1;
	s4 =	sadd.s32 s21, s2  }
0x9d: {  	[timem:s6], [sflag:s22] =	dma.local [hbm:s4], s20  }
0x9e: {  	_ =	swait.ge [sflag:s22], s20  }
0x9f: {  	s3 =	ssub.s32 $0x0, s20;
	[sflag:s22] =	ssyncset.done $0x0  }
0xa0: {  	[sflag:s22] =	ssyncadd.s32 s3;
	_ =	sdelay $0x1  }
0xa1: {  	s23 =	simm.s32 $0x1B8B  }
0xa2: {  	_ =	swait.ge [sflag:s23], $0x1  }
0xa3: {  	[sflag:s23] =	ssyncset.done $0x0  }
0xa4: {  	s25 =	simm.s32 $0x1B8E;
	s24 =	sld [smem:$0x3FFE];
	[sflag:s23] =	ssyncadd.s32 $0xFFFFFFFF  }
0xa5: {  	s26 =	simm.s32 $execute0_lowered;
	[smem:$0x3FD2] =	sst s25  }
0xa6: {  	s4 =	sshll.u32 s26, $0x1;
	_ =	strace $0x80000049;
	[dreg:$0x1] =	wrdreg $0xFFFFFFFF  }
0xa7: {  	s28 =	simm.s32 $_size_execute0_lowered;
	s2 =	sadd.s32 s2, s4;
	[dreg:$0x0] =	wrdreg $0x0  }
0xa8: {  	s4 =	sshll.u32 s28, $0x1;
	[dreg:$0x2] =	wrdreg s2  }
0xa9: {  	[dreg:$0x3] =	wrdreg s4  }
0xaa: {  	[dreg:$0x4] =	wrdreg $0xC0  }
0xab: {  	_ =	task [dreg:s6], $0x5FFFF  }
0xac: {  	[dreg:$0x1] =	wrdreg $0xFFFFFFFF  }
0xad: {  	[dreg:$0x0] =	wrdreg $0x60  }
0xae: {  	[dreg:$0x2] =	wrdreg s24  }
0xaf: {  	[dreg:$0x3] =	wrdreg $0xC0000  }
0xb0: {  	[dreg:$0x4] =	wrdreg $0x9  }
0xb1: {  	_ =	task.clear_ibuf [dreg:s6], $0x5FFFF;
	_ =	strace $0x90000049  }
0xb2: {  	s29 =	simm.s32 $0x9;
	_ =	strace $0x8000004B  }
0xb3: {  	_ =	swait.ge [sflag:s29], $0x1  }
0xb4: {  	[sflag:s29] =	ssyncadd.s32 $0xFFFFFFFF  }
0xb5: {  	_ =	strace $0x9000004B  }
0xb6: {  	_ =	sfence  }
0xb7: {  	s30 =	sld [smem:$0x0];
	_ =	sdelay $0x2  }
0xb8: {  	s31 =	sshll.u32 s1, $0xD;
	s1 =	sshrl.u32 s1, $0x2  }
0xb9: {  	s3 =	sand.u32 $0x4000, s31;
	s1 =	sadd.s32 s1, s30  }
0xba: {  	s0 =	sor.u32 s3, s0;
	s1 =	sshll.u32 s1, $0x11  }
0xbb: {  	s0 =	sor.u32 s1, s0  }
0xbc: {  	s0 =	sadd.s32 $0x8F2B, s0  }
0xbd: {  	[sflag:s0] =	ssyncadd.remote.s32 $0x1  }
0xbe: {  	_ =	sfence.sel $0xFFFF  }
0xbf: {  	[dreg:$0x0] =	wrdreg $0xFFFFFFFF;
	(pc) =	sbr.abs _section_cstart, $3  }
0xc0: {  	[dreg:$0x1] =	wrdreg $0xFFFFFFFF  }
0xc1: {  	_ =	task.clear_ibuf [dreg:s6], $0x2FFFF;
	_ =	strace $0x9FFFFFFF  }
0xc2: {  	(tm) =	ssettm $0x7FFFFFFF  }
0xc3: {  	_ =	shalt  }
tec
execute0_lowered:
.L_overlay_start_1:
0x0: {  	(tag) =	ssettag $0x1  }
0x1: {  	s0 =	rddreg [dreg:$0x0]  }
0x2: {  	s1 =	rddreg [dreg:$0x1];
	s2 =	simm.s32 $0x0;
	s3 =	srdreg.scid  }
0x3: {  	s12 =	stileid.u32;
	s30 =	simm.s32 $0x2000;
	[smem:$0x7FF] =	sst s2  }
0x4: {  	s31 =	simm.s32 $0x5;
	s4 =	sadd.s32 $0x50FA00, s0;
	s5 =	sadd.s32 $0x536C00, s0  }
0x5: {  	s3 =	sand.u32 $0x1, s3;
	s6 =	sadd.s32 $0x4E7A00, s0;
	s9 =	smul.u32 $0x4F000, s12  }
0x6: {  	s7 =	sadd.s32 $0x4FBA00, s0;
	s10 =	sadd.s32 $0x5A00, s0;
	s19 =	smul.u32 $0x278, s12  }
0x7: {  	s12 =	sshll.u32 s12, $0x1;
	_ =	strace $0x8000004A;
	s8 =	ssub.s32 $0x2, s3  }
0x8: {  	s20 =	smul.u32 $0x2780, s3;
	s3 =	sor.u32 s3, s12;
	s11 =	sshrl.u32 s8, $0x1  }
0x9: {  	s9 =	sshrl.u32 s9, $0x2;
	s13 =	sadd.s32 $0x80, s19;
	s12 =	smul.u32 $0x2710, s3  }
0xa: {  	s26 =	sadd.s32 $0x100, s19;
	s28 =	sadd.s32 $0x180, s19;
	s8 =	ssub.s32 s8, s11  }
0xb: {  	s23 =	sadd.s32 s9, s1;
	s24 =	sadd.s32 s19, s20;
	s14 =	sadd.s32 s20, s13  }
0xc: {  	s11 =	sadd.s32 $0x200, s19;
	s16 =	sadd.s32 s20, s26;
	s17 =	sadd.s32 s20, s28  }
0xd: {  	s19 =	smul.u32 $0x5000, s3;
	s13 =	sshll.u32 s13, $0x7;
	s18 =	sshll.u32 s28, $0x7  }
0xe: {  	s21 =	sadd.s32 $0x2800, s23;
	s22 =	sadd.s32 $0x5000, s23;
	[dreg:$0x3] =	wrdreg s23  }
0xf: {  	s15 =	sadd.s32 $0x7800, s23;
	s25 =	sshll.u32 s24, $0x4;
	[dreg:$0x4] =	wrdreg s21  }
0x10: {  	s14 =	sshll.u32 s14, $0x4;
	s9 =	sadd.s32 s20, s11;
	[dreg:$0x5] =	wrdreg s22  }
0x11: {  	s16 =	sshll.u32 s16, $0x4;
	s8 =	smax.u32 s8, $0x1;
	[dreg:$0x6] =	wrdreg s15  }
0x12: {  	s17 =	sshll.u32 s17, $0x4;
	s28 =	sadd.s32 $0xF000, s23;
	[dreg:$0xd] =	wrdreg s8  }
0x13: {  	s20 =	sadd.s32 $0x537100, s0;
	s15 =	sadd.s32 s10, s25;
	[dreg:$0x13] =	wrdreg s28  }
0x14: {  	s14 =	sadd.s32 s10, s14;
	s9 =	sshll.u32 s9, $0x4;
	[dreg:$0x7] =	wrdreg s15  }
0x15: {  	s16 =	sadd.s32 s10, s16;
	s29 =	sadd.s32 s10, s17;
	[dreg:$0x8] =	wrdreg s14  }
0x16: {  	s17 =	sshll.u32 s26, $0x7;
	s21 =	sshll.u32 s11, $0x7;
	[dreg:$0x9] =	wrdreg s16  }
0x17: {  	s26 =	sadd.s32 $0xC800, s23;
	s11 =	simm.s32 $0x4800;
	[dreg:$0xa] =	wrdreg s29  }
0x18: {  	s9 =	sadd.s32 s10, s9;
	s10 =	sadd.s32 $0xA000, s23;
	s16 =	sadd.s32 s13, s1  }
0x19: {  	s3 =	sadd.s32 s17, s1;
	[dreg:$0x12] =	wrdreg s26;
	s29 =	sadd.s32 $0x11800, s23  }
0x1a: {  	s13 =	simm.s32 $0x9800;
	s14 =	simm.s32 $0x1;
	[dreg:$0xb] =	wrdreg s9  }
0x1b: {  	s15 =	simm.s32 $0x3;
	s17 =	simm.s32 $0x4;
	[dreg:$0xc] =	wrdreg s10  }
0x1c: {  	s9 =	sadd.s32 s18, s1;
	s10 =	sadd.s32 s21, s1;
	s0 =	sshrl.u32 s16, $0x3  }
0x1d: {  	s22 =	sshrl.u32 s3, $0x3;
	[dreg:$0x14] =	wrdreg s29;
	s3 =	simm.s32 $0x50  }
0x1e: {  	s16 =	simm.s32 $0x2;
	s18 =	simm.s32 $0x1C00;
	[dreg:$0xe] =	wrdreg s0  }
0x1f: {  	s21 =	simm.s32 $0x0;
	[dreg:$0xf] =	wrdreg s22;
	s24 =	sshrl.u32 s9, $0x3  }
0x20: {  	s25 =	sshrl.u32 s10, $0x3;
	s0 =	simm.s32 $0x1000;
	[dreg:$0x10] =	wrdreg s24  }
0x21: {  	v0 =	vimm.f32 $0.0e+00;
	s9 =	simm.s32 $0x7000;
	s10 =	simm.s32 $0x80;
	[dreg:$0x11] =	wrdreg s25  }
.LBB2_1:
0x22: {  	s8 =	simm.s32 $0x0;
	s22 =	simm.s32 $0x200  }
.LBB2_2:
0x23: {  	p0 =	sne.s32 s22, $0x9E00;
	[tilespmem:s8+$0x2070] =	vst v0  }
0x24: {  	[tilespmem:s8+$0x2000] =	vst v0  }
0x25: {  	[tilespmem:s8+$0x2010] =	vst v0  }
.Ltmp0:
0x26: {  	[tilespmem:s8+$0x2020] =	vst v0;
	(pc) =	sbr.rel @p0 .LBB2_2-.Ltmp0, $4  }
0x27: {  	[tilespmem:s8+$0x2030] =	vst v0  }
0x28: {  	[tilespmem:s8+$0x2040] =	vst v0  }
0x29: {  	[tilespmem:s8+$0x2050] =	vst v0  }
0x2a: {  	[tilespmem:s8+$0x2060] =	vst v0;
	s8 =	sshra.s32 s22, $0x2;
	s22 =	sadd.s32 $0x200, s22  }
0x2b: {  	[tilespmem:s8+$0x2070] =	vst v0  }
0x2c: {  	[tilespmem:s8+$0x2000] =	vst v0  }
0x2d: {  	[tilespmem:s8+$0x2010] =	vst v0  }
0x2e: {  	[tilespmem:s8+$0x2020] =	vst v0  }
0x2f: {  	[tilespmem:s8+$0x2030] =	vst v0  }
0x30: {  	[tilespmem:s8+$0x2040] =	vst v0  }
0x31: {  	[tilespmem:s8+$0x2050] =	vst v0  }
0x32: {  	[dreg:$0x15] =	wrdreg s21;
	[tilespmem:s8+$0x2060] =	vst v0  }
0x33: {  	[spmem:s23] =	stream.linear.scatter [tilespmem:s30], [sflag:$0x5], $0x2800, $0x38;
	[tilespmem:$0x1FC00] =	vst v63  }
0x34: {  	_ =	swait.ge [sflag:s31], $0x2800  }
0x35: {  	[sflag:s31] =	ssyncset.done $0x0  }
0x36: {  	s22 =	rddreg [dreg:$0x4];
	[sflag:s31] =	ssyncadd.s32 $0xFFFFD800  }
0x37: {  	[spmem:s22] =	stream.linear.scatter [tilespmem:s30], [sflag:$0x5], $0x2800, $0x38;
	[tilespmem:$0x1FC00] =	vst v63  }
0x38: {  	_ =	swait.ge [sflag:s31], $0x2800  }
0x39: {  	[sflag:s31] =	ssyncset.done $0x0  }
0x3a: {  	s23 =	rddreg [dreg:$0x5];
	[sflag:s31] =	ssyncadd.s32 $0xFFFFD800  }
0x3b: {  	[spmem:s23] =	stream.linear.scatter [tilespmem:s30], [sflag:$0x5], $0x2800, $0x38;
	[tilespmem:$0x1FC00] =	vst v63  }
0x3c: {  	_ =	swait.ge [sflag:s31], $0x2800  }
0x3d: {  	[sflag:s31] =	ssyncset.done $0x0  }
0x3e: {  	s24 =	rddreg [dreg:$0x6];
	[sflag:s31] =	ssyncadd.s32 $0xFFFFD800  }
0x3f: {  	[spmem:s24] =	stream.linear.scatter [tilespmem:s30], [sflag:$0x5], $0x2800, $0x38;
	[tilespmem:$0x1FC00] =	vst v63  }
0x40: {  	_ =	swait.ge [sflag:s31], $0x2800  }
0x41: {  	[sflag:s31] =	ssyncset.done $0x0  }
0x42: {  	s25 =	rddreg [dreg:$0xc];
	[sflag:s31] =	ssyncadd.s32 $0xFFFFD800  }
0x43: {  	[spmem:s25] =	stream.linear.scatter [tilespmem:s30], [sflag:$0x5], $0x2800, $0x38;
	[tilespmem:$0x1FC00] =	vst v63  }
0x44: {  	_ =	swait.ge [sflag:s31], $0x2800  }
0x45: {  	[sflag:s31] =	ssyncset.done $0x0  }
0x46: {  	s26 =	rddreg [dreg:$0x12];
	[sflag:s31] =	ssyncadd.s32 $0xFFFFD800  }
0x47: {  	[spmem:s26] =	stream.linear.scatter [tilespmem:s30], [sflag:$0x5], $0x2800, $0x38;
	[tilespmem:$0x1FC00] =	vst v63  }
0x48: {  	_ =	swait.ge [sflag:s31], $0x2800  }
0x49: {  	[sflag:s31] =	ssyncset.done $0x0  }
0x4a: {  	s28 =	rddreg [dreg:$0x13];
	[sflag:s31] =	ssyncadd.s32 $0xFFFFD800  }
0x4b: {  	[spmem:s28] =	stream.linear.scatter [tilespmem:s30], [sflag:$0x5], $0x2800, $0x38;
	[tilespmem:$0x1FC00] =	vst v63  }
0x4c: {  	_ =	swait.ge [sflag:s31], $0x2800  }
0x4d: {  	[sflag:s31] =	ssyncset.done $0x0  }
0x4e: {  	s29 =	rddreg [dreg:$0x14];
	[sflag:s31] =	ssyncadd.s32 $0xFFFFD800  }
0x4f: {  	[spmem:s29] =	stream.linear.scatter [tilespmem:s30], [sflag:$0x5], $0x2400, $0x38;
	[tilespmem:$0x1FC00] =	vst v63  }
0x50: {  	_ =	swait.ge [sflag:s31], $0x2400  }
0x51: {  	[sflag:s31] =	ssyncset.done $0x0  }
0x52: {  	[sflag:s31] =	ssyncadd.s32 $0xFFFFDC00  }
0x53: {  	s22 =	simm.s32 $0x0;
	s23 =	simm.s32 $0x0;
	[bflag:$0x0] =	sbarrier.arrive $0xFFFF  }
.LBB2_4:
0x54: {  	s8 =	sshll.u32 s23, $0xC  }
0x55: {  	s8 =	sadd.s32 s19, s8  }
0x56: {  	s8 =	sshrl.u32 s8, $0x3  }
0x57: {  	s24 =	sadd.s32 s6, s8  }
0x58: {  	[tilespmem:s22], [sflag:$0x5] =	stream.linear.gather [hbm4b:s24+s22], $0xC80, $0x38;
	[tilespmem:$0x1FC00] =	vst v63  }
0x59: {  	_ =	swait.ge [sflag:s31], $0xC80  }
0x5a: {  	[sflag:s31] =	ssyncset.done $0x0  }
0x5b: {  	s29 =	smul.u32 $0x7D0, s23;
	s8 =	sadd.s32 s7, s8;
	[sflag:s31] =	ssyncadd.s32 $0xFFFFF380  }
0x5c: {  	[tilespmem:s0], [sflag:$0x5] =	stream.linear.gather [hbm4b:s8+s22], $0xC80, $0x38;
	[tilespmem:$0x1FC00] =	vst v63  }
0x5d: {  	_ =	swait.ge [sflag:s31], $0xC80  }
0x5e: {  	s24 =	sadd.s32 s12, s29;
	[sflag:s31] =	ssyncset.done $0x0  }
0x5f: {  	s8 =	sshll.u32 s24, $0x4;
	[sflag:s31] =	ssyncadd.s32 $0xFFFFF380  }
0x60: {  	[tilespmem:s30], [sflag:$0x1] =	stream.indirect.gather [hbm4b:s4+s3], $0x80, s22, s3, $0xb8;
	[tilespmem:$0x1FC00] =	vst v63  }
0x61: {  	s25 =	sadd.s32 s5, s8  }
0x62: {  	[tilespmem:s9], [sflag:$0x3] =	stream.linear.gather [hbm4b:s25+s22], $0x2800, $0x38;
	[tilespmem:$0x1FC00] =	vst v63  }
0x63: {  	_ = 	snop  }
0x64: {  	[tilespmem:s11], [sflag:$0x2] =	stream.indirect.gather [hbm4b:s4+s3], $0x80, s10, s3, $0xb8;
	[tilespmem:$0x1FC00] =	vst v63  }
0x65: {  	s8 =	sadd.s32 s8, s20;
	s25 =	simm.s32 $0x0  }
0x66: {  	[tilespmem:s13], [sflag:$0x4] =	stream.linear.gather [hbm4b:s8+s22], $0x2800, $0x38;
	[tilespmem:$0x1FC00] =	vst v63  }
.LBB2_5:
0x67: {  	_ =	swait.ge [sflag:s14], $0x2800  }
0x68: {  	[sflag:s14] =	ssyncset.done $0x0  }
0x69: {  	[sflag:s14] =	ssyncadd.s32 $0xFFFFD800  }
0x6a: {  	_ =	swait.ge [sflag:s15], $0x2800  }
0x6b: {  	[sflag:s15] =	ssyncset.done $0x0  }
0x6c: {  	s26 =	simm.s32 $0x0;
	[sflag:s15] =	ssyncadd.s32 $0xFFFFD800  }
0x6d: {  	v7 =	vld [tilespmem:s26+$0x7000]  }
0x6e: {  	v12 =	vld [tilespmem:s26+$0x7010]  }
0x6f: {  	v6 =	vld [tilespmem:s26+$0x7020]  }
0x70: {  	v5 =	vld [tilespmem:s26+$0x7030]  }
0x71: {  	v4 =	vld [tilespmem:s26+$0x7040]  }
0x72: {  	v3 =	vld [tilespmem:s26+$0x7050]  }
0x73: {  	v2 =	vld [tilespmem:s26+$0x7060]  }
0x74: {  	v1 =	vld [tilespmem:s26+$0x7070]  }
0x75: {  	v13 =	vld [tilespmem:s26+$0x2000]  }
0x76: {  	v14 =	vld [tilespmem:s26+$0x2010]  }
0x77: {  	v11 =	vld [tilespmem:s26+$0x2020]  }
0x78: {  	v10 =	vld [tilespmem:s26+$0x2030]  }
0x79: {  	v9 =	vld [tilespmem:s26+$0x2040]  }
0x7a: {  	v8 =	vld [tilespmem:s26+$0x2050];
	v13 =	vadd.f32 v7, v13  }
0x7b: {  	s28 =	simm.s32 $0x200;
	v12 =	vadd.f32 v12, v14;
	v7 =	vld [tilespmem:s26+$0x2060]  }
.LBB2_6:
0x7c: {  	s8 =	sshra.s32 s28, $0x2;
	p0 =	sne.s32 s28, $0x9E00;
	v13 =	vmax.f32 v13, $0.0e+00;
	v6 =	vadd.f32 v6, v11;
	v11 =	vld [tilespmem:s26+$0x2070]  }
0x7d: {  	v14 =	vld [tilespmem:s8+$0x7000];
	[tilespmem:s26+$0x2000] =	vst v13;
	v12 =	vmax.f32 v12, $0.0e+00;
	v5 =	vadd.f32 v5, v10  }
0x7e: {  	v15 =	vld [tilespmem:s8+$0x7010];
	[tilespmem:s26+$0x2010] =	vst v12;
	v10 =	vmax.f32 v6, $0.0e+00;
	v4 =	vadd.f32 v4, v9  }
0x7f: {  	v6 =	vld [tilespmem:s8+$0x7020];
	[tilespmem:s26+$0x2020] =	vst v10;
	v9 =	vmax.f32 v5, $0.0e+00;
	v3 =	vadd.f32 v3, v8  }
0x80: {  	v5 =	vld [tilespmem:s8+$0x7030];
	[tilespmem:s26+$0x2030] =	vst v9;
	v8 =	vmax.f32 v4, $0.0e+00;
	v2 =	vadd.f32 v2, v7  }
0x81: {  	v4 =	vld [tilespmem:s8+$0x7040];
	[tilespmem:s26+$0x2040] =	vst v8;
	v7 =	vmax.f32 v3, $0.0e+00;
	v1 =	vadd.f32 v1, v11  }
0x82: {  	v3 =	vld [tilespmem:s8+$0x7050];
	[tilespmem:s26+$0x2050] =	vst v7;
	v7 =	vmax.f32 v2, $0.0e+00  }
0x83: {  	v2 =	vld [tilespmem:s8+$0x7060];
	[tilespmem:s26+$0x2060] =	vst v7;
	v7 =	vmax.f32 v1, $0.0e+00  }
0x84: {  	v1 =	vld [tilespmem:s8+$0x7070];
	[tilespmem:s26+$0x2070] =	vst v7;
	s26 =	smov.u32 s8  }
0x85: {  	v7 =	vld [tilespmem:s26+$0x2000]  }
0x86: {  	v12 =	vld [tilespmem:s26+$0x2010]  }
.Ltmp1:
0x87: {  	v11 =	vld [tilespmem:s26+$0x2020];
	(pc) =	sbr.rel @p0 .LBB2_6-.Ltmp1, $4  }
0x88: {  	v10 =	vld [tilespmem:s26+$0x2030]  }
0x89: {  	v9 =	vld [tilespmem:s26+$0x2040]  }
0x8a: {  	v13 =	vadd.f32 v14, v7;
	v8 =	vld [tilespmem:s26+$0x2050]  }
0x8b: {  	s28 =	sadd.s32 $0x200, s28;
	v12 =	vadd.f32 v15, v12;
	v7 =	vld [tilespmem:s26+$0x2060]  }
0x8c: {  	v13 =	vmax.f32 v13, $0.0e+00;
	v6 =	vadd.f32 v6, v11;
	v11 =	vld [tilespmem:s26+$0x2070]  }
0x8d: {  	[tilespmem:s26+$0x2000] =	vst v13;
	v12 =	vmax.f32 v12, $0.0e+00;
	v5 =	vadd.f32 v5, v10  }
0x8e: {  	[tilespmem:s26+$0x2010] =	vst v12;
	v6 =	vmax.f32 v6, $0.0e+00;
	v4 =	vadd.f32 v4, v9  }
0x8f: {  	[tilespmem:s26+$0x2020] =	vst v6;
	v5 =	vmax.f32 v5, $0.0e+00;
	v3 =	vadd.f32 v3, v8  }
0x90: {  	[tilespmem:s26+$0x2030] =	vst v5;
	v4 =	vmax.f32 v4, $0.0e+00;
	v2 =	vadd.f32 v2, v7  }
0x91: {  	[tilespmem:s26+$0x2040] =	vst v4;
	v3 =	vmax.f32 v3, $0.0e+00;
	v1 =	vadd.f32 v1, v11  }
0x92: {  	s8 =	sshll.u32 s25, $0x8;
	[tilespmem:s26+$0x2050] =	vst v3;
	v2 =	vmax.f32 v2, $0.0e+00  }
0x93: {  	s28 =	sand.u32 $0x3FFFFF00, s8;
	[tilespmem:s26+$0x2060] =	vst v2;
	v1 =	vmax.f32 v1, $0.0e+00  }
0x94: {  	s8 =	sadd.s32 $0x1000, s28;
	[tilespmem:s26+$0x2070] =	vst v1;
	s26 =	sshll.u32 s25, $0x1  }
0x95: {  	[spmem:s1] =	stream.indirect.scatter.add.f32 [tilespmem:s30], [sflag:$0x5], $0x80, s8, s3, $0xb8;
	[tilespmem:$0x1FC00] =	vst v63  }
0x96: {  	s21 =	sadd.s32 $0x2, s26  }
0x97: {  	_ =	swait.ge [sflag:s31], $0x2800;
	s8 =	smul.u32 $0x50, s21  }
0x98: {  	s29 =	sshll.u32 s21, $0x7;
	[sflag:s31] =	ssyncset.done $0x0  }
0x99: {  	s29 =	sand.u32 $0x3FFFFF00, s29;
	[sflag:s31] =	ssyncadd.s32 $0xFFFFD800;
	s8 =	sadd.s32 s24, s8  }
0x9a: {  	[tilespmem:s30], [sflag:$0x1] =	stream.indirect.gather [hbm4b:s4+s3], $0x80, s29, s3, $0xb8;
	[tilespmem:$0x1FC00] =	vst v63  }
0x9b: {  	s8 =	sshll.u32 s8, $0x4  }
0x9c: {  	s29 =	simm.s32 $0x0;
	s8 =	sadd.s32 s5, s8  }
0x9d: {  	[tilespmem:s9], [sflag:$0x3] =	stream.linear.gather [hbm4b:s8+s29], $0x2800, $0x38;
	[tilespmem:$0x1FC00] =	vst v63  }
0x9e: {  	_ =	swait.ge [sflag:s16], $0x2800  }
0x9f: {  	[sflag:s16] =	ssyncset.done $0x0  }
0xa0: {  	[sflag:s16] =	ssyncadd.s32 $0xFFFFD800  }
0xa1: {  	_ =	swait.ge [sflag:s17], $0x2800  }
0xa2: {  	[sflag:s17] =	ssyncset.done $0x0  }
0xa3: {  	s29 =	simm.s32 $0x0;
	[sflag:s17] =	ssyncadd.s32 $0xFFFFD800  }
0xa4: {  	v7 =	vld [tilespmem:s29+$0x9800]  }
0xa5: {  	v12 =	vld [tilespmem:s29+$0x9810]  }
0xa6: {  	v6 =	vld [tilespmem:s29+$0x9820]  }
0xa7: {  	v5 =	vld [tilespmem:s29+$0x9830]  }
0xa8: {  	v4 =	vld [tilespmem:s29+$0x9840]  }
0xa9: {  	v3 =	vld [tilespmem:s29+$0x9850]  }
0xaa: {  	v2 =	vld [tilespmem:s29+$0x9860]  }
0xab: {  	v1 =	vld [tilespmem:s29+$0x9870]  }
0xac: {  	v13 =	vld [tilespmem:s29+$0x4800]  }
0xad: {  	v14 =	vld [tilespmem:s29+$0x4810]  }
0xae: {  	v11 =	vld [tilespmem:s29+$0x4820]  }
0xaf: {  	v10 =	vld [tilespmem:s29+$0x4830]  }
0xb0: {  	v9 =	vld [tilespmem:s29+$0x4840]  }
0xb1: {  	v8 =	vld [tilespmem:s29+$0x4850];
	v13 =	vadd.f32 v7, v13  }
0xb2: {  	s8 =	simm.s32 $0x200;
	v12 =	vadd.f32 v12, v14;
	v7 =	vld [tilespmem:s29+$0x4860]  }
.LBB2_8:
0xb3: {  	s21 =	sshra.s32 s8, $0x2;
	p0 =	sne.s32 s8, $0x9E00;
	v13 =	vmax.f32 v13, $0.0e+00;
	v6 =	vadd.f32 v6, v11;
	v11 =	vld [tilespmem:s29+$0x4870]  }
0xb4: {  	v14 =	vld [tilespmem:s21+$0x9800];
	[tilespmem:s29+$0x4800] =	vst v13;
	v12 =	vmax.f32 v12, $0.0e+00;
	v5 =	vadd.f32 v5, v10  }
0xb5: {  	v15 =	vld [tilespmem:s21+$0x9810];
	[tilespmem:s29+$0x4810] =	vst v12;
	v10 =	vmax.f32 v6, $0.0e+00;
	v4 =	vadd.f32 v4, v9  }
0xb6: {  	v6 =	vld [tilespmem:s21+$0x9820];
	[tilespmem:s29+$0x4820] =	vst v10;
	v9 =	vmax.f32 v5, $0.0e+00;
	v3 =	vadd.f32 v3, v8  }
0xb7: {  	v5 =	vld [tilespmem:s21+$0x9830];
	[tilespmem:s29+$0x4830] =	vst v9;
	v8 =	vmax.f32 v4, $0.0e+00;
	v2 =	vadd.f32 v2, v7  }
0xb8: {  	v4 =	vld [tilespmem:s21+$0x9840];
	[tilespmem:s29+$0x4840] =	vst v8;
	v7 =	vmax.f32 v3, $0.0e+00;
	v1 =	vadd.f32 v1, v11  }
0xb9: {  	v3 =	vld [tilespmem:s21+$0x9850];
	[tilespmem:s29+$0x4850] =	vst v7;
	v7 =	vmax.f32 v2, $0.0e+00  }
0xba: {  	v2 =	vld [tilespmem:s21+$0x9860];
	[tilespmem:s29+$0x4860] =	vst v7;
	v7 =	vmax.f32 v1, $0.0e+00  }
0xbb: {  	v1 =	vld [tilespmem:s21+$0x9870];
	[tilespmem:s29+$0x4870] =	vst v7;
	s29 =	smov.u32 s21  }
0xbc: {  	v7 =	vld [tilespmem:s29+$0x4800]  }
0xbd: {  	v12 =	vld [tilespmem:s29+$0x4810]  }
.Ltmp2:
0xbe: {  	v11 =	vld [tilespmem:s29+$0x4820];
	(pc) =	sbr.rel @p0 .LBB2_8-.Ltmp2, $4  }
0xbf: {  	v10 =	vld [tilespmem:s29+$0x4830]  }
0xc0: {  	v9 =	vld [tilespmem:s29+$0x4840]  }
0xc1: {  	v13 =	vadd.f32 v14, v7;
	v8 =	vld [tilespmem:s29+$0x4850]  }
0xc2: {  	s8 =	sadd.s32 $0x200, s8;
	v12 =	vadd.f32 v15, v12;
	v7 =	vld [tilespmem:s29+$0x4860]  }
0xc3: {  	v13 =	vmax.f32 v13, $0.0e+00;
	v6 =	vadd.f32 v6, v11;
	v63 =	vld [tilespmem:s29+$0x4870]  }
0xc4: {  	[tilespmem:s29+$0x4800] =	vst v13;
	v12 =	vmax.f32 v12, $0.0e+00;
	v5 =	vadd.f32 v5, v10  }
0xc5: {  	[tilespmem:s29+$0x4810] =	vst v12;
	v6 =	vmax.f32 v6, $0.0e+00;
	v4 =	vadd.f32 v4, v9  }
0xc6: {  	[tilespmem:s29+$0x4820] =	vst v6;
	v5 =	vmax.f32 v5, $0.0e+00;
	v3 =	vadd.f32 v3, v8  }
0xc7: {  	[tilespmem:s29+$0x4830] =	vst v5;
	v4 =	vmax.f32 v4, $0.0e+00;
	v2 =	vadd.f32 v2, v7  }
0xc8: {  	[tilespmem:s29+$0x4840] =	vst v4;
	v3 =	vmax.f32 v3, $0.0e+00;
	v1 =	vadd.f32 v1, v63  }
0xc9: {  	[tilespmem:s29+$0x4850] =	vst v3;
	v2 =	vmax.f32 v2, $0.0e+00  }
0xca: {  	p0 =	seq.s32 s25, $0xB;
	[tilespmem:s29+$0x4860] =	vst v2;
	v1 =	vmax.f32 v1, $0.0e+00  }
.Ltmp3:
0xcb: {  	s8 =	sadd.s32 $0x1080, s28;
	[tilespmem:s29+$0x4870] =	vst v1;
	(pc) =	sbr.rel @p0 .LBB2_11-.Ltmp3, $4  }
0xcc: {  	[spmem:s1] =	stream.indirect.scatter.add.f32 [tilespmem:s11], [sflag:$0x5], $0x80, s8, s3, $0xb8;
	[tilespmem:$0x1FC00] =	vst v63  }
0xcd: {  	_ =	swait.ge [sflag:s31], $0x2800  }
0xce: {  	[sflag:s31] =	ssyncset.done $0x0  }
0xcf: {  	[sflag:s31] =	ssyncadd.s32 $0xFFFFD800  }
0xd0: {  	s8 =	sadd.s32 $0x3, s26  }
0xd1: {  	s21 =	sshll.u32 s8, $0x7  }
0xd2: {  	s8 =	smul.u32 $0x50, s8;
	s21 =	sand.u32 $0x3FFFFF80, s21  }
0xd3: {  	[tilespmem:s11], [sflag:$0x2] =	stream.indirect.gather [hbm4b:s4+s3], $0x80, s21, s3, $0xb8;
	[tilespmem:$0x1FC00] =	vst v63  }
.Ltmp4:
0xd4: {  	_ = 	snop;
	(pc) =	sbr.rel .LBB2_5-.Ltmp4, $4  }
0xd5: {  	s8 =	sadd.s32 s24, s8  }
0xd6: {  	s8 =	sshll.u32 s8, $0x4  }
0xd7: {  	s25 =	sadd.s32 $0x1, s25;
	s8 =	sadd.s32 s5, s8  }
0xd8: {  	[tilespmem:s13], [sflag:$0x4] =	stream.linear.gather [hbm4b:s8+s2], $0x2800, $0x38;
	[tilespmem:$0x1FC00] =	vst v63  }
.LBB2_11:
0xd9: {  	_ =	swait.ge [sflag:s14], $0x2800  }
0xda: {  	[sflag:s14] =	ssyncset.done $0x0  }
0xdb: {  	[sflag:s14] =	ssyncadd.s32 $0xFFFFD800  }
0xdc: {  	_ =	swait.ge [sflag:s15], $0x2800  }
0xdd: {  	[sflag:s15] =	ssyncset.done $0x0  }
0xde: {  	s24 =	simm.s32 $0x0;
	[sflag:s15] =	ssyncadd.s32 $0xFFFFD800  }
0xdf: {  	v7 =	vld [tilespmem:s24+$0x7000]  }
0xe0: {  	v12 =	vld [tilespmem:s24+$0x7010]  }
0xe1: {  	v6 =	vld [tilespmem:s24+$0x7020]  }
0xe2: {  	v5 =	vld [tilespmem:s24+$0x7030]  }
0xe3: {  	v4 =	vld [tilespmem:s24+$0x7040]  }
0xe4: {  	v3 =	vld [tilespmem:s24+$0x7050]  }
0xe5: {  	v2 =	vld [tilespmem:s24+$0x7060]  }
0xe6: {  	v1 =	vld [tilespmem:s24+$0x7070]  }
0xe7: {  	v13 =	vld [tilespmem:s24+$0x2000]  }
0xe8: {  	v14 =	vld [tilespmem:s24+$0x2010]  }
0xe9: {  	v11 =	vld [tilespmem:s24+$0x2020]  }
0xea: {  	v10 =	vld [tilespmem:s24+$0x2030]  }
0xeb: {  	v9 =	vld [tilespmem:s24+$0x2040]  }
0xec: {  	v8 =	vld [tilespmem:s24+$0x2050];
	v13 =	vadd.f32 v7, v13  }
0xed: {  	s8 =	simm.s32 $0x200;
	v12 =	vadd.f32 v12, v14;
	v7 =	vld [tilespmem:s24+$0x2060]  }
.LBB2_12:
0xee: {  	s21 =	sshra.s32 s8, $0x2;
	p0 =	sne.s32 s8, $0x9E00;
	v13 =	vmax.f32 v13, $0.0e+00;
	v6 =	vadd.f32 v6, v11;
	v11 =	vld [tilespmem:s24+$0x2070]  }
0xef: {  	v14 =	vld [tilespmem:s21+$0x7000];
	[tilespmem:s24+$0x2000] =	vst v13;
	v12 =	vmax.f32 v12, $0.0e+00;
	v5 =	vadd.f32 v5, v10  }
0xf0: {  	v15 =	vld [tilespmem:s21+$0x7010];
	[tilespmem:s24+$0x2010] =	vst v12;
	v10 =	vmax.f32 v6, $0.0e+00;
	v4 =	vadd.f32 v4, v9  }
0xf1: {  	v6 =	vld [tilespmem:s21+$0x7020];
	[tilespmem:s24+$0x2020] =	vst v10;
	v9 =	vmax.f32 v5, $0.0e+00;
	v3 =	vadd.f32 v3, v8  }
0xf2: {  	v5 =	vld [tilespmem:s21+$0x7030];
	[tilespmem:s24+$0x2030] =	vst v9;
	v8 =	vmax.f32 v4, $0.0e+00;
	v2 =	vadd.f32 v2, v7  }
0xf3: {  	v4 =	vld [tilespmem:s21+$0x7040];
	[tilespmem:s24+$0x2040] =	vst v8;
	v7 =	vmax.f32 v3, $0.0e+00;
	v1 =	vadd.f32 v1, v11  }
0xf4: {  	v3 =	vld [tilespmem:s21+$0x7050];
	[tilespmem:s24+$0x2050] =	vst v7;
	v7 =	vmax.f32 v2, $0.0e+00  }
0xf5: {  	v2 =	vld [tilespmem:s21+$0x7060];
	[tilespmem:s24+$0x2060] =	vst v7;
	v7 =	vmax.f32 v1, $0.0e+00  }
0xf6: {  	v1 =	vld [tilespmem:s21+$0x7070];
	[tilespmem:s24+$0x2070] =	vst v7;
	s24 =	smov.u32 s21  }
0xf7: {  	v7 =	vld [tilespmem:s24+$0x2000]  }
0xf8: {  	v12 =	vld [tilespmem:s24+$0x2010]  }
.Ltmp5:
0xf9: {  	v11 =	vld [tilespmem:s24+$0x2020];
	(pc) =	sbr.rel @p0 .LBB2_12-.Ltmp5, $4  }
0xfa: {  	v10 =	vld [tilespmem:s24+$0x2030]  }
0xfb: {  	v9 =	vld [tilespmem:s24+$0x2040]  }
0xfc: {  	v13 =	vadd.f32 v14, v7;
	v8 =	vld [tilespmem:s24+$0x2050]  }
0xfd: {  	s8 =	sadd.s32 $0x200, s8;
	v12 =	vadd.f32 v15, v12;
	v7 =	vld [tilespmem:s24+$0x2060]  }
0xfe: {  	v13 =	vmax.f32 v13, $0.0e+00;
	v6 =	vadd.f32 v6, v11;
	v63 =	vld [tilespmem:s24+$0x2070]  }
0xff: {  	[tilespmem:s24+$0x2000] =	vst v13;
	v12 =	vmax.f32 v12, $0.0e+00;
	v5 =	vadd.f32 v5, v10  }
0x100: {  	[tilespmem:s24+$0x2010] =	vst v12;
	v6 =	vmax.f32 v6, $0.0e+00;
	v4 =	vadd.f32 v4, v9  }
0x101: {  	[tilespmem:s24+$0x2020] =	vst v6;
	v5 =	vmax.f32 v5, $0.0e+00;
	v3 =	vadd.f32 v3, v8  }
0x102: {  	[tilespmem:s24+$0x2030] =	vst v5;
	v4 =	vmax.f32 v4, $0.0e+00;
	v2 =	vadd.f32 v2, v7  }
0x103: {  	[tilespmem:s24+$0x2040] =	vst v4;
	v3 =	vmax.f32 v3, $0.0e+00;
	v1 =	vadd.f32 v1, v63  }
0x104: {  	s23 =	sadd.s32 $0x1, s23;
	[tilespmem:s24+$0x2050] =	vst v3;
	v2 =	vmax.f32 v2, $0.0e+00  }
0x105: {  	p0 =	sne.s32 s23, $0x5;
	[tilespmem:s24+$0x2060] =	vst v2;
	v1 =	vmax.f32 v1, $0.0e+00  }
.Ltmp6:
0x106: {  	[tilespmem:s24+$0x2070] =	vst v1;
	(pc) =	sbr.rel @p0 .LBB2_4-.Ltmp6, $4  }
0x107: {  	[spmem:s1] =	stream.indirect.scatter.add.f32 [tilespmem:s30], [sflag:$0x5], $0x80, s18, s3, $0xb8;
	[tilespmem:$0x1FC00] =	vst v63  }
0x108: {  	_ =	swait.ge [sflag:s31], $0x2800  }
0x109: {  	[sflag:s31] =	ssyncset.done $0x0  }
0x10a: {  	[sflag:s31] =	ssyncadd.s32 $0xFFFFD800  }
0x10b: {  	s8 =	stileid.u32;
	[bflag:$0x0] =	sbarrier.arrive $0xFFFF  }
0x10c: {  	s8 =	sshll.u32 s8, $0x6;
	s23 =	rddreg [dreg:$0x3]  }
0x10d: {  	s22 =	rddreg [dreg:$0x7];
	s8 =	sor.u32 $0x1C05, s8;
	s21 =	sshrl.u32 s23, $0x3  }
0x10e: {  	[hbm:s22], [sflag:s8] =	dma.local [spmem:s21], $0x800  }
0x10f: {  	_ =	swait.ge [sflag:s31], $0x800  }
0x110: {  	[sflag:s31] =	ssyncset.done $0x0;
	s25 =	rddreg [dreg:$0x8]  }
0x111: {  	s26 =	rddreg [dreg:$0xe];
	[sflag:s31] =	ssyncadd.s32 $0xFFFFF800  }
0x112: {  	[hbm:s25], [sflag:s8] =	dma.local [spmem:s26], $0x800  }
0x113: {  	_ =	swait.ge [sflag:s31], $0x800  }
0x114: {  	[sflag:s31] =	ssyncset.done $0x0;
	s28 =	rddreg [dreg:$0x9]  }
0x115: {  	s29 =	rddreg [dreg:$0xf];
	[sflag:s31] =	ssyncadd.s32 $0xFFFFF800  }
0x116: {  	[hbm:s28], [sflag:s8] =	dma.local [spmem:s29], $0x800  }
0x117: {  	_ =	swait.ge [sflag:s31], $0x800  }
0x118: {  	[sflag:s31] =	ssyncset.done $0x0;
	s22 =	rddreg [dreg:$0xa]  }
0x119: {  	s24 =	rddreg [dreg:$0x10];
	[sflag:s31] =	ssyncadd.s32 $0xFFFFF800  }
0x11a: {  	[hbm:s22], [sflag:s8] =	dma.local [spmem:s24], $0x800  }
0x11b: {  	_ =	swait.ge [sflag:s31], $0x800  }
0x11c: {  	[sflag:s31] =	ssyncset.done $0x0;
	s25 =	rddreg [dreg:$0xb]  }
0x11d: {  	s26 =	rddreg [dreg:$0x11];
	[sflag:s31] =	ssyncadd.s32 $0xFFFFF800  }
0x11e: {  	[hbm:s25], [sflag:s8] =	dma.local [spmem:s26], $0x780  }
0x11f: {  	_ =	swait.ge [sflag:s31], $0x780  }
0x120: {  	s28 =	rddreg [dreg:$0x15]  }
0x121: {  	s29 =	rddreg [dreg:$0xd];
	s21 =	sadd.s32 $0x1, s28  }
0x122: {  	p0 =	sne.s32 s21, s29  }
.Ltmp7:
0x123: {  	_ = 	snop;
	(pc) =	sbr.rel @p0 .LBB2_1-.Ltmp7, $3  }
0x124: {  	_ =	sdelay $0x1  }
0x125: {  	[sflag:s31] =	ssyncset.done $0x0  }
0x126: {  	[sflag:s31] =	ssyncadd.s32 $0xFFFFF880  }
0x127: {  	_ =	sfence.sel $0x180000  }
0x128: {  	[bflag:$0x0] =	sbarrier.arrive $0xFFFF  }
0x129: {  	_ =	strace $0x9000004A  }
0x12a: {  	s0 =	stileid.u32;
	[bflag:$0x2] =	sbarrier.arrive $0xFFFF  }
0x12b: {  	p0 =	sne.s32 s0, $0x0;
	s0 =	rddreg [dreg:$0x2]  }
0x12c: {  	s0 =	sadd.s32 @!p0 $0x100000, s0  }
0x12d: {  	[sflag:s0] =	ssyncadd.tile.s32 @!p0 $0x1;
	_ =	shalt  }
.Lfunc_end2:
_tile_overlayer_lowered:
.L_overlay_start_2:
0x12e: {  	(tag) =	ssettag $0x2  }
0x12f: {  	s0 =	rddreg [dreg:$0x0];
	s2 =	stileid.u32  }
0x130: {  	s1 =	rddreg [dreg:$0x1];
	p0 =	sne.s32 s2, $0x0  }
0x131: {  	s3 =	rddreg [dreg:$0x2];
	[bflag:$0x3] =	sbarrier.arrive $0xFFFF;
	s2 =	simm.s32 @!p0 $0x1C05  }
0x132: {  	[timem:s3], [sflag:s2] =	dma.local @!p0 [hbm:s0], s1  }
0x133: {  	s0 =	simm.s32 @!p0 $0x5  }
0x134: {  	_ =	swait.ge @!p0 [sflag:s0], s1  }
0x135: {  	s1 =	ssub.s32 @!p0 $0x0, s1;
	[sflag:s0] =	ssyncset.done @!p0 $0x0  }
0x136: {  	[sflag:s0] =	ssyncadd.s32 @!p0 s1  }
0x137: {  	[bflag:$0x3] =	sbarrier.arrive $0xFFFF  }
0x138: {  	_ =	shalt  }

// kernel: kernel.8.cloned.1.call-start
scs
__scs_entry_jumppad:
0x0: {  	(pc) =	sbr.rel $0x88, $3  }
0x1: {  	(tag) =	ssettag $0x0;
	lr =	simm.s32 $0x1  }
0x2: {  	[smem:$0x3F8C] =	sst lr;
	_ =	strace $0xD0000000  }
0x3: {  	_ = 	snop  }
0x4: {  	_ = 	snop  }
0x5: {  	_ = 	snop  }
0x6: {  	_ = 	snop  }
0x7: {  	_ = 	snop  }
__scs_overlays_trampoline_lowered:
0x8: {  	[smem:$0x3F9B] =	sst s0  }
0x9: {  	[smem:$0x3F9C] =	sst s1  }
0xa: {  	[smem:$0x3F9D] =	sst s2  }
0xb: {  	[smem:$0x3F9E] =	sst s3  }
0xc: {  	[smem:$0x3F9F] =	sst s4  }
0xd: {  	[smem:$0x3FA0] =	sst s5  }
0xe: {  	[smem:$0x3FA1] =	sst s6  }
0xf: {  	[smem:$0x3FA2] =	sst s7  }
0x10: {  	[smem:$0x3FA3] =	sst s8  }
0x11: {  	[smem:$0x3FA4] =	sst s9;
	s0 =	simm.s32 @!p0 $0x0  }
0x12: {  	s1 =	sld [smem:$0x3F8A];
	s0 =	simm.s32 @p0 $0x1  }
0x13: {  	[smem:$0x3FA5] =	sst s0;
	s0 =	simm.s32 @!p1 $0x0  }
0x14: {  	s2 =	sld [smem:$0x3F89];
	s0 =	simm.s32 @p1 $0x1  }
0x15: {  	[smem:$0x3FA6] =	sst s0;
	s0 =	simm.s32 @!p2 $0x0  }
0x16: {  	s3 =	sld [smem:$0x3FDB];
	s0 =	simm.s32 @p2 $0x1  }
0x17: {  	s4 =	simm.s32 $0x1BF5;
	[smem:$0x3FA8] =	sst s0  }
0x18: {  	s0 =	sld [smem:$0x3F8B];
	_ =	swait.ge [sflag:s4], $0x0  }
0x19: {  	s7 =	sld [smem:$0x3F8C]  }
0x1a: {  	s8 =	sadd.s32 $0xFFFFE003, lr  }
0x1b: {  	s9 =	sadd.s32 $0xFFFFFEF7, lr;
	s5 =	simm.s32 $0xFFFFFFFF;
	p2 =	slt.u32 s8, $0xFFFFF086  }
0x1c: {  	p1 =	slt.u32 s9, $0xF7A;
	s5 =	simm.s32 @!p2 $0x0  }
0x1d: {  	s5 =	simm.s32 @p1 $0x1;
	p0 =	seq.s32 s7, s2  }
0x1e: {  	s7 =	smul.u32 @!p0 $0xF7A, s2;
	p2 =	seq.s32 @!p0 s5, $0x0  }
0x1f: {  	s9 =	smul.u32 $0xF7A, s1;
	s8 =	simm.s32 @!p0 $0x1BF5;
	p2 =	por !p2, p0  }
0x20: {  	[sflag:s8] =	ssyncset.s32 @!p0 $0xFFFFF086;
	s6 =	sadd.s32 @!p0 s3, s7;
	s7 =	simm.s32 @!p0 $0x108  }
0x21: {  	s3 =	sadd.s32 s3, s9;
	s6 =	sadd.s32 @!p0 $0x88, s6;
	s7 =	simm.s32 @p2 $0x1082  }
0x22: {  	[simem:s7], [sflag:s8] =	dma.local @!p0 [hbm:s6], $0xF7A  }
0x23: {  	s9 =	sor.u32 $0xD0000000, s2;
	s6 =	simm.s32 $0x108;
	_ =	swait.ge @!p0 [sflag:s8], $0x0  }
0x24: {  	s3 =	sadd.s32 $0x88, s3;
	s6 =	simm.s32 @!p1 $0x1082;
	[sflag:s4] =	ssyncset.s32 $0xFFFFF086  }
0x25: {  	[simem:s6], [sflag:s4] =	dma.local [hbm:s3], $0xF7A  }
0x26: {  	[smem:$0x3F8C] =	sst s1;
	(tag) =	ssettag s2;
	_ =	strace s9  }
0x27: {  	s1 =	sld [smem:$0x3F9C]  }
0x28: {  	s2 =	sld [smem:$0x3F9D]  }
0x29: {  	s4 =	sld [smem:$0x3F9F]  }
0x2a: {  	p0 =	seq.s32 s5, $0x0;
	s5 =	sld [smem:$0x3FA0]  }
0x2b: {  	s6 =	sld [smem:$0x3FA1]  }
0x2c: {  	s7 =	sld [smem:$0x3FA2]  }
0x2d: {  	s3 =	simm.s32 $0x108;
	s8 =	sld [smem:$0x3FA3]  }
0x2e: {  	s3 =	simm.s32 @!p0 $0x1082;
	s9 =	sld [smem:$0x3FA4]  }
0x2f: {  	lr =	sadd.s32 s0, s3;
	s0 =	sld [smem:$0x3F9B]  }
0x30: {  	s3 =	sld [smem:$0x3F9E]  }
0x31: {  	[smem:$0x3FA7] =	sst s10  }
0x32: {  	s10 =	sld [smem:$0x3FA5];
	_ =	sdelay $0x3  }
0x33: {  	p0 =	seq.s32 s10, $0x1;
	s10 =	sld [smem:$0x3FA7];
	_ =	sdelay $0x3  }
0x34: {  	[smem:$0x3FA7] =	sst s10  }
0x35: {  	s10 =	sld [smem:$0x3FA6];
	_ =	sdelay $0x3  }
0x36: {  	p1 =	seq.s32 s10, $0x1;
	s10 =	sld [smem:$0x3FA7];
	_ =	sdelay $0x3  }
0x37: {  	[smem:$0x3FA7] =	sst s10  }
0x38: {  	s10 =	sld [smem:$0x3FA8]  }
0x39: {  	_ = 	snop;
	(pc) =	sbr.ind lr, $3  }
0x3a: {  	_ = 	snop  }
0x3b: {  	_ = 	snop  }
0x3c: {  	p2 =	seq.s32 s10, $0x1;
	s10 =	sld [smem:$0x3FA7]  }
0x3d: {  	_ =	shalt  }
0x3e: {  	_ =	shalt  }
0x3f: {  	_ =	shalt  }
0x40: {  	_ =	shalt  }
0x41: {  	_ =	shalt  }
0x42: {  	_ =	shalt  }
0x43: {  	_ =	shalt  }
0x44: {  	_ =	shalt  }
0x45: {  	_ =	shalt  }
0x46: {  	_ =	shalt  }
0x47: {  	_ =	shalt  }
0x48: {  	_ =	shalt  }
0x49: {  	_ =	shalt  }
0x4a: {  	_ =	shalt  }
0x4b: {  	_ =	shalt  }
0x4c: {  	_ =	shalt  }
0x4d: {  	_ =	shalt  }
0x4e: {  	_ =	shalt  }
0x4f: {  	_ =	shalt  }
0x50: {  	_ =	shalt  }
0x51: {  	_ =	shalt  }
0x52: {  	_ =	shalt  }
0x53: {  	_ =	shalt  }
0x54: {  	_ =	shalt  }
0x55: {  	_ =	shalt  }
0x56: {  	_ =	shalt  }
0x57: {  	_ =	shalt  }
0x58: {  	_ =	shalt  }
0x59: {  	_ =	shalt  }
0x5a: {  	_ =	shalt  }
0x5b: {  	_ =	shalt  }
0x5c: {  	_ =	shalt  }
0x5d: {  	_ =	shalt  }
0x5e: {  	_ =	shalt  }
0x5f: {  	_ =	shalt  }
0x60: {  	_ =	shalt  }
0x61: {  	_ =	shalt  }
0x62: {  	_ =	shalt  }
0x63: {  	_ =	shalt  }
0x64: {  	_ =	shalt  }
0x65: {  	_ =	shalt  }
0x66: {  	_ =	shalt  }
0x67: {  	_ =	shalt  }
0x68: {  	_ =	shalt  }
0x69: {  	_ =	shalt  }
0x6a: {  	_ =	shalt  }
0x6b: {  	_ =	shalt  }
0x6c: {  	_ =	shalt  }
0x6d: {  	_ =	shalt  }
0x6e: {  	_ =	shalt  }
0x6f: {  	_ =	shalt  }
0x70: {  	_ =	shalt  }
0x71: {  	_ =	shalt  }
0x72: {  	_ =	shalt  }
0x73: {  	_ =	shalt  }
0x74: {  	_ =	shalt  }
0x75: {  	_ =	shalt  }
0x76: {  	_ =	shalt  }
0x77: {  	_ =	shalt  }
0x78: {  	_ =	shalt  }
0x79: {  	_ =	shalt  }
0x7a: {  	_ =	shalt  }
0x7b: {  	_ =	shalt  }
0x7c: {  	_ =	shalt  }
0x7d: {  	_ =	shalt  }
0x7e: {  	_ =	shalt  }
0x7f: {  	_ =	shalt  }
0x80: {  	_ =	shalt  }
0x81: {  	_ =	shalt  }
0x82: {  	_ =	shalt  }
0x83: {  	_ =	shalt  }
0x84: {  	_ =	shalt  }
0x85: {  	_ =	shalt  }
0x86: {  	_ =	shalt  }
0x87: {  	_ =	shalt  }
.Lfunc_end0:
.L_simem_size_0:
called_computation_lowered:
.L_overlay_start_0:
0x88: {  	s2 =	sld [smem:$0x3FD9]  }
0x89: {  	s3 =	sld [smem:$0x3FFE];
	_ =	sdelay $0x1  }
0x8a: {  	s1 =	srdreg.scid  }
0x8b: {  	s0 =	sand.u32 $0x1, s1  }
0x8c: {  	s16 =	sshll.u32 s0, $0xA;
	s2 =	sadd.s32 s3, s2  }
0x8d: {  	s2 =	sadd.s32 s2, s16  }
0x8e: {  	[smem:$0x3FB3] =	sst s2  }
0x8f: {  	_ = 	snop  }
0x90: {  	(tm) =	ssettm $0x1  }
0x91: {  	s17 =	sld [smem:$0x3FFB];
	_ =	sdelay $0x3  }
0x92: {  	_ =	strace s17  }
0x93: {  	s2 =	sld [smem:$0x3FFC];
	_ =	sdelay $0x3  }
0x94: {  	_ =	strace s2  }
0x95: {  	s2 =	sld [smem:$0x3FFD];
	_ =	sdelay $0x3  }
0x96: {  	_ =	strace s2  }
0x97: {  	_ =	strace $0x8FFFFFFF  }
0x98: {  	s18 =	sld [smem:$0x3FDB];
	_ =	sdelay $0x1  }
0x99: {  	s19 =	simm.s32 $_scs_section_size  }
0x9a: {  	s4 =	simm.s32 $_size__tile_overlayer_lowered;
	s5 =	simm.s32 $_tile_overlayer_lowered  }
0x9b: {  	s22 =	simm.s32 $0x1BFF;
	s21 =	sshll.u32 s5, $0x1;
	s2 =	sadd.s32 s19, s18  }
0x9c: {  	s6 =	simm.s32 $0x0;
	s20 =	sshll.u32 s4, $0x1;
	s4 =	sadd.s32 s21, s2  }
0x9d: {  	[timem:s6], [sflag:s22] =	dma.local [hbm:s4], s20  }
0x9e: {  	_ =	swait.ge [sflag:s22], s20  }
0x9f: {  	s3 =	ssub.s32 $0x0, s20;
	[sflag:s22] =	ssyncset.done $0x0  }
0xa0: {  	[sflag:s22] =	ssyncadd.s32 s3;
	_ =	sdelay $0x1  }
0xa1: {  	s23 =	simm.s32 $0x1B8B  }
0xa2: {  	_ =	swait.ge [sflag:s23], $0x1  }
0xa3: {  	[sflag:s23] =	ssyncset.done $0x0  }
0xa4: {  	s25 =	simm.s32 $0x1B8E;
	s24 =	sld [smem:$0x3FFE];
	[sflag:s23] =	ssyncadd.s32 $0xFFFFFFFF  }
0xa5: {  	s26 =	simm.s32 $execute0_lowered;
	[smem:$0x3FD2] =	sst s25  }
0xa6: {  	s4 =	sshll.u32 s26, $0x1;
	_ =	strace $0x80000046;
	[dreg:$0x1] =	wrdreg $0xFFFFFFFF  }
0xa7: {  	s28 =	simm.s32 $_size_execute0_lowered;
	s2 =	sadd.s32 s2, s4;
	[dreg:$0x0] =	wrdreg $0x0  }
0xa8: {  	s4 =	sshll.u32 s28, $0x1;
	[dreg:$0x2] =	wrdreg s2  }
0xa9: {  	[dreg:$0x3] =	wrdreg s4  }
0xaa: {  	[dreg:$0x4] =	wrdreg $0xC0  }
0xab: {  	_ =	task [dreg:s6], $0x5FFFF  }
0xac: {  	[dreg:$0x1] =	wrdreg $0xFFFFFFFF  }
0xad: {  	[dreg:$0x0] =	wrdreg $0x60  }
0xae: {  	[dreg:$0x2] =	wrdreg s24  }
0xaf: {  	[dreg:$0x3] =	wrdreg $0xC0000  }
0xb0: {  	[dreg:$0x4] =	wrdreg $0x9  }
0xb1: {  	_ =	task.clear_ibuf [dreg:s6], $0x5FFFF;
	_ =	strace $0x90000046  }
0xb2: {  	s29 =	simm.s32 $0x9;
	_ =	strace $0x80000048  }
0xb3: {  	_ =	swait.ge [sflag:s29], $0x1  }
0xb4: {  	[sflag:s29] =	ssyncadd.s32 $0xFFFFFFFF  }
0xb5: {  	_ =	strace $0x90000048  }
0xb6: {  	_ =	sfence  }
0xb7: {  	s30 =	sld [smem:$0x0];
	_ =	sdelay $0x2  }
0xb8: {  	s31 =	sshll.u32 s1, $0xD;
	s1 =	sshrl.u32 s1, $0x2  }
0xb9: {  	s3 =	sand.u32 $0x4000, s31;
	s1 =	sadd.s32 s1, s30  }
0xba: {  	s0 =	sor.u32 s3, s0;
	s1 =	sshll.u32 s1, $0x11  }
0xbb: {  	s0 =	sor.u32 s1, s0  }
0xbc: {  	s0 =	sadd.s32 $0x8F2B, s0  }
0xbd: {  	[sflag:s0] =	ssyncadd.remote.s32 $0x1  }
0xbe: {  	_ =	sfence.sel $0xFFFF  }
0xbf: {  	[dreg:$0x0] =	wrdreg $0xFFFFFFFF;
	(pc) =	sbr.abs _section_cstart, $3  }
0xc0: {  	[dreg:$0x1] =	wrdreg $0xFFFFFFFF  }
0xc1: {  	_ =	task.clear_ibuf [dreg:s6], $0x2FFFF;
	_ =	strace $0x9FFFFFFF  }
0xc2: {  	(tm) =	ssettm $0x7FFFFFFF  }
0xc3: {  	_ =	shalt  }
tec
execute0_lowered:
.L_overlay_start_1:
0x0: {  	(tag) =	ssettag $0x1  }
0x1: {  	s0 =	rddreg [dreg:$0x0]  }
0x2: {  	s1 =	rddreg [dreg:$0x1];
	s2 =	simm.s32 $0x0;
	s3 =	srdreg.scid  }
0x3: {  	s12 =	stileid.u32;
	s30 =	simm.s32 $0x2000;
	[smem:$0x7FF] =	sst s2  }
0x4: {  	s31 =	simm.s32 $0x5;
	s4 =	sadd.s32 $0x50FA00, s0;
	s5 =	sadd.s32 $0x536C00, s0  }
0x5: {  	s3 =	sand.u32 $0x1, s3;
	s6 =	sadd.s32 $0x4E7A00, s0;
	s9 =	smul.u32 $0x4F000, s12  }
0x6: {  	s7 =	sadd.s32 $0x4FBA00, s0;
	s10 =	sadd.s32 $0x5A00, s0;
	s19 =	smul.u32 $0x278, s12  }
0x7: {  	s12 =	sshll.u32 s12, $0x1;
	_ =	strace $0x80000047;
	s8 =	ssub.s32 $0x2, s3  }
0x8: {  	s20 =	smul.u32 $0x2780, s3;
	s3 =	sor.u32 s3, s12;
	s11 =	sshrl.u32 s8, $0x1  }
0x9: {  	s9 =	sshrl.u32 s9, $0x2;
	s13 =	sadd.s32 $0x80, s19;
	s12 =	smul.u32 $0x2710, s3  }
0xa: {  	s26 =	sadd.s32 $0x100, s19;
	s28 =	sadd.s32 $0x180, s19;
	s8 =	ssub.s32 s8, s11  }
0xb: {  	s23 =	sadd.s32 s9, s1;
	s24 =	sadd.s32 s19, s20;
	s14 =	sadd.s32 s20, s13  }
0xc: {  	s11 =	sadd.s32 $0x200, s19;
	s16 =	sadd.s32 s20, s26;
	s17 =	sadd.s32 s20, s28  }
0xd: {  	s19 =	smul.u32 $0x5000, s3;
	s13 =	sshll.u32 s13, $0x7;
	s18 =	sshll.u32 s28, $0x7  }
0xe: {  	s21 =	sadd.s32 $0x2800, s23;
	s22 =	sadd.s32 $0x5000, s23;
	[dreg:$0x3] =	wrdreg s23  }
0xf: {  	s15 =	sadd.s32 $0x7800, s23;
	s25 =	sshll.u32 s24, $0x4;
	[dreg:$0x4] =	wrdreg s21  }
0x10: {  	s14 =	sshll.u32 s14, $0x4;
	s9 =	sadd.s32 s20, s11;
	[dreg:$0x5] =	wrdreg s22  }
0x11: {  	s16 =	sshll.u32 s16, $0x4;
	s8 =	smax.u32 s8, $0x1;
	[dreg:$0x6] =	wrdreg s15  }
0x12: {  	s17 =	sshll.u32 s17, $0x4;
	s28 =	sadd.s32 $0xF000, s23;
	[dreg:$0xd] =	wrdreg s8  }
0x13: {  	s20 =	sadd.s32 $0x537100, s0;
	s15 =	sadd.s32 s10, s25;
	[dreg:$0x13] =	wrdreg s28  }
0x14: {  	s14 =	sadd.s32 s10, s14;
	s9 =	sshll.u32 s9, $0x4;
	[dreg:$0x7] =	wrdreg s15  }
0x15: {  	s16 =	sadd.s32 s10, s16;
	s29 =	sadd.s32 s10, s17;
	[dreg:$0x8] =	wrdreg s14  }
0x16: {  	s17 =	sshll.u32 s26, $0x7;
	s21 =	sshll.u32 s11, $0x7;
	[dreg:$0x9] =	wrdreg s16  }
0x17: {  	s26 =	sadd.s32 $0xC800, s23;
	s11 =	simm.s32 $0x4800;
	[dreg:$0xa] =	wrdreg s29  }
0x18: {  	s9 =	sadd.s32 s10, s9;
	s10 =	sadd.s32 $0xA000, s23;
	s16 =	sadd.s32 s13, s1  }
0x19: {  	s3 =	sadd.s32 s17, s1;
	[dreg:$0x12] =	wrdreg s26;
	s29 =	sadd.s32 $0x11800, s23  }
0x1a: {  	s13 =	simm.s32 $0x9800;
	s14 =	simm.s32 $0x1;
	[dreg:$0xb] =	wrdreg s9  }
0x1b: {  	s15 =	simm.s32 $0x3;
	s17 =	simm.s32 $0x4;
	[dreg:$0xc] =	wrdreg s10  }
0x1c: {  	s9 =	sadd.s32 s18, s1;
	s10 =	sadd.s32 s21, s1;
	s0 =	sshrl.u32 s16, $0x3  }
0x1d: {  	s22 =	sshrl.u32 s3, $0x3;
	[dreg:$0x14] =	wrdreg s29;
	s3 =	simm.s32 $0x50  }
0x1e: {  	s16 =	simm.s32 $0x2;
	s18 =	simm.s32 $0x1C00;
	[dreg:$0xe] =	wrdreg s0  }
0x1f: {  	s21 =	simm.s32 $0x0;
	[dreg:$0xf] =	wrdreg s22;
	s24 =	sshrl.u32 s9, $0x3  }
0x20: {  	s25 =	sshrl.u32 s10, $0x3;
	s0 =	simm.s32 $0x1000;
	[dreg:$0x10] =	wrdreg s24  }
0x21: {  	v0 =	vimm.f32 $0.0e+00;
	s9 =	simm.s32 $0x7000;
	s10 =	simm.s32 $0x80;
	[dreg:$0x11] =	wrdreg s25  }
.LBB2_1:
0x22: {  	s8 =	simm.s32 $0x0;
	s22 =	simm.s32 $0x200  }
.LBB2_2:
0x23: {  	p0 =	sne.s32 s22, $0x9E00;
	[tilespmem:s8+$0x2070] =	vst v0  }
0x24: {  	[tilespmem:s8+$0x2000] =	vst v0  }
0x25: {  	[tilespmem:s8+$0x2010] =	vst v0  }
.Ltmp0:
0x26: {  	[tilespmem:s8+$0x2020] =	vst v0;
	(pc) =	sbr.rel @p0 .LBB2_2-.Ltmp0, $4  }
0x27: {  	[tilespmem:s8+$0x2030] =	vst v0  }
0x28: {  	[tilespmem:s8+$0x2040] =	vst v0  }
0x29: {  	[tilespmem:s8+$0x2050] =	vst v0  }
0x2a: {  	[tilespmem:s8+$0x2060] =	vst v0;
	s8 =	sshra.s32 s22, $0x2;
	s22 =	sadd.s32 $0x200, s22  }
0x2b: {  	[tilespmem:s8+$0x2070] =	vst v0  }
0x2c: {  	[tilespmem:s8+$0x2000] =	vst v0  }
0x2d: {  	[tilespmem:s8+$0x2010] =	vst v0  }
0x2e: {  	[tilespmem:s8+$0x2020] =	vst v0  }
0x2f: {  	[tilespmem:s8+$0x2030] =	vst v0  }
0x30: {  	[tilespmem:s8+$0x2040] =	vst v0  }
0x31: {  	[tilespmem:s8+$0x2050] =	vst v0  }
0x32: {  	[dreg:$0x15] =	wrdreg s21;
	[tilespmem:s8+$0x2060] =	vst v0  }
0x33: {  	[spmem:s23] =	stream.linear.scatter [tilespmem:s30], [sflag:$0x5], $0x2800, $0x38;
	[tilespmem:$0x1FC00] =	vst v63  }
0x34: {  	_ =	swait.ge [sflag:s31], $0x2800  }
0x35: {  	[sflag:s31] =	ssyncset.done $0x0  }
0x36: {  	s22 =	rddreg [dreg:$0x4];
	[sflag:s31] =	ssyncadd.s32 $0xFFFFD800  }
0x37: {  	[spmem:s22] =	stream.linear.scatter [tilespmem:s30], [sflag:$0x5], $0x2800, $0x38;
	[tilespmem:$0x1FC00] =	vst v63  }
0x38: {  	_ =	swait.ge [sflag:s31], $0x2800  }
0x39: {  	[sflag:s31] =	ssyncset.done $0x0  }
0x3a: {  	s23 =	rddreg [dreg:$0x5];
	[sflag:s31] =	ssyncadd.s32 $0xFFFFD800  }
0x3b: {  	[spmem:s23] =	stream.linear.scatter [tilespmem:s30], [sflag:$0x5], $0x2800, $0x38;
	[tilespmem:$0x1FC00] =	vst v63  }
0x3c: {  	_ =	swait.ge [sflag:s31], $0x2800  }
0x3d: {  	[sflag:s31] =	ssyncset.done $0x0  }
0x3e: {  	s24 =	rddreg [dreg:$0x6];
	[sflag:s31] =	ssyncadd.s32 $0xFFFFD800  }
0x3f: {  	[spmem:s24] =	stream.linear.scatter [tilespmem:s30], [sflag:$0x5], $0x2800, $0x38;
	[tilespmem:$0x1FC00] =	vst v63  }
0x40: {  	_ =	swait.ge [sflag:s31], $0x2800  }
0x41: {  	[sflag:s31] =	ssyncset.done $0x0  }
0x42: {  	s25 =	rddreg [dreg:$0xc];
	[sflag:s31] =	ssyncadd.s32 $0xFFFFD800  }
0x43: {  	[spmem:s25] =	stream.linear.scatter [tilespmem:s30], [sflag:$0x5], $0x2800, $0x38;
	[tilespmem:$0x1FC00] =	vst v63  }
0x44: {  	_ =	swait.ge [sflag:s31], $0x2800  }
0x45: {  	[sflag:s31] =	ssyncset.done $0x0  }
0x46: {  	s26 =	rddreg [dreg:$0x12];
	[sflag:s31] =	ssyncadd.s32 $0xFFFFD800  }
0x47: {  	[spmem:s26] =	stream.linear.scatter [tilespmem:s30], [sflag:$0x5], $0x2800, $0x38;
	[tilespmem:$0x1FC00] =	vst v63  }
0x48: {  	_ =	swait.ge [sflag:s31], $0x2800  }
0x49: {  	[sflag:s31] =	ssyncset.done $0x0  }
0x4a: {  	s28 =	rddreg [dreg:$0x13];
	[sflag:s31] =	ssyncadd.s32 $0xFFFFD800  }
0x4b: {  	[spmem:s28] =	stream.linear.scatter [tilespmem:s30], [sflag:$0x5], $0x2800, $0x38;
	[tilespmem:$0x1FC00] =	vst v63  }
0x4c: {  	_ =	swait.ge [sflag:s31], $0x2800  }
0x4d: {  	[sflag:s31] =	ssyncset.done $0x0  }
0x4e: {  	s29 =	rddreg [dreg:$0x14];
	[sflag:s31] =	ssyncadd.s32 $0xFFFFD800  }
0x4f: {  	[spmem:s29] =	stream.linear.scatter [tilespmem:s30], [sflag:$0x5], $0x2400, $0x38;
	[tilespmem:$0x1FC00] =	vst v63  }
0x50: {  	_ =	swait.ge [sflag:s31], $0x2400  }
0x51: {  	[sflag:s31] =	ssyncset.done $0x0  }
0x52: {  	[sflag:s31] =	ssyncadd.s32 $0xFFFFDC00  }
0x53: {  	s22 =	simm.s32 $0x0;
	s23 =	simm.s32 $0x0;
	[bflag:$0x0] =	sbarrier.arrive $0xFFFF  }
.LBB2_4:
0x54: {  	s8 =	sshll.u32 s23, $0xC  }
0x55: {  	s8 =	sadd.s32 s19, s8  }
0x56: {  	s8 =	sshrl.u32 s8, $0x3  }
0x57: {  	s24 =	sadd.s32 s6, s8  }
0x58: {  	[tilespmem:s22], [sflag:$0x5] =	stream.linear.gather [hbm4b:s24+s22], $0xC80, $0x38;
	[tilespmem:$0x1FC00] =	vst v63  }
0x59: {  	_ =	swait.ge [sflag:s31], $0xC80  }
0x5a: {  	[sflag:s31] =	ssyncset.done $0x0  }
0x5b: {  	s29 =	smul.u32 $0x7D0, s23;
	s8 =	sadd.s32 s7, s8;
	[sflag:s31] =	ssyncadd.s32 $0xFFFFF380  }
0x5c: {  	[tilespmem:s0], [sflag:$0x5] =	stream.linear.gather [hbm4b:s8+s22], $0xC80, $0x38;
	[tilespmem:$0x1FC00] =	vst v63  }
0x5d: {  	_ =	swait.ge [sflag:s31], $0xC80  }
0x5e: {  	s24 =	sadd.s32 s12, s29;
	[sflag:s31] =	ssyncset.done $0x0  }
0x5f: {  	s8 =	sshll.u32 s24, $0x4;
	[sflag:s31] =	ssyncadd.s32 $0xFFFFF380  }
0x60: {  	[tilespmem:s30], [sflag:$0x1] =	stream.indirect.gather [hbm4b:s4+s3], $0x80, s22, s3, $0xb8;
	[tilespmem:$0x1FC00] =	vst v63  }
0x61: {  	s25 =	sadd.s32 s5, s8  }
0x62: {  	[tilespmem:s9], [sflag:$0x3] =	stream.linear.gather [hbm4b:s25+s22], $0x2800, $0x38;
	[tilespmem:$0x1FC00] =	vst v63  }
0x63: {  	_ = 	snop  }
0x64: {  	[tilespmem:s11], [sflag:$0x2] =	stream.indirect.gather [hbm4b:s4+s3], $0x80, s10, s3, $0xb8;
	[tilespmem:$0x1FC00] =	vst v63  }
0x65: {  	s8 =	sadd.s32 s8, s20;
	s25 =	simm.s32 $0x0  }
0x66: {  	[tilespmem:s13], [sflag:$0x4] =	stream.linear.gather [hbm4b:s8+s22], $0x2800, $0x38;
	[tilespmem:$0x1FC00] =	vst v63  }
.LBB2_5:
0x67: {  	_ =	swait.ge [sflag:s14], $0x2800  }
0x68: {  	[sflag:s14] =	ssyncset.done $0x0  }
0x69: {  	[sflag:s14] =	ssyncadd.s32 $0xFFFFD800  }
0x6a: {  	_ =	swait.ge [sflag:s15], $0x2800  }
0x6b: {  	[sflag:s15] =	ssyncset.done $0x0  }
0x6c: {  	s26 =	simm.s32 $0x0;
	[sflag:s15] =	ssyncadd.s32 $0xFFFFD800  }
0x6d: {  	v7 =	vld [tilespmem:s26+$0x7000]  }
0x6e: {  	v12 =	vld [tilespmem:s26+$0x7010]  }
0x6f: {  	v6 =	vld [tilespmem:s26+$0x7020]  }
0x70: {  	v5 =	vld [tilespmem:s26+$0x7030]  }
0x71: {  	v4 =	vld [tilespmem:s26+$0x7040]  }
0x72: {  	v3 =	vld [tilespmem:s26+$0x7050]  }
0x73: {  	v2 =	vld [tilespmem:s26+$0x7060]  }
0x74: {  	v1 =	vld [tilespmem:s26+$0x7070]  }
0x75: {  	v13 =	vld [tilespmem:s26+$0x2000]  }
0x76: {  	v14 =	vld [tilespmem:s26+$0x2010]  }
0x77: {  	v11 =	vld [tilespmem:s26+$0x2020]  }
0x78: {  	v10 =	vld [tilespmem:s26+$0x2030]  }
0x79: {  	v9 =	vld [tilespmem:s26+$0x2040]  }
0x7a: {  	v8 =	vld [tilespmem:s26+$0x2050];
	v13 =	vadd.f32 v7, v13  }
0x7b: {  	s28 =	simm.s32 $0x200;
	v12 =	vadd.f32 v12, v14;
	v7 =	vld [tilespmem:s26+$0x2060]  }
.LBB2_6:
0x7c: {  	s8 =	sshra.s32 s28, $0x2;
	p0 =	sne.s32 s28, $0x9E00;
	v13 =	vmax.f32 v13, $0.0e+00;
	v6 =	vadd.f32 v6, v11;
	v11 =	vld [tilespmem:s26+$0x2070]  }
0x7d: {  	v14 =	vld [tilespmem:s8+$0x7000];
	[tilespmem:s26+$0x2000] =	vst v13;
	v12 =	vmax.f32 v12, $0.0e+00;
	v5 =	vadd.f32 v5, v10  }
0x7e: {  	v15 =	vld [tilespmem:s8+$0x7010];
	[tilespmem:s26+$0x2010] =	vst v12;
	v10 =	vmax.f32 v6, $0.0e+00;
	v4 =	vadd.f32 v4, v9  }
0x7f: {  	v6 =	vld [tilespmem:s8+$0x7020];
	[tilespmem:s26+$0x2020] =	vst v10;
	v9 =	vmax.f32 v5, $0.0e+00;
	v3 =	vadd.f32 v3, v8  }
0x80: {  	v5 =	vld [tilespmem:s8+$0x7030];
	[tilespmem:s26+$0x2030] =	vst v9;
	v8 =	vmax.f32 v4, $0.0e+00;
	v2 =	vadd.f32 v2, v7  }
0x81: {  	v4 =	vld [tilespmem:s8+$0x7040];
	[tilespmem:s26+$0x2040] =	vst v8;
	v7 =	vmax.f32 v3, $0.0e+00;
	v1 =	vadd.f32 v1, v11  }
0x82: {  	v3 =	vld [tilespmem:s8+$0x7050];
	[tilespmem:s26+$0x2050] =	vst v7;
	v7 =	vmax.f32 v2, $0.0e+00  }
0x83: {  	v2 =	vld [tilespmem:s8+$0x7060];
	[tilespmem:s26+$0x2060] =	vst v7;
	v7 =	vmax.f32 v1, $0.0e+00  }
0x84: {  	v1 =	vld [tilespmem:s8+$0x7070];
	[tilespmem:s26+$0x2070] =	vst v7;
	s26 =	smov.u32 s8  }
0x85: {  	v7 =	vld [tilespmem:s26+$0x2000]  }
0x86: {  	v12 =	vld [tilespmem:s26+$0x2010]  }
.Ltmp1:
0x87: {  	v11 =	vld [tilespmem:s26+$0x2020];
	(pc) =	sbr.rel @p0 .LBB2_6-.Ltmp1, $4  }
0x88: {  	v10 =	vld [tilespmem:s26+$0x2030]  }
0x89: {  	v9 =	vld [tilespmem:s26+$0x2040]  }
0x8a: {  	v13 =	vadd.f32 v14, v7;
	v8 =	vld [tilespmem:s26+$0x2050]  }
0x8b: {  	s28 =	sadd.s32 $0x200, s28;
	v12 =	vadd.f32 v15, v12;
	v7 =	vld [tilespmem:s26+$0x2060]  }
0x8c: {  	v13 =	vmax.f32 v13, $0.0e+00;
	v6 =	vadd.f32 v6, v11;
	v11 =	vld [tilespmem:s26+$0x2070]  }
0x8d: {  	[tilespmem:s26+$0x2000] =	vst v13;
	v12 =	vmax.f32 v12, $0.0e+00;
	v5 =	vadd.f32 v5, v10  }
0x8e: {  	[tilespmem:s26+$0x2010] =	vst v12;
	v6 =	vmax.f32 v6, $0.0e+00;
	v4 =	vadd.f32 v4, v9  }
0x8f: {  	[tilespmem:s26+$0x2020] =	vst v6;
	v5 =	vmax.f32 v5, $0.0e+00;
	v3 =	vadd.f32 v3, v8  }
0x90: {  	[tilespmem:s26+$0x2030] =	vst v5;
	v4 =	vmax.f32 v4, $0.0e+00;
	v2 =	vadd.f32 v2, v7  }
0x91: {  	[tilespmem:s26+$0x2040] =	vst v4;
	v3 =	vmax.f32 v3, $0.0e+00;
	v1 =	vadd.f32 v1, v11  }
0x92: {  	s8 =	sshll.u32 s25, $0x8;
	[tilespmem:s26+$0x2050] =	vst v3;
	v2 =	vmax.f32 v2, $0.0e+00  }
0x93: {  	s28 =	sand.u32 $0x3FFFFF00, s8;
	[tilespmem:s26+$0x2060] =	vst v2;
	v1 =	vmax.f32 v1, $0.0e+00  }
0x94: {  	s8 =	sadd.s32 $0x1000, s28;
	[tilespmem:s26+$0x2070] =	vst v1;
	s26 =	sshll.u32 s25, $0x1  }
0x95: {  	[spmem:s1] =	stream.indirect.scatter.add.f32 [tilespmem:s30], [sflag:$0x5], $0x80, s8, s3, $0xb8;
	[tilespmem:$0x1FC00] =	vst v63  }
0x96: {  	s21 =	sadd.s32 $0x2, s26  }
0x97: {  	_ =	swait.ge [sflag:s31], $0x2800;
	s8 =	smul.u32 $0x50, s21  }
0x98: {  	s29 =	sshll.u32 s21, $0x7;
	[sflag:s31] =	ssyncset.done $0x0  }
0x99: {  	s29 =	sand.u32 $0x3FFFFF00, s29;
	[sflag:s31] =	ssyncadd.s32 $0xFFFFD800;
	s8 =	sadd.s32 s24, s8  }
0x9a: {  	[tilespmem:s30], [sflag:$0x1] =	stream.indirect.gather [hbm4b:s4+s3], $0x80, s29, s3, $0xb8;
	[tilespmem:$0x1FC00] =	vst v63  }
0x9b: {  	s8 =	sshll.u32 s8, $0x4  }
0x9c: {  	s29 =	simm.s32 $0x0;
	s8 =	sadd.s32 s5, s8  }
0x9d: {  	[tilespmem:s9], [sflag:$0x3] =	stream.linear.gather [hbm4b:s8+s29], $0x2800, $0x38;
	[tilespmem:$0x1FC00] =	vst v63  }
0x9e: {  	_ =	swait.ge [sflag:s16], $0x2800  }
0x9f: {  	[sflag:s16] =	ssyncset.done $0x0  }
0xa0: {  	[sflag:s16] =	ssyncadd.s32 $0xFFFFD800  }
0xa1: {  	_ =	swait.ge [sflag:s17], $0x2800  }
0xa2: {  	[sflag:s17] =	ssyncset.done $0x0  }
0xa3: {  	s29 =	simm.s32 $0x0;
	[sflag:s17] =	ssyncadd.s32 $0xFFFFD800  }
0xa4: {  	v7 =	vld [tilespmem:s29+$0x9800]  }
0xa5: {  	v12 =	vld [tilespmem:s29+$0x9810]  }
0xa6: {  	v6 =	vld [tilespmem:s29+$0x9820]  }
0xa7: {  	v5 =	vld [tilespmem:s29+$0x9830]  }
0xa8: {  	v4 =	vld [tilespmem:s29+$0x9840]  }
0xa9: {  	v3 =	vld [tilespmem:s29+$0x9850]  }
0xaa: {  	v2 =	vld [tilespmem:s29+$0x9860]  }
0xab: {  	v1 =	vld [tilespmem:s29+$0x9870]  }
0xac: {  	v13 =	vld [tilespmem:s29+$0x4800]  }
0xad: {  	v14 =	vld [tilespmem:s29+$0x4810]  }
0xae: {  	v11 =	vld [tilespmem:s29+$0x4820]  }
0xaf: {  	v10 =	vld [tilespmem:s29+$0x4830]  }
0xb0: {  	v9 =	vld [tilespmem:s29+$0x4840]  }
0xb1: {  	v8 =	vld [tilespmem:s29+$0x4850];
	v13 =	vadd.f32 v7, v13  }
0xb2: {  	s8 =	simm.s32 $0x200;
	v12 =	vadd.f32 v12, v14;
	v7 =	vld [tilespmem:s29+$0x4860]  }
.LBB2_8:
0xb3: {  	s21 =	sshra.s32 s8, $0x2;
	p0 =	sne.s32 s8, $0x9E00;
	v13 =	vmax.f32 v13, $0.0e+00;
	v6 =	vadd.f32 v6, v11;
	v11 =	vld [tilespmem:s29+$0x4870]  }
0xb4: {  	v14 =	vld [tilespmem:s21+$0x9800];
	[tilespmem:s29+$0x4800] =	vst v13;
	v12 =	vmax.f32 v12, $0.0e+00;
	v5 =	vadd.f32 v5, v10  }
0xb5: {  	v15 =	vld [tilespmem:s21+$0x9810];
	[tilespmem:s29+$0x4810] =	vst v12;
	v10 =	vmax.f32 v6, $0.0e+00;
	v4 =	vadd.f32 v4, v9  }
0xb6: {  	v6 =	vld [tilespmem:s21+$0x9820];
	[tilespmem:s29+$0x4820] =	vst v10;
	v9 =	vmax.f32 v5, $0.0e+00;
	v3 =	vadd.f32 v3, v8  }
0xb7: {  	v5 =	vld [tilespmem:s21+$0x9830];
	[tilespmem:s29+$0x4830] =	vst v9;
	v8 =	vmax.f32 v4, $0.0e+00;
	v2 =	vadd.f32 v2, v7  }
0xb8: {  	v4 =	vld [tilespmem:s21+$0x9840];
	[tilespmem:s29+$0x4840] =	vst v8;
	v7 =	vmax.f32 v3, $0.0e+00;
	v1 =	vadd.f32 v1, v11  }
0xb9: {  	v3 =	vld [tilespmem:s21+$0x9850];
	[tilespmem:s29+$0x4850] =	vst v7;
	v7 =	vmax.f32 v2, $0.0e+00  }
0xba: {  	v2 =	vld [tilespmem:s21+$0x9860];
	[tilespmem:s29+$0x4860] =	vst v7;
	v7 =	vmax.f32 v1, $0.0e+00  }
0xbb: {  	v1 =	vld [tilespmem:s21+$0x9870];
	[tilespmem:s29+$0x4870] =	vst v7;
	s29 =	smov.u32 s21  }
0xbc: {  	v7 =	vld [tilespmem:s29+$0x4800]  }
0xbd: {  	v12 =	vld [tilespmem:s29+$0x4810]  }
.Ltmp2:
0xbe: {  	v11 =	vld [tilespmem:s29+$0x4820];
	(pc) =	sbr.rel @p0 .LBB2_8-.Ltmp2, $4  }
0xbf: {  	v10 =	vld [tilespmem:s29+$0x4830]  }
0xc0: {  	v9 =	vld [tilespmem:s29+$0x4840]  }
0xc1: {  	v13 =	vadd.f32 v14, v7;
	v8 =	vld [tilespmem:s29+$0x4850]  }
0xc2: {  	s8 =	sadd.s32 $0x200, s8;
	v12 =	vadd.f32 v15, v12;
	v7 =	vld [tilespmem:s29+$0x4860]  }
0xc3: {  	v13 =	vmax.f32 v13, $0.0e+00;
	v6 =	vadd.f32 v6, v11;
	v63 =	vld [tilespmem:s29+$0x4870]  }
0xc4: {  	[tilespmem:s29+$0x4800] =	vst v13;
	v12 =	vmax.f32 v12, $0.0e+00;
	v5 =	vadd.f32 v5, v10  }
0xc5: {  	[tilespmem:s29+$0x4810] =	vst v12;
	v6 =	vmax.f32 v6, $0.0e+00;
	v4 =	vadd.f32 v4, v9  }
0xc6: {  	[tilespmem:s29+$0x4820] =	vst v6;
	v5 =	vmax.f32 v5, $0.0e+00;
	v3 =	vadd.f32 v3, v8  }
0xc7: {  	[tilespmem:s29+$0x4830] =	vst v5;
	v4 =	vmax.f32 v4, $0.0e+00;
	v2 =	vadd.f32 v2, v7  }
0xc8: {  	[tilespmem:s29+$0x4840] =	vst v4;
	v3 =	vmax.f32 v3, $0.0e+00;
	v1 =	vadd.f32 v1, v63  }
0xc9: {  	[tilespmem:s29+$0x4850] =	vst v3;
	v2 =	vmax.f32 v2, $0.0e+00  }
0xca: {  	p0 =	seq.s32 s25, $0xB;
	[tilespmem:s29+$0x4860] =	vst v2;
	v1 =	vmax.f32 v1, $0.0e+00  }
.Ltmp3:
0xcb: {  	s8 =	sadd.s32 $0x1080, s28;
	[tilespmem:s29+$0x4870] =	vst v1;
	(pc) =	sbr.rel @p0 .LBB2_11-.Ltmp3, $4  }
0xcc: {  	[spmem:s1] =	stream.indirect.scatter.add.f32 [tilespmem:s11], [sflag:$0x5], $0x80, s8, s3, $0xb8;
	[tilespmem:$0x1FC00] =	vst v63  }
0xcd: {  	_ =	swait.ge [sflag:s31], $0x2800  }
0xce: {  	[sflag:s31] =	ssyncset.done $0x0  }
0xcf: {  	[sflag:s31] =	ssyncadd.s32 $0xFFFFD800  }
0xd0: {  	s8 =	sadd.s32 $0x3, s26  }
0xd1: {  	s21 =	sshll.u32 s8, $0x7  }
0xd2: {  	s8 =	smul.u32 $0x50, s8;
	s21 =	sand.u32 $0x3FFFFF80, s21  }
0xd3: {  	[tilespmem:s11], [sflag:$0x2] =	stream.indirect.gather [hbm4b:s4+s3], $0x80, s21, s3, $0xb8;
	[tilespmem:$0x1FC00] =	vst v63  }
.Ltmp4:
0xd4: {  	_ = 	snop;
	(pc) =	sbr.rel .LBB2_5-.Ltmp4, $4  }
0xd5: {  	s8 =	sadd.s32 s24, s8  }
0xd6: {  	s8 =	sshll.u32 s8, $0x4  }
0xd7: {  	s25 =	sadd.s32 $0x1, s25;
	s8 =	sadd.s32 s5, s8  }
0xd8: {  	[tilespmem:s13], [sflag:$0x4] =	stream.linear.gather [hbm4b:s8+s2], $0x2800, $0x38;
	[tilespmem:$0x1FC00] =	vst v63  }
.LBB2_11:
0xd9: {  	_ =	swait.ge [sflag:s14], $0x2800  }
0xda: {  	[sflag:s14] =	ssyncset.done $0x0  }
0xdb: {  	[sflag:s14] =	ssyncadd.s32 $0xFFFFD800  }
0xdc: {  	_ =	swait.ge [sflag:s15], $0x2800  }
0xdd: {  	[sflag:s15] =	ssyncset.done $0x0  }
0xde: {  	s24 =	simm.s32 $0x0;
	[sflag:s15] =	ssyncadd.s32 $0xFFFFD800  }
0xdf: {  	v7 =	vld [tilespmem:s24+$0x7000]  }
0xe0: {  	v12 =	vld [tilespmem:s24+$0x7010]  }
0xe1: {  	v6 =	vld [tilespmem:s24+$0x7020]  }
0xe2: {  	v5 =	vld [tilespmem:s24+$0x7030]  }
0xe3: {  	v4 =	vld [tilespmem:s24+$0x7040]  }
0xe4: {  	v3 =	vld [tilespmem:s24+$0x7050]  }
0xe5: {  	v2 =	vld [tilespmem:s24+$0x7060]  }
0xe6: {  	v1 =	vld [tilespmem:s24+$0x7070]  }
0xe7: {  	v13 =	vld [tilespmem:s24+$0x2000]  }
0xe8: {  	v14 =	vld [tilespmem:s24+$0x2010]  }
0xe9: {  	v11 =	vld [tilespmem:s24+$0x2020]  }
0xea: {  	v10 =	vld [tilespmem:s24+$0x2030]  }
0xeb: {  	v9 =	vld [tilespmem:s24+$0x2040]  }
0xec: {  	v8 =	vld [tilespmem:s24+$0x2050];
	v13 =	vadd.f32 v7, v13  }
0xed: {  	s8 =	simm.s32 $0x200;
	v12 =	vadd.f32 v12, v14;
	v7 =	vld [tilespmem:s24+$0x2060]  }
.LBB2_12:
0xee: {  	s21 =	sshra.s32 s8, $0x2;
	p0 =	sne.s32 s8, $0x9E00;
	v13 =	vmax.f32 v13, $0.0e+00;
	v6 =	vadd.f32 v6, v11;
	v11 =	vld [tilespmem:s24+$0x2070]  }
0xef: {  	v14 =	vld [tilespmem:s21+$0x7000];
	[tilespmem:s24+$0x2000] =	vst v13;
	v12 =	vmax.f32 v12, $0.0e+00;
	v5 =	vadd.f32 v5, v10  }
0xf0: {  	v15 =	vld [tilespmem:s21+$0x7010];
	[tilespmem:s24+$0x2010] =	vst v12;
	v10 =	vmax.f32 v6, $0.0e+00;
	v4 =	vadd.f32 v4, v9  }
0xf1: {  	v6 =	vld [tilespmem:s21+$0x7020];
	[tilespmem:s24+$0x2020] =	vst v10;
	v9 =	vmax.f32 v5, $0.0e+00;
	v3 =	vadd.f32 v3, v8  }
0xf2: {  	v5 =	vld [tilespmem:s21+$0x7030];
	[tilespmem:s24+$0x2030] =	vst v9;
	v8 =	vmax.f32 v4, $0.0e+00;
	v2 =	vadd.f32 v2, v7  }
0xf3: {  	v4 =	vld [tilespmem:s21+$0x7040];
	[tilespmem:s24+$0x2040] =	vst v8;
	v7 =	vmax.f32 v3, $0.0e+00;
	v1 =	vadd.f32 v1, v11  }
0xf4: {  	v3 =	vld [tilespmem:s21+$0x7050];
	[tilespmem:s24+$0x2050] =	vst v7;
	v7 =	vmax.f32 v2, $0.0e+00  }
0xf5: {  	v2 =	vld [tilespmem:s21+$0x7060];
	[tilespmem:s24+$0x2060] =	vst v7;
	v7 =	vmax.f32 v1, $0.0e+00  }
0xf6: {  	v1 =	vld [tilespmem:s21+$0x7070];
	[tilespmem:s24+$0x2070] =	vst v7;
	s24 =	smov.u32 s21  }
0xf7: {  	v7 =	vld [tilespmem:s24+$0x2000]  }
0xf8: {  	v12 =	vld [tilespmem:s24+$0x2010]  }
.Ltmp5:
0xf9: {  	v11 =	vld [tilespmem:s24+$0x2020];
	(pc) =	sbr.rel @p0 .LBB2_12-.Ltmp5, $4  }
0xfa: {  	v10 =	vld [tilespmem:s24+$0x2030]  }
0xfb: {  	v9 =	vld [tilespmem:s24+$0x2040]  }
0xfc: {  	v13 =	vadd.f32 v14, v7;
	v8 =	vld [tilespmem:s24+$0x2050]  }
0xfd: {  	s8 =	sadd.s32 $0x200, s8;
	v12 =	vadd.f32 v15, v12;
	v7 =	vld [tilespmem:s24+$0x2060]  }
0xfe: {  	v13 =	vmax.f32 v13, $0.0e+00;
	v6 =	vadd.f32 v6, v11;
	v63 =	vld [tilespmem:s24+$0x2070]  }
0xff: {  	[tilespmem:s24+$0x2000] =	vst v13;
	v12 =	vmax.f32 v12, $0.0e+00;
	v5 =	vadd.f32 v5, v10  }
0x100: {  	[tilespmem:s24+$0x2010] =	vst v12;
	v6 =	vmax.f32 v6, $0.0e+00;
	v4 =	vadd.f32 v4, v9  }
0x101: {  	[tilespmem:s24+$0x2020] =	vst v6;
	v5 =	vmax.f32 v5, $0.0e+00;
	v3 =	vadd.f32 v3, v8  }
0x102: {  	[tilespmem:s24+$0x2030] =	vst v5;
	v4 =	vmax.f32 v4, $0.0e+00;
	v2 =	vadd.f32 v2, v7  }
0x103: {  	[tilespmem:s24+$0x2040] =	vst v4;
	v3 =	vmax.f32 v3, $0.0e+00;
	v1 =	vadd.f32 v1, v63  }
0x104: {  	s23 =	sadd.s32 $0x1, s23;
	[tilespmem:s24+$0x2050] =	vst v3;
	v2 =	vmax.f32 v2, $0.0e+00  }
0x105: {  	p0 =	sne.s32 s23, $0x5;
	[tilespmem:s24+$0x2060] =	vst v2;
	v1 =	vmax.f32 v1, $0.0e+00  }
.Ltmp6:
0x106: {  	[tilespmem:s24+$0x2070] =	vst v1;
	(pc) =	sbr.rel @p0 .LBB2_4-.Ltmp6, $4  }
0x107: {  	[spmem:s1] =	stream.indirect.scatter.add.f32 [tilespmem:s30], [sflag:$0x5], $0x80, s18, s3, $0xb8;
	[tilespmem:$0x1FC00] =	vst v63  }
0x108: {  	_ =	swait.ge [sflag:s31], $0x2800  }
0x109: {  	[sflag:s31] =	ssyncset.done $0x0  }
0x10a: {  	[sflag:s31] =	ssyncadd.s32 $0xFFFFD800  }
0x10b: {  	s8 =	stileid.u32;
	[bflag:$0x0] =	sbarrier.arrive $0xFFFF  }
0x10c: {  	s8 =	sshll.u32 s8, $0x6;
	s23 =	rddreg [dreg:$0x3]  }
0x10d: {  	s22 =	rddreg [dreg:$0x7];
	s8 =	sor.u32 $0x1C05, s8;
	s21 =	sshrl.u32 s23, $0x3  }
0x10e: {  	[hbm:s22], [sflag:s8] =	dma.local [spmem:s21], $0x800  }
0x10f: {  	_ =	swait.ge [sflag:s31], $0x800  }
0x110: {  	[sflag:s31] =	ssyncset.done $0x0;
	s25 =	rddreg [dreg:$0x8]  }
0x111: {  	s26 =	rddreg [dreg:$0xe];
	[sflag:s31] =	ssyncadd.s32 $0xFFFFF800  }
0x112: {  	[hbm:s25], [sflag:s8] =	dma.local [spmem:s26], $0x800  }
0x113: {  	_ =	swait.ge [sflag:s31], $0x800  }
0x114: {  	[sflag:s31] =	ssyncset.done $0x0;
	s28 =	rddreg [dreg:$0x9]  }
0x115: {  	s29 =	rddreg [dreg:$0xf];
	[sflag:s31] =	ssyncadd.s32 $0xFFFFF800  }
0x116: {  	[hbm:s28], [sflag:s8] =	dma.local [spmem:s29], $0x800  }
0x117: {  	_ =	swait.ge [sflag:s31], $0x800  }
0x118: {  	[sflag:s31] =	ssyncset.done $0x0;
	s22 =	rddreg [dreg:$0xa]  }
0x119: {  	s24 =	rddreg [dreg:$0x10];
	[sflag:s31] =	ssyncadd.s32 $0xFFFFF800  }
0x11a: {  	[hbm:s22], [sflag:s8] =	dma.local [spmem:s24], $0x800  }
0x11b: {  	_ =	swait.ge [sflag:s31], $0x800  }
0x11c: {  	[sflag:s31] =	ssyncset.done $0x0;
	s25 =	rddreg [dreg:$0xb]  }
0x11d: {  	s26 =	rddreg [dreg:$0x11];
	[sflag:s31] =	ssyncadd.s32 $0xFFFFF800  }
0x11e: {  	[hbm:s25], [sflag:s8] =	dma.local [spmem:s26], $0x780  }
0x11f: {  	_ =	swait.ge [sflag:s31], $0x780  }
0x120: {  	s28 =	rddreg [dreg:$0x15]  }
0x121: {  	s29 =	rddreg [dreg:$0xd];
	s21 =	sadd.s32 $0x1, s28  }
0x122: {  	p0 =	sne.s32 s21, s29  }
.Ltmp7:
0x123: {  	_ = 	snop;
	(pc) =	sbr.rel @p0 .LBB2_1-.Ltmp7, $3  }
0x124: {  	_ =	sdelay $0x1  }
0x125: {  	[sflag:s31] =	ssyncset.done $0x0  }
0x126: {  	[sflag:s31] =	ssyncadd.s32 $0xFFFFF880  }
0x127: {  	_ =	sfence.sel $0x180000  }
0x128: {  	[bflag:$0x0] =	sbarrier.arrive $0xFFFF  }
0x129: {  	_ =	strace $0x90000047  }
0x12a: {  	s0 =	stileid.u32;
	[bflag:$0x2] =	sbarrier.arrive $0xFFFF  }
0x12b: {  	p0 =	sne.s32 s0, $0x0;
	s0 =	rddreg [dreg:$0x2]  }
0x12c: {  	s0 =	sadd.s32 @!p0 $0x100000, s0  }
0x12d: {  	[sflag:s0] =	ssyncadd.tile.s32 @!p0 $0x1;
	_ =	shalt  }
.Lfunc_end2:
_tile_overlayer_lowered:
.L_overlay_start_2:
0x12e: {  	(tag) =	ssettag $0x2  }
0x12f: {  	s0 =	rddreg [dreg:$0x0];
	s2 =	stileid.u32  }
0x130: {  	s1 =	rddreg [dreg:$0x1];
	p0 =	sne.s32 s2, $0x0  }
0x131: {  	s3 =	rddreg [dreg:$0x2];
	[bflag:$0x3] =	sbarrier.arrive $0xFFFF;
	s2 =	simm.s32 @!p0 $0x1C05  }
0x132: {  	[timem:s3], [sflag:s2] =	dma.local @!p0 [hbm:s0], s1  }
0x133: {  	s0 =	simm.s32 @!p0 $0x5  }
0x134: {  	_ =	swait.ge @!p0 [sflag:s0], s1  }
0x135: {  	s1 =	ssub.s32 @!p0 $0x0, s1;
	[sflag:s0] =	ssyncset.done @!p0 $0x0  }
0x136: {  	[sflag:s0] =	ssyncadd.s32 @!p0 s1  }
0x137: {  	[bflag:$0x3] =	sbarrier.arrive $0xFFFF  }
0x138: {  	_ =	shalt  }

</sc_bundles>
